<compile_context>
chip_gen: v7x
topology: tpu7x:2x2x1
jax: 0.10.2.dev20260603
libtpu: 0.0.44.dev20260713+nightly
codegen_flags: <defaults>
</compile_context>

<pallas_src>
import functools

import jax
import jax.numpy as jnp
from jax import lax
from jax.experimental import pallas as pl
from jax.experimental.pallas import tpu as pltpu
from jax.experimental.pallas import tpu_sc as plsc

T = 2048
H = 1024
I = 512
E = 8
K = 2
P = T * K
BR = 256
NT = P // BR + E
NPAD = NT * BR
NW = 32
RPW = NPAD // NW
TPW = T // NW


def _router_body(l_ref, o_ref):
    logits = l_ref[...]
    col = lax.broadcasted_iota(jnp.int32, (BR, E), 1)
    m1 = jnp.max(logits, axis=1, keepdims=True)
    a1 = jnp.min(jnp.where(logits >= m1, col, 127), axis=1, keepdims=True)
    l2 = jnp.where(col == a1, -1e30, logits)
    m2 = jnp.max(l2, axis=1, keepdims=True)
    a2 = jnp.min(jnp.where(l2 >= m2, col, 127), axis=1, keepdims=True)
    s = jnp.exp(m2 - m1)
    wa = 1.0 / (1.0 + s)
    wb = s / (1.0 + s)
    o_ref[:, 0:1] = a1.astype(jnp.float32)
    o_ref[:, 1:2] = a2.astype(jnp.float32)
    o_ref[:, 2:3] = wa
    o_ref[:, 3:4] = wb


def _router(logits):
    return pl.pallas_call(
        _router_body,
        grid=(T // BR,),
        in_specs=[
            pl.BlockSpec((BR, E), lambda i: (i, 0)),
        ],
        out_specs=pl.BlockSpec((BR, 4), lambda i: (i, 0)),
        out_shape=jax.ShapeDtypeStruct((T, 4), jnp.float32),
    )(logits)


def _dispatch_body(eidx_hbm, wflat_hbm, hidden_hbm, xs_hbm, ws_hbm, pos_hbm,
                   meta_hbm, eidx_v, wfl_v, rm_v, rms_v, rm_sh, pos_v, meta_v,
                   idx_v, idx2_v, rows_v, rows2_v, wsb_v, cnt_v, wp_v,
                   gsem0, gsem1, wsem0, wsem1):
    cid = lax.axis_index("c")
    sid = lax.axis_index("s")
    wid = cid * 16 + sid

    pltpu.sync_copy(wflat_hbm, wfl_v)

    @pl.when(sid == 0)
    def _():
        pltpu.sync_copy(eidx_hbm, eidx_v)

        def zbody(i, c):
            rm_v[pl.ds(i * 16, 16)] = jnp.zeros((16,), jnp.int32)
            return c
        lax.fori_loop(0, NPAD // 16, zbody, 0)

        NQ = 4
        QC = P // 16 // NQ
        cnt_v[pl.ds(0, 16)] = jnp.zeros((16,), jnp.int32)
        def cbody(i, c):
            ch = eidx_v[pl.ds(i * 16, 16)]
            sc, scm = plsc.scan_count(ch)
            cur = plsc.load_gather(cnt_v, [ch])
            plsc.store_scatter(cnt_v, [ch], cur + sc, mask=scm)
            return c
        snaps = []
        for q in range(NQ):
            lax.fori_loop(q * QC, (q + 1) * QC, cbody, 0)
            snaps.append(cnt_v[pl.ds(0, 16)])

        counts = snaps[-1]
        padded = lax.shift_left(
            lax.shift_right_logical(counts + (BR - 1), 8), 8)
        offs = plsc.cumsum(padded) - padded
        cnt_v[pl.ds(16, 16)] = offs

        wp_v[pl.ds(0, 16)] = offs
        for q in range(1, NQ):
            wp_v[pl.ds(q * 16, 16)] = offs + snaps[q - 1]

        ones16 = jnp.full((16,), 1, jnp.int32)
        def sbody(i, pids):
            new = []
            for q in range(NQ):
                ch = eidx_v[pl.ds((q * QC + i) * 16, 16)]
                chq = ch + q * 16
                sc, scm = plsc.scan_count(ch)
                cur = plsc.load_gather(wp_v, [chq])
                rp = cur + sc - ones16
                plsc.store_scatter(rm_v, [rp], pids[q])
                plsc.store_scatter(pos_v, [pids[q]], rp)
                plsc.store_scatter(wp_v, [chq], cur + sc, mask=scm)
                new.append(pids[q] + 16)
            return tuple(new)
        lax.fori_loop(0, QC, sbody,
                      tuple(lax.iota(jnp.int32, 16) + q * QC * 16
                            for q in range(NQ)))

        pltpu.sync_copy(rm_v, rm_sh)

    plsc.subcore_barrier()

    @pl.when(wid == 0)
    def _():
        for ch in range(NW // 16):
            rowv = (lax.iota(jnp.int32, 16) + ch * 16) * BR
            ex = jnp.zeros((16,), jnp.int32)
            for e in range(1, E):
                ov = plsc.load_gather(cnt_v, [jnp.full((16,), 16 + e, jnp.int32)])
                ex = ex + (ov <= rowv).astype(jnp.int32)
            oe = plsc.load_gather(cnt_v, [ex + 16])
            ce = plsc.load_gather(cnt_v, [ex])
            meta_v[0, pl.ds(ch * 16, 16)] = ex
            meta_v[1, pl.ds(ch * 16, 16)] = (rowv - oe < ce).astype(jnp.int32)
        pltpu.sync_copy(meta_v, meta_hbm)
        pltpu.sync_copy(pos_v, pos_hbm)

    @pl.when(sid > 0)
    def _():
        k = cid * 15 + sid - 1
        lo = jnp.where(k < 12, 7 * k, 6 * k + 12)
        n = jnp.where(k < 12, 7, 6)
        pltpu.sync_copy(rm_sh, rm_v)

        def gbody(c, carry):
            rb = (lo + c) * 32
            for h in range(2):
                rm16 = rm_v[pl.ds(rb + h * 16, 16)]
                idx_v[pl.ds(h * 16, 16)] = lax.shift_right_logical(rm16, 1)
                wsb_v[pl.ds(h * 16, 16)] = plsc.load_gather(wfl_v, [rm16])
            pltpu.async_copy(hidden_hbm.at[idx_v], rows_v, gsem0).wait()
            pltpu.sync_copy(rows_v, xs_hbm.at[pl.ds(rb, 32)])
            pltpu.sync_copy(wsb_v.at[pl.ds(0, 32)], ws_hbm.at[pl.ds(rb, 32)])
            return carry
        lax.fori_loop(0, n, gbody, 0)


def _dispatch(eidx, wflat, hidden):
    mesh = plsc.VectorSubcoreMesh(core_axis_name="c", subcore_axis_name="s")
    fn = functools.partial(
        pl.kernel,
        mesh=mesh,
        out_type=[
            jax.ShapeDtypeStruct((NPAD, H), jnp.float32),
            jax.ShapeDtypeStruct((NPAD,), jnp.float32),
            jax.ShapeDtypeStruct((P,), jnp.int32),
            jax.ShapeDtypeStruct((2, NW), jnp.int32),
        ],
        scratch_types=[
            pltpu.VMEM((P,), jnp.int32),
            pltpu.VMEM((P,), jnp.float32),
            pltpu.VMEM((NPAD,), jnp.int32),
            pltpu.VMEM((RPW,), jnp.int32),
            pltpu.VMEM_SHARED((NPAD,), jnp.int32),
            pltpu.VMEM((P,), jnp.int32),
            pltpu.VMEM((2, NW), jnp.int32),
            pltpu.VMEM((32,), jnp.int32),
            pltpu.VMEM((32,), jnp.int32),
            pltpu.VMEM((32, H), jnp.float32),
            pltpu.VMEM((32, H), jnp.float32),
            pltpu.VMEM((RPW,), jnp.float32),
            pltpu.VMEM((32,), jnp.int32),
            pltpu.VMEM((64,), jnp.int32),
            pltpu.SemaphoreType.DMA,
            pltpu.SemaphoreType.DMA,
            pltpu.SemaphoreType.DMA,
            pltpu.SemaphoreType.DMA,
        ],
        compiler_params=pltpu.CompilerParams(needs_layout_passes=False),
    )(_dispatch_body)
    return fn(eidx, wflat, hidden)


def _ffn_body(meta_ref, x_ref, w1_ref, w3_ref, w2_ref, ws_ref, o_ref):
    i = pl.program_id(0)

    @pl.when(meta_ref[1, i] == 1)
    def _():
        x = x_ref[...]
        h1 = lax.dot_general(x, w1_ref[0], (((1,), (1,)), ((), ())),
                             preferred_element_type=jnp.float32)
        h3 = lax.dot_general(x, w3_ref[0], (((1,), (1,)), ((), ())),
                             preferred_element_type=jnp.float32)
        act = h1 * lax.logistic(h1) * h3
        out = lax.dot_general(act, w2_ref[0], (((1,), (1,)), ((), ())),
                              preferred_element_type=jnp.float32)
        o_ref[...] = out * ws_ref[...]


def _ffn(meta, xs, ws, w1, w3, w2):
    grid_spec = pltpu.PrefetchScalarGridSpec(
        num_scalar_prefetch=1,
        grid=(NT,),
        in_specs=[
            pl.BlockSpec((BR, H), lambda i, m: (i, 0)),
            pl.BlockSpec((1, I, H), lambda i, m: (m[0, i], 0, 0)),
            pl.BlockSpec((1, I, H), lambda i, m: (m[0, i], 0, 0)),
            pl.BlockSpec((1, H, I), lambda i, m: (m[0, i], 0, 0)),
            pl.BlockSpec((BR, 1), lambda i, m: (i, 0)),
        ],
        out_specs=pl.BlockSpec((BR, H), lambda i, m: (i, 0)),
    )
    return pl.pallas_call(
        _ffn_body,
        grid_spec=grid_spec,
        out_shape=jax.ShapeDtypeStruct((NPAD, H), jnp.float32),
    )(meta, xs, w1, w3, w2, ws.reshape(NPAD, 1))


def _combine_body(ys_hbm, pos_hbm, out_hbm, pos_v, idx_v, rows_v, acc_v, sem):
    wid = lax.axis_index("c") * 16 + lax.axis_index("s")
    tb = wid * TPW
    pltpu.sync_copy(pos_hbm.at[pl.ds(tb * K, TPW * K)], pos_v)

    for c in range(TPW // 16):
        for h in range(2):
            idx_v[pl.ds(h * 16, 16)] = pos_v[pl.ds(c * 32 + h * 16, 16)]
        pltpu.async_copy(ys_hbm.at[idx_v], rows_v, sem).wait()

        def qbody(q, cc):
            for j in range(16):
                a = rows_v[2 * j, pl.ds(q * 16, 16)]
                b = rows_v[2 * j + 1, pl.ds(q * 16, 16)]
                acc_v[j, pl.ds(q * 16, 16)] = a + b
            return cc
        lax.fori_loop(0, H // 16, qbody, 0)
        pltpu.sync_copy(acc_v, out_hbm.at[pl.ds(tb + c * 16, 16)])


def _combine(ys, pos):
    mesh = plsc.VectorSubcoreMesh(core_axis_name="c", subcore_axis_name="s")
    fn = functools.partial(
        pl.kernel,
        mesh=mesh,
        out_type=jax.ShapeDtypeStruct((T, H), jnp.float32),
        scratch_types=[
            pltpu.VMEM((TPW * K,), jnp.int32),
            pltpu.VMEM((32,), jnp.int32),
            pltpu.VMEM((32, H), jnp.float32),
            pltpu.VMEM((16, H), jnp.float32),
            pltpu.SemaphoreType.DMA,
        ],
        compiler_params=pltpu.CompilerParams(needs_layout_passes=False),
    )(_combine_body)
    return fn(ys, pos)


def kernel(hidden_states, gate_w, w1, w3, w2):
    logits = jnp.dot(hidden_states.astype(jnp.float32),
                     gate_w.astype(jnp.float32).T)
    r = _router(logits)
    eidx = r[:, 0:2].astype(jnp.int32).reshape(-1)
    wflat = r[:, 2:4].reshape(-1)
    xs, ws, pos, meta = _dispatch(eidx, wflat, hidden_states)
    ys = _ffn(meta, xs, ws, w1, w3, w2)
    return _combine(ys, pos)

# --- scband reference (transcript-rebuilt; emitter-appended) ---
"""Pipeline reference for scband-mini-max-m2-sparse-moe-block-7945689498098 (READ-ONLY COPY).

The authoritative reference and input builder live on the scoring server;
editing this copy changes nothing except your own understanding.
"""

import jax, jax.numpy as jnp
import numpy as np

NUM_TOKENS = 2048
HIDDEN = 1024
INTERMEDIATE = 512
NUM_EXPERTS = 8
TOP_K = 2


def setup_inputs(seed: int = 0) -> dict:
    key = jax.random.key(seed)
    k0, k1, k2, k3, k4 = jax.random.split(key, 5)
    hidden_states = jax.random.normal(k0, (NUM_TOKENS, HIDDEN), dtype=jnp.float32)
    # gate (router) weight: [num_experts, hidden], kept in fp32 like the module
    gate_w = jax.random.normal(k1, (NUM_EXPERTS, HIDDEN), dtype=jnp.float32) * 0.02
    # FusedMoE expert weights (SwiGLU): w1 = gate_proj, w3 = up_proj, w2 = down_proj
    w1 = jax.random.normal(k2, (NUM_EXPERTS, INTERMEDIATE, HIDDEN), dtype=jnp.float32) * 0.02
    w3 = jax.random.normal(k3, (NUM_EXPERTS, INTERMEDIATE, HIDDEN), dtype=jnp.float32) * 0.02
    w2 = jax.random.normal(k4, (NUM_EXPERTS, HIDDEN, INTERMEDIATE), dtype=jnp.float32) * 0.02
    return {"hidden_states": hidden_states, "gate_w": gate_w, "w1": w1, "w3": w3, "w2": w2}


def reference(hidden_states, gate_w, w1, w3, w2):
    # router logits computed in float32 (module casts both to float)
    router_logits = jnp.dot(hidden_states.astype(jnp.float32), gate_w.astype(jnp.float32).T)
    # scoring_func='softmax', use_grouped_topk with num_expert_group=1/topk_group=1
    # degenerates to plain top-k over softmax probabilities
    probs = jax.nn.softmax(router_logits, axis=-1)
    topk_w, topk_idx = jax.lax.top_k(probs, TOP_K)
    # renormalize=True
    topk_w = topk_w / jnp.sum(topk_w, axis=-1, keepdims=True)
    # combine weights [T, E]: weight for each expert per token (0 if not selected)
    combine = jnp.sum(
        jax.nn.one_hot(topk_idx, NUM_EXPERTS, dtype=topk_w.dtype) * topk_w[..., None],
        axis=1,
    )
    # expert FFN (SwiGLU) evaluated densely for all experts, then combined with
    # the sparse top-k weights (mathematically identical to fused dispatch)
    h1 = jnp.einsum("th,eih->tei", hidden_states, w1)
    h3 = jnp.einsum("th,eih->tei", hidden_states, w3)
    act = jax.nn.silu(h1) * h3
    expert_out = jnp.einsum("tei,ehi->teh", act, w2)
    final_hidden_states = jnp.einsum("te,teh->th", combine.astype(hidden_states.dtype), expert_out)
    return final_hidden_states

if __name__ == "__main__":
    import jax
    _d = setup_inputs()
    print(jax.jit(kernel)(*tuple(_d.values())))

</pallas_src>

<mosaic_0001>
#map = affine_map<(d0, d1) -> (0, 0)>
#map1 = affine_map<(d0, d1) -> (0)>
module attributes {stable_mosaic.version = 14 : i64} {
  func.func @_combine_body(%arg0: i32, %arg1: i32, %arg2: memref<6144x1024xf32, #tpu.memory_space<hbm>>, %arg3: memref<4096xi32, #tpu.memory_space<hbm>>, %arg4: memref<2048x1024xf32, #tpu.memory_space<hbm>>, %arg5: memref<128xi32, #tpu.memory_space<vmem>>, %arg6: memref<32xi32, #tpu.memory_space<vmem>>, %arg7: memref<32x1024xf32, #tpu.memory_space<vmem>>, %arg8: memref<16x1024xf32, #tpu.memory_space<vmem>>, %arg9: memref<!tpu.dma_semaphore, #tpu.memory_space<semaphore_mem>>) attributes {dimension_semantics = [#tpu.dimension_semantics<core_parallel>, #tpu.dimension_semantics<subcore_parallel>], iteration_bounds = array<i64: 2, 16>, scalar_prefetch = 0 : i64, scratch_operands = 5 : i64, tpu.core_type = #tpu.core_type<sc_vector_subcore>, window_params = [{transform_indices = #map}, {transform_indices = #map1}, {transform_indices = #map}]} {
    %mul3A = arith.constant 16 : i32
    %mul3A_0 = arith.muli %arg0, %mul3A : i32
    %add3A = arith.addi %mul3A_0, %arg1 : i32
    %mul3A_1 = arith.constant 64 : i32
    %mul3A_2 = arith.muli %add3A, %mul3A_1 : i32
    %mul3A_3 = arith.constant 2 : i32
    %mul3A_4 = arith.muli %mul3A_2, %mul3A_3 : i32
    "tpu.region"() ({
      %run_scoped3A = tpu.sem_alloc : memref<!tpu.dma_semaphore, #tpu.memory_space<semaphore_mem>>
      %dma_start3A_88 = tpu.memref_slice %arg3[%mul3A_4] : memref<4096xi32, #tpu.memory_space<hbm>> -> memref<128xi32, #tpu.memory_space<hbm>>
      %dma_start3A_89 = tpu.memref_slice %arg3[%mul3A_4] : memref<4096xi32, #tpu.memory_space<hbm>> -> memref<128xi32, #tpu.memory_space<hbm>>
      tpu.enqueue_dma source(%dma_start3A_89 : memref<128xi32, #tpu.memory_space<hbm>>) target(%arg5 : memref<128xi32, #tpu.memory_space<vmem>>) target_semaphore(%run_scoped3A : memref<!tpu.dma_semaphore, #tpu.memory_space<semaphore_mem>>)
      %dma_wait3A_90 = tpu.memref_slice %arg3[%mul3A_4] : memref<4096xi32, #tpu.memory_space<hbm>> -> memref<128xi32, #tpu.memory_space<hbm>>
      %dma_wait3A_91 = tpu.memref_slice %arg3[%mul3A_4] : memref<4096xi32, #tpu.memory_space<hbm>> -> memref<128xi32, #tpu.memory_space<hbm>>
      tpu.wait_dma2 semaphore(%run_scoped3A : memref<!tpu.dma_semaphore, #tpu.memory_space<semaphore_mem>>) src(%dma_wait3A_91 : memref<128xi32, #tpu.memory_space<hbm>>) dst(%arg5 : memref<128xi32, #tpu.memory_space<vmem>>)
      tpu.yield
    }) : () -> ()
    %get3A = arith.constant 0 : index
    %get3A_5 = tpu.vector_load %arg5[%get3A] {strides = array<i32>} : memref<128xi32, #tpu.memory_space<vmem>>, vector<16xi32>,
    %swap3A = arith.constant 0 : index
    %swap3A_6 = tpu.vector_load %arg6[%swap3A] {strides = array<i32>} : memref<32xi32, #tpu.memory_space<vmem>>, vector<16xi32>,
    tpu.vector_store %arg6[%swap3A], %get3A_5 {strides = array<i32>} : memref<32xi32, #tpu.memory_space<vmem>>, vector<16xi32>,
    %get3A_7 = arith.constant 16 : index
    %get3A_8 = tpu.vector_load %arg5[%get3A_7] {strides = array<i32>} : memref<128xi32, #tpu.memory_space<vmem>>, vector<16xi32>,
    %swap3A_9 = arith.constant 16 : index
    %swap3A_10 = tpu.vector_load %arg6[%swap3A_9] {strides = array<i32>} : memref<32xi32, #tpu.memory_space<vmem>>, vector<16xi32>,
    tpu.vector_store %arg6[%swap3A_9], %get3A_8 {strides = array<i32>} : memref<32xi32, #tpu.memory_space<vmem>>, vector<16xi32>,
    %dma_start3A = arith.constant 0 : i32
    %dma_start3A_11 = arith.constant 0 : i32
    %dma_start3A_12 = tpu.memref_slice %arg2[%dma_start3A, %dma_start3A_11] : memref<6144x1024xf32, #tpu.memory_space<hbm>> -> memref<6144x1024xf32, #tpu.memory_space<hbm>>
    tpu.enqueue_indirect_dma source(%dma_start3A_12 : memref<6144x1024xf32, #tpu.memory_space<hbm>>) target(%arg7 : memref<32x1024xf32, #tpu.memory_space<vmem>>) offsets(%arg6 : memref<32xi32, #tpu.memory_space<vmem>>) semaphore(%arg9 : memref<!tpu.dma_semaphore, #tpu.memory_space<semaphore_mem>>)
    %dma_wait3A = arith.constant 0 : i32
    %dma_wait3A_13 = arith.constant 0 : i32
    %dma_wait3A_14 = tpu.memref_slice %arg2[%dma_wait3A, %dma_wait3A_13] : memref<6144x1024xf32, #tpu.memory_space<hbm>> -> memref<6144x1024xf32, #tpu.memory_space<hbm>>
    tpu.wait_indirect_dma semaphore(%arg9 : memref<!tpu.dma_semaphore, #tpu.memory_space<semaphore_mem>>) src(%dma_wait3A_14 : memref<6144x1024xf32, #tpu.memory_space<hbm>>) dst(%arg7 : memref<32x1024xf32, #tpu.memory_space<vmem>>)
    %scan3A = arith.constant 0 : i32
    %scan3A_15 = arith.constant 0 : i32
    %scan3A_16 = arith.constant 64 : i32
    %scan3A_17 = arith.addi %scan3A_15, %scan3A_16 : i32
    %scan3A_18 = arith.constant 1 : i32
    scf.for %scan3A_88 = %scan3A_15 to %scan3A_17 step %scan3A_18  : i32 {
      %mul3A_89 = arith.constant 16 : i32
      %mul3A_90 = arith.muli %scan3A_88, %mul3A_89 : i32
      %get3A_91 = arith.constant 0 : i32
      %get3A_92 = arith.index_cast %get3A_91 : i32 to index
      %get3A_93 = arith.index_cast %mul3A_90 : i32 to index
      %get3A_94 = tpu.vector_load %arg7[%get3A_92, %get3A_93] {strides = array<i32>} : memref<32x1024xf32, #tpu.memory_space<vmem>>, vector<16xf32>,
      %mul3A_95 = arith.constant 16 : i32
      %mul3A_96 = arith.muli %scan3A_88, %mul3A_95 : i32
      %get3A_97 = arith.constant 1 : i32
      %get3A_98 = arith.index_cast %get3A_97 : i32 to index
      %get3A_99 = arith.index_cast %mul3A_96 : i32 to index
      %get3A_100 = tpu.vector_load %arg7[%get3A_98, %get3A_99] {strides = array<i32>} : memref<32x1024xf32, #tpu.memory_space<vmem>>, vector<16xf32>,
      %add3A_101 = arith.addf %get3A_94, %get3A_100 : vector<16xf32>
      %mul3A_102 = arith.constant 16 : i32
      %mul3A_103 = arith.muli %scan3A_88, %mul3A_102 : i32
      %swap3A_104 = arith.constant 0 : i32
      %swap3A_105 = arith.index_cast %swap3A_104 : i32 to index
      %swap3A_106 = arith.index_cast %mul3A_103 : i32 to index
      %swap3A_107 = tpu.vector_load %arg8[%swap3A_105, %swap3A_106] {strides = array<i32>} : memref<16x1024xf32, #tpu.memory_space<vmem>>, vector<16xf32>,
      tpu.vector_store %arg8[%swap3A_105, %swap3A_106], %add3A_101 {strides = array<i32>} : memref<16x1024xf32, #tpu.memory_space<vmem>>, vector<16xf32>,
      %mul3A_108 = arith.constant 16 : i32
      %mul3A_109 = arith.muli %scan3A_88, %mul3A_108 : i32
      %get3A_110 = arith.constant 2 : i32
      %get3A_111 = arith.index_cast %get3A_110 : i32 to index
      %get3A_112 = arith.index_cast %mul3A_109 : i32 to index
      %get3A_113 = tpu.vector_load %arg7[%get3A_111, %get3A_112] {strides = array<i32>} : memref<32x1024xf32, #tpu.memory_space<vmem>>, vector<16xf32>,
      %mul3A_114 = arith.constant 16 : i32
      %mul3A_115 = arith.muli %scan3A_88, %mul3A_114 : i32
      %get3A_116 = arith.constant 3 : i32
      %get3A_117 = arith.index_cast %get3A_116 : i32 to index
      %get3A_118 = arith.index_cast %mul3A_115 : i32 to index
      %get3A_119 = tpu.vector_load %arg7[%get3A_117, %get3A_118] {strides = array<i32>} : memref<32x1024xf32, #tpu.memory_space<vmem>>, vector<16xf32>,
      %add3A_120 = arith.addf %get3A_113, %get3A_119 : vector<16xf32>
      %mul3A_121 = arith.constant 16 : i32
      %mul3A_122 = arith.muli %scan3A_88, %mul3A_121 : i32
      %swap3A_123 = arith.constant 1 : i32
      %swap3A_124 = arith.index_cast %swap3A_123 : i32 to index
      %swap3A_125 = arith.index_cast %mul3A_122 : i32 to index
      %swap3A_126 = tpu.vector_load %arg8[%swap3A_124, %swap3A_125] {strides = array<i32>} : memref<16x1024xf32, #tpu.memory_space<vmem>>, vector<16xf32>,
      tpu.vector_store %arg8[%swap3A_124, %swap3A_125], %add3A_120 {strides = array<i32>} : memref<16x1024xf32, #tpu.memory_space<vmem>>, vector<16xf32>,
      %mul3A_127 = arith.constant 16 : i32
      %mul3A_128 = arith.muli %scan3A_88, %mul3A_127 : i32
      %get3A_129 = arith.constant 4 : i32
      %get3A_130 = arith.index_cast %get3A_129 : i32 to index
      %get3A_131 = arith.index_cast %mul3A_128 : i32 to index
      %get3A_132 = tpu.vector_load %arg7[%get3A_130, %get3A_131] {strides = array<i32>} : memref<32x1024xf32, #tpu.memory_space<vmem>>, vector<16xf32>,
      %mul3A_133 = arith.constant 16 : i32
      %mul3A_134 = arith.muli %scan3A_88, %mul3A_133 : i32
      %get3A_135 = arith.constant 5 : i32
      %get3A_136 = arith.index_cast %get3A_135 : i32 to index
      %get3A_137 = arith.index_cast %mul3A_134 : i32 to index
      %get3A_138 = tpu.vector_load %arg7[%get3A_136, %get3A_137] {strides = array<i32>} : memref<32x1024xf32, #tpu.memory_space<vmem>>, vector<16xf32>,
      %add3A_139 = arith.addf %get3A_132, %get3A_138 : vector<16xf32>
      %mul3A_140 = arith.constant 16 : i32
      %mul3A_141 = arith.muli %scan3A_88, %mul3A_140 : i32
      %swap3A_142 = arith.constant 2 : i32
      %swap3A_143 = arith.index_cast %swap3A_142 : i32 to index
      %swap3A_144 = arith.index_cast %mul3A_141 : i32 to index
      %swap3A_145 = tpu.vector_load %arg8[%swap3A_143, %swap3A_144] {strides = array<i32>} : memref<16x1024xf32, #tpu.memory_space<vmem>>, vector<16xf32>,
      tpu.vector_store %arg8[%swap3A_143, %swap3A_144], %add3A_139 {strides = array<i32>} : memref<16x1024xf32, #tpu.memory_space<vmem>>, vector<16xf32>,
      %mul3A_146 = arith.constant 16 : i32
      %mul3A_147 = arith.muli %scan3A_88, %mul3A_146 : i32
      %get3A_148 = arith.constant 6 : i32
      %get3A_149 = arith.index_cast %get3A_148 : i32 to index
      %get3A_150 = arith.index_cast %mul3A_147 : i32 to index
      %get3A_151 = tpu.vector_load %arg7[%get3A_149, %get3A_150] {strides = array<i32>} : memref<32x1024xf32, #tpu.memory_space<vmem>>, vector<16xf32>,
      %mul3A_152 = arith.constant 16 : i32
      %mul3A_153 = arith.muli %scan3A_88, %mul3A_152 : i32
      %get3A_154 = arith.constant 7 : i32
      %get3A_155 = arith.index_cast %get3A_154 : i32 to index
      %get3A_156 = arith.index_cast %mul3A_153 : i32 to index
      %get3A_157 = tpu.vector_load %arg7[%get3A_155, %get3A_156] {strides = array<i32>} : memref<32x1024xf32, #tpu.memory_space<vmem>>, vector<16xf32>,
      %add3A_158 = arith.addf %get3A_151, %get3A_157 : vector<16xf32>
      %mul3A_159 = arith.constant 16 : i32
      %mul3A_160 = arith.muli %scan3A_88, %mul3A_159 : i32
      %swap3A_161 = arith.constant 3 : i32
      %swap3A_162 = arith.index_cast %swap3A_161 : i32 to index
      %swap3A_163 = arith.index_cast %mul3A_160 : i32 to index
      %swap3A_164 = tpu.vector_load %arg8[%swap3A_162, %swap3A_163] {strides = array<i32>} : memref<16x1024xf32, #tpu.memory_space<vmem>>, vector<16xf32>,
      tpu.vector_store %arg8[%swap3A_162, %swap3A_163], %add3A_158 {strides = array<i32>} : memref<16x1024xf32, #tpu.memory_space<vmem>>, vector<16xf32>,
      %mul3A_165 = arith.constant 16 : i32
      %mul3A_166 = arith.muli %scan3A_88, %mul3A_165 : i32
      %get3A_167 = arith.constant 8 : i32
      %get3A_168 = arith.index_cast %get3A_167 : i32 to index
      %get3A_169 = arith.index_cast %mul3A_166 : i32 to index
      %get3A_170 = tpu.vector_load %arg7[%get3A_168, %get3A_169] {strides = array<i32>} : memref<32x1024xf32, #tpu.memory_space<vmem>>, vector<16xf32>,
      %mul3A_171 = arith.constant 16 : i32
      %mul3A_172 = arith.muli %scan3A_88, %mul3A_171 : i32
      %get3A_173 = arith.constant 9 : i32
      %get3A_174 = arith.index_cast %get3A_173 : i32 to index
      %get3A_175 = arith.index_cast %mul3A_172 : i32 to index
      %get3A_176 = tpu.vector_load %arg7[%get3A_174, %get3A_175] {strides = array<i32>} : memref<32x1024xf32, #tpu.memory_space<vmem>>, vector<16xf32>,
      %add3A_177 = arith.addf %get3A_170, %get3A_176 : vector<16xf32>
      %mul3A_178 = arith.constant 16 : i32
      %mul3A_179 = arith.muli %scan3A_88, %mul3A_178 : i32
      %swap3A_180 = arith.constant 4 : i32
      %swap3A_181 = arith.index_cast %swap3A_180 : i32 to index
      %swap3A_182 = arith.index_cast %mul3A_179 : i32 to index
      %swap3A_183 = tpu.vector_load %arg8[%swap3A_181, %swap3A_182] {strides = array<i32>} : memref<16x1024xf32, #tpu.memory_space<vmem>>, vector<16xf32>,
      tpu.vector_store %arg8[%swap3A_181, %swap3A_182], %add3A_177 {strides = array<i32>} : memref<16x1024xf32, #tpu.memory_space<vmem>>, vector<16xf32>,
      %mul3A_184 = arith.constant 16 : i32
      %mul3A_185 = arith.muli %scan3A_88, %mul3A_184 : i32
      %get3A_186 = arith.constant 10 : i32
      %get3A_187 = arith.index_cast %get3A_186 : i32 to index
      %get3A_188 = arith.index_cast %mul3A_185 : i32 to index
      %get3A_189 = tpu.vector_load %arg7[%get3A_187, %get3A_188] {strides = array<i32>} : memref<32x1024xf32, #tpu.memory_space<vmem>>, vector<16xf32>,
      %mul3A_190 = arith.constant 16 : i32
      %mul3A_191 = arith.muli %scan3A_88, %mul3A_190 : i32
      %get3A_192 = arith.constant 11 : i32
      %get3A_193 = arith.index_cast %get3A_192 : i32 to index
      %get3A_194 = arith.index_cast %mul3A_191 : i32 to index
      %get3A_195 = tpu.vector_load %arg7[%get3A_193, %get3A_194] {strides = array<i32>} : memref<32x1024xf32, #tpu.memory_space<vmem>>, vector<16xf32>,
      %add3A_196 = arith.addf %get3A_189, %get3A_195 : vector<16xf32>
      %mul3A_197 = arith.constant 16 : i32
      %mul3A_198 = arith.muli %scan3A_88, %mul3A_197 : i32
      %swap3A_199 = arith.constant 5 : i32
      %swap3A_200 = arith.index_cast %swap3A_199 : i32 to index
      %swap3A_201 = arith.index_cast %mul3A_198 : i32 to index
      %swap3A_202 = tpu.vector_load %arg8[%swap3A_200, %swap3A_201] {strides = array<i32>} : memref<16x1024xf32, #tpu.memory_space<vmem>>, vector<16xf32>,
      tpu.vector_store %arg8[%swap3A_200, %swap3A_201], %add3A_196 {strides = array<i32>} : memref<16x1024xf32, #tpu.memory_space<vmem>>, vector<16xf32>,
      %mul3A_203 = arith.constant 16 : i32
      %mul3A_204 = arith.muli %scan3A_88, %mul3A_203 : i32
      %get3A_205 = arith.constant 12 : i32
      %get3A_206 = arith.index_cast %get3A_205 : i32 to index
      %get3A_207 = arith.index_cast %mul3A_204 : i32 to index
      %get3A_208 = tpu.vector_load %arg7[%get3A_206, %get3A_207] {strides = array<i32>} : memref<32x1024xf32, #tpu.memory_space<vmem>>, vector<16xf32>,
      %mul3A_209 = arith.constant 16 : i32
      %mul3A_210 = arith.muli %scan3A_88, %mul3A_209 : i32
      %get3A_211 = arith.constant 13 : i32
      %get3A_212 = arith.index_cast %get3A_211 : i32 to index
      %get3A_213 = arith.index_cast %mul3A_210 : i32 to index
      %get3A_214 = tpu.vector_load %arg7[%get3A_212, %get3A_213] {strides = array<i32>} : memref<32x1024xf32, #tpu.memory_space<vmem>>, vector<16xf32>,
      %add3A_215 = arith.addf %get3A_208, %get3A_214 : vector<16xf32>
      %mul3A_216 = arith.constant 16 : i32
      %mul3A_217 = arith.muli %scan3A_88, %mul3A_216 : i32
      %swap3A_218 = arith.constant 6 : i32
      %swap3A_219 = arith.index_cast %swap3A_218 : i32 to index
      %swap3A_220 = arith.index_cast %mul3A_217 : i32 to index
      %swap3A_221 = tpu.vector_load %arg8[%swap3A_219, %swap3A_220] {strides = array<i32>} : memref<16x1024xf32, #tpu.memory_space<vmem>>, vector<16xf32>,
      tpu.vector_store %arg8[%swap3A_219, %swap3A_220], %add3A_215 {strides = array<i32>} : memref<16x1024xf32, #tpu.memory_space<vmem>>, vector<16xf32>,
      %mul3A_222 = arith.constant 16 : i32
      %mul3A_223 = arith.muli %scan3A_88, %mul3A_222 : i32
      %get3A_224 = arith.constant 14 : i32
      %get3A_225 = arith.index_cast %get3A_224 : i32 to index
      %get3A_226 = arith.index_cast %mul3A_223 : i32 to index
      %get3A_227 = tpu.vector_load %arg7[%get3A_225, %get3A_226] {strides = array<i32>} : memref<32x1024xf32, #tpu.memory_space<vmem>>, vector<16xf32>,
      %mul3A_228 = arith.constant 16 : i32
      %mul3A_229 = arith.muli %scan3A_88, %mul3A_228 : i32
      %get3A_230 = arith.constant 15 : i32
      %get3A_231 = arith.index_cast %get3A_230 : i32 to index
      %get3A_232 = arith.index_cast %mul3A_229 : i32 to index
      %get3A_233 = tpu.vector_load %arg7[%get3A_231, %get3A_232] {strides = array<i32>} : memref<32x1024xf32, #tpu.memory_space<vmem>>, vector<16xf32>,
      %add3A_234 = arith.addf %get3A_227, %get3A_233 : vector<16xf32>
      %mul3A_235 = arith.constant 16 : i32
      %mul3A_236 = arith.muli %scan3A_88, %mul3A_235 : i32
      %swap3A_237 = arith.constant 7 : i32
      %swap3A_238 = arith.index_cast %swap3A_237 : i32 to index
      %swap3A_239 = arith.index_cast %mul3A_236 : i32 to index
      %swap3A_240 = tpu.vector_load %arg8[%swap3A_238, %swap3A_239] {strides = array<i32>} : memref<16x1024xf32, #tpu.memory_space<vmem>>, vector<16xf32>,
      tpu.vector_store %arg8[%swap3A_238, %swap3A_239], %add3A_234 {strides = array<i32>} : memref<16x1024xf32, #tpu.memory_space<vmem>>, vector<16xf32>,
      %mul3A_241 = arith.constant 16 : i32
      %mul3A_242 = arith.muli %scan3A_88, %mul3A_241 : i32
      %get3A_243 = arith.constant 16 : i32
      %get3A_244 = arith.index_cast %get3A_243 : i32 to index
      %get3A_245 = arith.index_cast %mul3A_242 : i32 to index
      %get3A_246 = tpu.vector_load %arg7[%get3A_244, %get3A_245] {strides = array<i32>} : memref<32x1024xf32, #tpu.memory_space<vmem>>, vector<16xf32>,
      %mul3A_247 = arith.constant 16 : i32
      %mul3A_248 = arith.muli %scan3A_88, %mul3A_247 : i32
      %get3A_249 = arith.constant 17 : i32
      %get3A_250 = arith.index_cast %get3A_249 : i32 to index
      %get3A_251 = arith.index_cast %mul3A_248 : i32 to index
      %get3A_252 = tpu.vector_load %arg7[%get3A_250, %get3A_251] {strides = array<i32>} : memref<32x1024xf32, #tpu.memory_space<vmem>>, vector<16xf32>,
      %add3A_253 = arith.addf %get3A_246, %get3A_252 : vector<16xf32>
      %mul3A_254 = arith.constant 16 : i32
      %mul3A_255 = arith.muli %scan3A_88, %mul3A_254 : i32
      %swap3A_256 = arith.constant 8 : i32
      %swap3A_257 = arith.index_cast %swap3A_256 : i32 to index
      %swap3A_258 = arith.index_cast %mul3A_255 : i32 to index
      %swap3A_259 = tpu.vector_load %arg8[%swap3A_257, %swap3A_258] {strides = array<i32>} : memref<16x1024xf32, #tpu.memory_space<vmem>>, vector<16xf32>,
      tpu.vector_store %arg8[%swap3A_257, %swap3A_258], %add3A_253 {strides = array<i32>} : memref<16x1024xf32, #tpu.memory_space<vmem>>, vector<16xf32>,
      %mul3A_260 = arith.constant 16 : i32
      %mul3A_261 = arith.muli %scan3A_88, %mul3A_260 : i32
      %get3A_262 = arith.constant 18 : i32
      %get3A_263 = arith.index_cast %get3A_262 : i32 to index
      %get3A_264 = arith.index_cast %mul3A_261 : i32 to index
      %get3A_265 = tpu.vector_load %arg7[%get3A_263, %get3A_264] {strides = array<i32>} : memref<32x1024xf32, #tpu.memory_space<vmem>>, vector<16xf32>,
      %mul3A_266 = arith.constant 16 : i32
      %mul3A_267 = arith.muli %scan3A_88, %mul3A_266 : i32
      %get3A_268 = arith.constant 19 : i32
      %get3A_269 = arith.index_cast %get3A_268 : i32 to index
      %get3A_270 = arith.index_cast %mul3A_267 : i32 to index
      %get3A_271 = tpu.vector_load %arg7[%get3A_269, %get3A_270] {strides = array<i32>} : memref<32x1024xf32, #tpu.memory_space<vmem>>, vector<16xf32>,
      %add3A_272 = arith.addf %get3A_265, %get3A_271 : vector<16xf32>
      %mul3A_273 = arith.constant 16 : i32
      %mul3A_274 = arith.muli %scan3A_88, %mul3A_273 : i32
      %swap3A_275 = arith.constant 9 : i32
      %swap3A_276 = arith.index_cast %swap3A_275 : i32 to index
      %swap3A_277 = arith.index_cast %mul3A_274 : i32 to index
      %swap3A_278 = tpu.vector_load %arg8[%swap3A_276, %swap3A_277] {strides = array<i32>} : memref<16x1024xf32, #tpu.memory_space<vmem>>, vector<16xf32>,
      tpu.vector_store %arg8[%swap3A_276, %swap3A_277], %add3A_272 {strides = array<i32>} : memref<16x1024xf32, #tpu.memory_space<vmem>>, vector<16xf32>,
      %mul3A_279 = arith.constant 16 : i32
      %mul3A_280 = arith.muli %scan3A_88, %mul3A_279 : i32
      %get3A_281 = arith.constant 20 : i32
      %get3A_282 = arith.index_cast %get3A_281 : i32 to index
      %get3A_283 = arith.index_cast %mul3A_280 : i32 to index
      %get3A_284 = tpu.vector_load %arg7[%get3A_282, %get3A_283] {strides = array<i32>} : memref<32x1024xf32, #tpu.memory_space<vmem>>, vector<16xf32>,
      %mul3A_285 = arith.constant 16 : i32
      %mul3A_286 = arith.muli %scan3A_88, %mul3A_285 : i32
      %get3A_287 = arith.constant 21 : i32
      %get3A_288 = arith.index_cast %get3A_287 : i32 to index
      %get3A_289 = arith.index_cast %mul3A_286 : i32 to index
      %get3A_290 = tpu.vector_load %arg7[%get3A_288, %get3A_289] {strides = array<i32>} : memref<32x1024xf32, #tpu.memory_space<vmem>>, vector<16xf32>,
      %add3A_291 = arith.addf %get3A_284, %get3A_290 : vector<16xf32>
      %mul3A_292 = arith.constant 16 : i32
      %mul3A_293 = arith.muli %scan3A_88, %mul3A_292 : i32
      %swap3A_294 = arith.constant 10 : i32
      %swap3A_295 = arith.index_cast %swap3A_294 : i32 to index
      %swap3A_296 = arith.index_cast %mul3A_293 : i32 to index
      %swap3A_297 = tpu.vector_load %arg8[%swap3A_295, %swap3A_296] {strides = array<i32>} : memref<16x1024xf32, #tpu.memory_space<vmem>>, vector<16xf32>,
      tpu.vector_store %arg8[%swap3A_295, %swap3A_296], %add3A_291 {strides = array<i32>} : memref<16x1024xf32, #tpu.memory_space<vmem>>, vector<16xf32>,
      %mul3A_298 = arith.constant 16 : i32
      %mul3A_299 = arith.muli %scan3A_88, %mul3A_298 : i32
      %get3A_300 = arith.constant 22 : i32
      %get3A_301 = arith.index_cast %get3A_300 : i32 to index
      %get3A_302 = arith.index_cast %mul3A_299 : i32 to index
      %get3A_303 = tpu.vector_load %arg7[%get3A_301, %get3A_302] {strides = array<i32>} : memref<32x1024xf32, #tpu.memory_space<vmem>>, vector<16xf32>,
      %mul3A_304 = arith.constant 16 : i32
      %mul3A_305 = arith.muli %scan3A_88, %mul3A_304 : i32
      %get3A_306 = arith.constant 23 : i32
      %get3A_307 = arith.index_cast %get3A_306 : i32 to index
      %get3A_308 = arith.index_cast %mul3A_305 : i32 to index
      %get3A_309 = tpu.vector_load %arg7[%get3A_307, %get3A_308] {strides = array<i32>} : memref<32x1024xf32, #tpu.memory_space<vmem>>, vector<16xf32>,
      %add3A_310 = arith.addf %get3A_303, %get3A_309 : vector<16xf32>
      %mul3A_311 = arith.constant 16 : i32
      %mul3A_312 = arith.muli %scan3A_88, %mul3A_311 : i32
      %swap3A_313 = arith.constant 11 : i32
      %swap3A_314 = arith.index_cast %swap3A_313 : i32 to index
      %swap3A_315 = arith.index_cast %mul3A_312 : i32 to index
      %swap3A_316 = tpu.vector_load %arg8[%swap3A_314, %swap3A_315] {strides = array<i32>} : memref<16x1024xf32, #tpu.memory_space<vmem>>, vector<16xf32>,
      tpu.vector_store %arg8[%swap3A_314, %swap3A_315], %add3A_310 {strides = array<i32>} : memref<16x1024xf32, #tpu.memory_space<vmem>>, vector<16xf32>,
      %mul3A_317 = arith.constant 16 : i32
      %mul3A_318 = arith.muli %scan3A_88, %mul3A_317 : i32
      %get3A_319 = arith.constant 24 : i32
      %get3A_320 = arith.index_cast %get3A_319 : i32 to index
      %get3A_321 = arith.index_cast %mul3A_318 : i32 to index
      %get3A_322 = tpu.vector_load %arg7[%get3A_320, %get3A_321] {strides = array<i32>} : memref<32x1024xf32, #tpu.memory_space<vmem>>, vector<16xf32>,
      %mul3A_323 = arith.constant 16 : i32
      %mul3A_324 = arith.muli %scan3A_88, %mul3A_323 : i32
      %get3A_325 = arith.constant 25 : i32
      %get3A_326 = arith.index_cast %get3A_325 : i32 to index
      %get3A_327 = arith.index_cast %mul3A_324 : i32 to index
      %get3A_328 = tpu.vector_load %arg7[%get3A_326, %get3A_327] {strides = array<i32>} : memref<32x1024xf32, #tpu.memory_space<vmem>>, vector<16xf32>,
      %add3A_329 = arith.addf %get3A_322, %get3A_328 : vector<16xf32>
      %mul3A_330 = arith.constant 16 : i32
      %mul3A_331 = arith.muli %scan3A_88, %mul3A_330 : i32
      %swap3A_332 = arith.constant 12 : i32
      %swap3A_333 = arith.index_cast %swap3A_332 : i32 to index
      %swap3A_334 = arith.index_cast %mul3A_331 : i32 to index
      %swap3A_335 = tpu.vector_load %arg8[%swap3A_333, %swap3A_334] {strides = array<i32>} : memref<16x1024xf32, #tpu.memory_space<vmem>>, vector<16xf32>,
      tpu.vector_store %arg8[%swap3A_333, %swap3A_334], %add3A_329 {strides = array<i32>} : memref<16x1024xf32, #tpu.memory_space<vmem>>, vector<16xf32>,
      %mul3A_336 = arith.constant 16 : i32
      %mul3A_337 = arith.muli %scan3A_88, %mul3A_336 : i32
      %get3A_338 = arith.constant 26 : i32
      %get3A_339 = arith.index_cast %get3A_338 : i32 to index
      %get3A_340 = arith.index_cast %mul3A_337 : i32 to index
      %get3A_341 = tpu.vector_load %arg7[%get3A_339, %get3A_340] {strides = array<i32>} : memref<32x1024xf32, #tpu.memory_space<vmem>>, vector<16xf32>,
      %mul3A_342 = arith.constant 16 : i32
      %mul3A_343 = arith.muli %scan3A_88, %mul3A_342 : i32
      %get3A_344 = arith.constant 27 : i32
      %get3A_345 = arith.index_cast %get3A_344 : i32 to index
      %get3A_346 = arith.index_cast %mul3A_343 : i32 to index
      %get3A_347 = tpu.vector_load %arg7[%get3A_345, %get3A_346] {strides = array<i32>} : memref<32x1024xf32, #tpu.memory_space<vmem>>, vector<16xf32>,
      %add3A_348 = arith.addf %get3A_341, %get3A_347 : vector<16xf32>
      %mul3A_349 = arith.constant 16 : i32
      %mul3A_350 = arith.muli %scan3A_88, %mul3A_349 : i32
      %swap3A_351 = arith.constant 13 : i32
      %swap3A_352 = arith.index_cast %swap3A_351 : i32 to index
      %swap3A_353 = arith.index_cast %mul3A_350 : i32 to index
      %swap3A_354 = tpu.vector_load %arg8[%swap3A_352, %swap3A_353] {strides = array<i32>} : memref<16x1024xf32, #tpu.memory_space<vmem>>, vector<16xf32>,
      tpu.vector_store %arg8[%swap3A_352, %swap3A_353], %add3A_348 {strides = array<i32>} : memref<16x1024xf32, #tpu.memory_space<vmem>>, vector<16xf32>,
      %mul3A_355 = arith.constant 16 : i32
      %mul3A_356 = arith.muli %scan3A_88, %mul3A_355 : i32
      %get3A_357 = arith.constant 28 : i32
      %get3A_358 = arith.index_cast %get3A_357 : i32 to index
      %get3A_359 = arith.index_cast %mul3A_356 : i32 to index
      %get3A_360 = tpu.vector_load %arg7[%get3A_358, %get3A_359] {strides = array<i32>} : memref<32x1024xf32, #tpu.memory_space<vmem>>, vector<16xf32>,
      %mul3A_361 = arith.constant 16 : i32
      %mul3A_362 = arith.muli %scan3A_88, %mul3A_361 : i32
      %get3A_363 = arith.constant 29 : i32
      %get3A_364 = arith.index_cast %get3A_363 : i32 to index
      %get3A_365 = arith.index_cast %mul3A_362 : i32 to index
      %get3A_366 = tpu.vector_load %arg7[%get3A_364, %get3A_365] {strides = array<i32>} : memref<32x1024xf32, #tpu.memory_space<vmem>>, vector<16xf32>,
      %add3A_367 = arith.addf %get3A_360, %get3A_366 : vector<16xf32>
      %mul3A_368 = arith.constant 16 : i32
      %mul3A_369 = arith.muli %scan3A_88, %mul3A_368 : i32
      %swap3A_370 = arith.constant 14 : i32
      %swap3A_371 = arith.index_cast %swap3A_370 : i32 to index
      %swap3A_372 = arith.index_cast %mul3A_369 : i32 to index
      %swap3A_373 = tpu.vector_load %arg8[%swap3A_371, %swap3A_372] {strides = array<i32>} : memref<16x1024xf32, #tpu.memory_space<vmem>>, vector<16xf32>,
      tpu.vector_store %arg8[%swap3A_371, %swap3A_372], %add3A_367 {strides = array<i32>} : memref<16x1024xf32, #tpu.memory_space<vmem>>, vector<16xf32>,
      %mul3A_374 = arith.constant 16 : i32
      %mul3A_375 = arith.muli %scan3A_88, %mul3A_374 : i32
      %get3A_376 = arith.constant 30 : i32
      %get3A_377 = arith.index_cast %get3A_376 : i32 to index
      %get3A_378 = arith.index_cast %mul3A_375 : i32 to index
      %get3A_379 = tpu.vector_load %arg7[%get3A_377, %get3A_378] {strides = array<i32>} : memref<32x1024xf32, #tpu.memory_space<vmem>>, vector<16xf32>,
      %mul3A_380 = arith.constant 16 : i32
      %mul3A_381 = arith.muli %scan3A_88, %mul3A_380 : i32
      %get3A_382 = arith.constant 31 : i32
      %get3A_383 = arith.index_cast %get3A_382 : i32 to index
      %get3A_384 = arith.index_cast %mul3A_381 : i32 to index
      %get3A_385 = tpu.vector_load %arg7[%get3A_383, %get3A_384] {strides = array<i32>} : memref<32x1024xf32, #tpu.memory_space<vmem>>, vector<16xf32>,
      %add3A_386 = arith.addf %get3A_379, %get3A_385 : vector<16xf32>
      %mul3A_387 = arith.constant 16 : i32
      %mul3A_388 = arith.muli %scan3A_88, %mul3A_387 : i32
      %swap3A_389 = arith.constant 15 : i32
      %swap3A_390 = arith.index_cast %swap3A_389 : i32 to index
      %swap3A_391 = arith.index_cast %mul3A_388 : i32 to index
      %swap3A_392 = tpu.vector_load %arg8[%swap3A_390, %swap3A_391] {strides = array<i32>} : memref<16x1024xf32, #tpu.memory_space<vmem>>, vector<16xf32>,
      tpu.vector_store %arg8[%swap3A_390, %swap3A_391], %add3A_386 {strides = array<i32>} : memref<16x1024xf32, #tpu.memory_space<vmem>>, vector<16xf32>,
    }
    %scan3A_19 = arith.constant 64 : i32
    %add3A_20 = arith.constant 0 : i32
    %add3A_21 = arith.addi %mul3A_2, %add3A_20 : i32
    "tpu.region"() ({
      %run_scoped3A = tpu.sem_alloc : memref<!tpu.dma_semaphore, #tpu.memory_space<semaphore_mem>>
      %dma_start3A_88 = arith.constant 0 : i32
      %dma_start3A_89 = tpu.memref_slice %arg4[%add3A_21, %dma_start3A_88] : memref<2048x1024xf32, #tpu.memory_space<hbm>> -> memref<16x1024xf32, #tpu.memory_space<hbm>>
      %dma_start3A_90 = arith.constant 0 : i32
      %dma_start3A_91 = tpu.memref_slice %arg4[%add3A_21, %dma_start3A_90] : memref<2048x1024xf32, #tpu.memory_space<hbm>> -> memref<16x1024xf32, #tpu.memory_space<hbm>>
      tpu.enqueue_dma source(%arg8 : memref<16x1024xf32, #tpu.memory_space<vmem>>) target(%dma_start3A_91 : memref<16x1024xf32, #tpu.memory_space<hbm>>) target_semaphore(%run_scoped3A : memref<!tpu.dma_semaphore, #tpu.memory_space<semaphore_mem>>)
      %dma_wait3A_92 = arith.constant 0 : i32
      %dma_wait3A_93 = tpu.memref_slice %arg4[%add3A_21, %dma_wait3A_92] : memref<2048x1024xf32, #tpu.memory_space<hbm>> -> memref<16x1024xf32, #tpu.memory_space<hbm>>
      %dma_wait3A_94 = arith.constant 0 : i32
      %dma_wait3A_95 = tpu.memref_slice %arg4[%add3A_21, %dma_wait3A_94] : memref<2048x1024xf32, #tpu.memory_space<hbm>> -> memref<16x1024xf32, #tpu.memory_space<hbm>>
      tpu.wait_dma2 semaphore(%run_scoped3A : memref<!tpu.dma_semaphore, #tpu.memory_space<semaphore_mem>>) src(%arg8 : memref<16x1024xf32, #tpu.memory_space<vmem>>) dst(%dma_wait3A_95 : memref<16x1024xf32, #tpu.memory_space<hbm>>)
      tpu.yield
    }) : () -> ()
    %get3A_22 = arith.constant 32 : index
    %get3A_23 = tpu.vector_load %arg5[%get3A_22] {strides = array<i32>} : memref<128xi32, #tpu.memory_space<vmem>>, vector<16xi32>,
    %swap3A_24 = arith.constant 0 : index
    %swap3A_25 = tpu.vector_load %arg6[%swap3A_24] {strides = array<i32>} : memref<32xi32, #tpu.memory_space<vmem>>, vector<16xi32>,
    tpu.vector_store %arg6[%swap3A_24], %get3A_23 {strides = array<i32>} : memref<32xi32, #tpu.memory_space<vmem>>, vector<16xi32>,
    %get3A_26 = arith.constant 48 : index
    %get3A_27 = tpu.vector_load %arg5[%get3A_26] {strides = array<i32>} : memref<128xi32, #tpu.memory_space<vmem>>, vector<16xi32>,
    %swap3A_28 = arith.constant 16 : index
    %swap3A_29 = tpu.vector_load %arg6[%swap3A_28] {strides = array<i32>} : memref<32xi32, #tpu.memory_space<vmem>>, vector<16xi32>,
    tpu.vector_store %arg6[%swap3A_28], %get3A_27 {strides = array<i32>} : memref<32xi32, #tpu.memory_space<vmem>>, vector<16xi32>,
    %dma_start3A_30 = arith.constant 0 : i32
    %dma_start3A_31 = arith.constant 0 : i32
    %dma_start3A_32 = tpu.memref_slice %arg2[%dma_start3A_30, %dma_start3A_31] : memref<6144x1024xf32, #tpu.memory_space<hbm>> -> memref<6144x1024xf32, #tpu.memory_space<hbm>>
    tpu.enqueue_indirect_dma source(%dma_start3A_32 : memref<6144x1024xf32, #tpu.memory_space<hbm>>) target(%arg7 : memref<32x1024xf32, #tpu.memory_space<vmem>>) offsets(%arg6 : memref<32xi32, #tpu.memory_space<vmem>>) semaphore(%arg9 : memref<!tpu.dma_semaphore, #tpu.memory_space<semaphore_mem>>)
    %dma_wait3A_33 = arith.constant 0 : i32
    %dma_wait3A_34 = arith.constant 0 : i32
    %dma_wait3A_35 = tpu.memref_slice %arg2[%dma_wait3A_33, %dma_wait3A_34] : memref<6144x1024xf32, #tpu.memory_space<hbm>> -> memref<6144x1024xf32, #tpu.memory_space<hbm>>
    tpu.wait_indirect_dma semaphore(%arg9 : memref<!tpu.dma_semaphore, #tpu.memory_space<semaphore_mem>>) src(%dma_wait3A_35 : memref<6144x1024xf32, #tpu.memory_space<hbm>>) dst(%arg7 : memref<32x1024xf32, #tpu.memory_space<vmem>>)
    %scan3A_36 = arith.constant 0 : i32
    %scan3A_37 = arith.constant 0 : i32
    %scan3A_38 = arith.constant 64 : i32
    %scan3A_39 = arith.addi %scan3A_37, %scan3A_38 : i32
    %scan3A_40 = arith.constant 1 : i32
    scf.for %scan3A_88 = %scan3A_37 to %scan3A_39 step %scan3A_40  : i32 {
      %mul3A_89 = arith.constant 16 : i32
      %mul3A_90 = arith.muli %scan3A_88, %mul3A_89 : i32
      %get3A_91 = arith.constant 0 : i32
      %get3A_92 = arith.index_cast %get3A_91 : i32 to index
      %get3A_93 = arith.index_cast %mul3A_90 : i32 to index
      %get3A_94 = tpu.vector_load %arg7[%get3A_92, %get3A_93] {strides = array<i32>} : memref<32x1024xf32, #tpu.memory_space<vmem>>, vector<16xf32>,
      %mul3A_95 = arith.constant 16 : i32
      %mul3A_96 = arith.muli %scan3A_88, %mul3A_95 : i32
      %get3A_97 = arith.constant 1 : i32
      %get3A_98 = arith.index_cast %get3A_97 : i32 to index
      %get3A_99 = arith.index_cast %mul3A_96 : i32 to index
      %get3A_100 = tpu.vector_load %arg7[%get3A_98, %get3A_99] {strides = array<i32>} : memref<32x1024xf32, #tpu.memory_space<vmem>>, vector<16xf32>,
      %add3A_101 = arith.addf %get3A_94, %get3A_100 : vector<16xf32>
      %mul3A_102 = arith.constant 16 : i32
      %mul3A_103 = arith.muli %scan3A_88, %mul3A_102 : i32
      %swap3A_104 = arith.constant 0 : i32
      %swap3A_105 = arith.index_cast %swap3A_104 : i32 to index
      %swap3A_106 = arith.index_cast %mul3A_103 : i32 to index
      %swap3A_107 = tpu.vector_load %arg8[%swap3A_105, %swap3A_106] {strides = array<i32>} : memref<16x1024xf32, #tpu.memory_space<vmem>>, vector<16xf32>,
      tpu.vector_store %arg8[%swap3A_105, %swap3A_106], %add3A_101 {strides = array<i32>} : memref<16x1024xf32, #tpu.memory_space<vmem>>, vector<16xf32>,
      %mul3A_108 = arith.constant 16 : i32
      %mul3A_109 = arith.muli %scan3A_88, %mul3A_108 : i32
      %get3A_110 = arith.constant 2 : i32
      %get3A_111 = arith.index_cast %get3A_110 : i32 to index
      %get3A_112 = arith.index_cast %mul3A_109 : i32 to index
      %get3A_113 = tpu.vector_load %arg7[%get3A_111, %get3A_112] {strides = array<i32>} : memref<32x1024xf32, #tpu.memory_space<vmem>>, vector<16xf32>,
      %mul3A_114 = arith.constant 16 : i32
      %mul3A_115 = arith.muli %scan3A_88, %mul3A_114 : i32
      %get3A_116 = arith.constant 3 : i32
      %get3A_117 = arith.index_cast %get3A_116 : i32 to index
      %get3A_118 = arith.index_cast %mul3A_115 : i32 to index
      %get3A_119 = tpu.vector_load %arg7[%get3A_117, %get3A_118] {strides = array<i32>} : memref<32x1024xf32, #tpu.memory_space<vmem>>, vector<16xf32>,
      %add3A_120 = arith.addf %get3A_113, %get3A_119 : vector<16xf32>
      %mul3A_121 = arith.constant 16 : i32
      %mul3A_122 = arith.muli %scan3A_88, %mul3A_121 : i32
      %swap3A_123 = arith.constant 1 : i32
      %swap3A_124 = arith.index_cast %swap3A_123 : i32 to index
      %swap3A_125 = arith.index_cast %mul3A_122 : i32 to index
      %swap3A_126 = tpu.vector_load %arg8[%swap3A_124, %swap3A_125] {strides = array<i32>} : memref<16x1024xf32, #tpu.memory_space<vmem>>, vector<16xf32>,
      tpu.vector_store %arg8[%swap3A_124, %swap3A_125], %add3A_120 {strides = array<i32>} : memref<16x1024xf32, #tpu.memory_space<vmem>>, vector<16xf32>,
      %mul3A_127 = arith.constant 16 : i32
      %mul3A_128 = arith.muli %scan3A_88, %mul3A_127 : i32
      %get3A_129 = arith.constant 4 : i32
      %get3A_130 = arith.index_cast %get3A_129 : i32 to index
      %get3A_131 = arith.index_cast %mul3A_128 : i32 to index
      %get3A_132 = tpu.vector_load %arg7[%get3A_130, %get3A_131] {strides = array<i32>} : memref<32x1024xf32, #tpu.memory_space<vmem>>, vector<16xf32>,
      %mul3A_133 = arith.constant 16 : i32
      %mul3A_134 = arith.muli %scan3A_88, %mul3A_133 : i32
      %get3A_135 = arith.constant 5 : i32
      %get3A_136 = arith.index_cast %get3A_135 : i32 to index
      %get3A_137 = arith.index_cast %mul3A_134 : i32 to index
      %get3A_138 = tpu.vector_load %arg7[%get3A_136, %get3A_137] {strides = array<i32>} : memref<32x1024xf32, #tpu.memory_space<vmem>>, vector<16xf32>,
      %add3A_139 = arith.addf %get3A_132, %get3A_138 : vector<16xf32>
      %mul3A_140 = arith.constant 16 : i32
      %mul3A_141 = arith.muli %scan3A_88, %mul3A_140 : i32
      %swap3A_142 = arith.constant 2 : i32
      %swap3A_143 = arith.index_cast %swap3A_142 : i32 to index
      %swap3A_144 = arith.index_cast %mul3A_141 : i32 to index
      %swap3A_145 = tpu.vector_load %arg8[%swap3A_143, %swap3A_144] {strides = array<i32>} : memref<16x1024xf32, #tpu.memory_space<vmem>>, vector<16xf32>,
      tpu.vector_store %arg8[%swap3A_143, %swap3A_144], %add3A_139 {strides = array<i32>} : memref<16x1024xf32, #tpu.memory_space<vmem>>, vector<16xf32>,
      %mul3A_146 = arith.constant 16 : i32
      %mul3A_147 = arith.muli %scan3A_88, %mul3A_146 : i32
      %get3A_148 = arith.constant 6 : i32
      %get3A_149 = arith.index_cast %get3A_148 : i32 to index
      %get3A_150 = arith.index_cast %mul3A_147 : i32 to index
      %get3A_151 = tpu.vector_load %arg7[%get3A_149, %get3A_150] {strides = array<i32>} : memref<32x1024xf32, #tpu.memory_space<vmem>>, vector<16xf32>,
      %mul3A_152 = arith.constant 16 : i32
      %mul3A_153 = arith.muli %scan3A_88, %mul3A_152 : i32
      %get3A_154 = arith.constant 7 : i32
      %get3A_155 = arith.index_cast %get3A_154 : i32 to index
      %get3A_156 = arith.index_cast %mul3A_153 : i32 to index
      %get3A_157 = tpu.vector_load %arg7[%get3A_155, %get3A_156] {strides = array<i32>} : memref<32x1024xf32, #tpu.memory_space<vmem>>, vector<16xf32>,
      %add3A_158 = arith.addf %get3A_151, %get3A_157 : vector<16xf32>
      %mul3A_159 = arith.constant 16 : i32
      %mul3A_160 = arith.muli %scan3A_88, %mul3A_159 : i32
      %swap3A_161 = arith.constant 3 : i32
      %swap3A_162 = arith.index_cast %swap3A_161 : i32 to index
      %swap3A_163 = arith.index_cast %mul3A_160 : i32 to index
      %swap3A_164 = tpu.vector_load %arg8[%swap3A_162, %swap3A_163] {strides = array<i32>} : memref<16x1024xf32, #tpu.memory_space<vmem>>, vector<16xf32>,
      tpu.vector_store %arg8[%swap3A_162, %swap3A_163], %add3A_158 {strides = array<i32>} : memref<16x1024xf32, #tpu.memory_space<vmem>>, vector<16xf32>,
      %mul3A_165 = arith.constant 16 : i32
      %mul3A_166 = arith.muli %scan3A_88, %mul3A_165 : i32
      %get3A_167 = arith.constant 8 : i32
      %get3A_168 = arith.index_cast %get3A_167 : i32 to index
      %get3A_169 = arith.index_cast %mul3A_166 : i32 to index
      %get3A_170 = tpu.vector_load %arg7[%get3A_168, %get3A_169] {strides = array<i32>} : memref<32x1024xf32, #tpu.memory_space<vmem>>, vector<16xf32>,
      %mul3A_171 = arith.constant 16 : i32
      %mul3A_172 = arith.muli %scan3A_88, %mul3A_171 : i32
      %get3A_173 = arith.constant 9 : i32
      %get3A_174 = arith.index_cast %get3A_173 : i32 to index
      %get3A_175 = arith.index_cast %mul3A_172 : i32 to index
      %get3A_176 = tpu.vector_load %arg7[%get3A_174, %get3A_175] {strides = array<i32>} : memref<32x1024xf32, #tpu.memory_space<vmem>>, vector<16xf32>,
      %add3A_177 = arith.addf %get3A_170, %get3A_176 : vector<16xf32>
      %mul3A_178 = arith.constant 16 : i32
      %mul3A_179 = arith.muli %scan3A_88, %mul3A_178 : i32
      %swap3A_180 = arith.constant 4 : i32
      %swap3A_181 = arith.index_cast %swap3A_180 : i32 to index
      %swap3A_182 = arith.index_cast %mul3A_179 : i32 to index
      %swap3A_183 = tpu.vector_load %arg8[%swap3A_181, %swap3A_182] {strides = array<i32>} : memref<16x1024xf32, #tpu.memory_space<vmem>>, vector<16xf32>,
      tpu.vector_store %arg8[%swap3A_181, %swap3A_182], %add3A_177 {strides = array<i32>} : memref<16x1024xf32, #tpu.memory_space<vmem>>, vector<16xf32>,
      %mul3A_184 = arith.constant 16 : i32
      %mul3A_185 = arith.muli %scan3A_88, %mul3A_184 : i32
      %get3A_186 = arith.constant 10 : i32
      %get3A_187 = arith.index_cast %get3A_186 : i32 to index
      %get3A_188 = arith.index_cast %mul3A_185 : i32 to index
      %get3A_189 = tpu.vector_load %arg7[%get3A_187, %get3A_188] {strides = array<i32>} : memref<32x1024xf32, #tpu.memory_space<vmem>>, vector<16xf32>,
      %mul3A_190 = arith.constant 16 : i32
      %mul3A_191 = arith.muli %scan3A_88, %mul3A_190 : i32
      %get3A_192 = arith.constant 11 : i32
      %get3A_193 = arith.index_cast %get3A_192 : i32 to index
      %get3A_194 = arith.index_cast %mul3A_191 : i32 to index
      %get3A_195 = tpu.vector_load %arg7[%get3A_193, %get3A_194] {strides = array<i32>} : memref<32x1024xf32, #tpu.memory_space<vmem>>, vector<16xf32>,
      %add3A_196 = arith.addf %get3A_189, %get3A_195 : vector<16xf32>
      %mul3A_197 = arith.constant 16 : i32
      %mul3A_198 = arith.muli %scan3A_88, %mul3A_197 : i32
      %swap3A_199 = arith.constant 5 : i32
      %swap3A_200 = arith.index_cast %swap3A_199 : i32 to index
      %swap3A_201 = arith.index_cast %mul3A_198 : i32 to index
      %swap3A_202 = tpu.vector_load %arg8[%swap3A_200, %swap3A_201] {strides = array<i32>} : memref<16x1024xf32, #tpu.memory_space<vmem>>, vector<16xf32>,
      tpu.vector_store %arg8[%swap3A_200, %swap3A_201], %add3A_196 {strides = array<i32>} : memref<16x1024xf32, #tpu.memory_space<vmem>>, vector<16xf32>,
      %mul3A_203 = arith.constant 16 : i32
      %mul3A_204 = arith.muli %scan3A_88, %mul3A_203 : i32
      %get3A_205 = arith.constant 12 : i32
      %get3A_206 = arith.index_cast %get3A_205 : i32 to index
      %get3A_207 = arith.index_cast %mul3A_204 : i32 to index
      %get3A_208 = tpu.vector_load %arg7[%get3A_206, %get3A_207] {strides = array<i32>} : memref<32x1024xf32, #tpu.memory_space<vmem>>, vector<16xf32>,
      %mul3A_209 = arith.constant 16 : i32
      %mul3A_210 = arith.muli %scan3A_88, %mul3A_209 : i32
      %get3A_211 = arith.constant 13 : i32
      %get3A_212 = arith.index_cast %get3A_211 : i32 to index
      %get3A_213 = arith.index_cast %mul3A_210 : i32 to index
      %get3A_214 = tpu.vector_load %arg7[%get3A_212, %get3A_213] {strides = array<i32>} : memref<32x1024xf32, #tpu.memory_space<vmem>>, vector<16xf32>,
      %add3A_215 = arith.addf %get3A_208, %get3A_214 : vector<16xf32>
      %mul3A_216 = arith.constant 16 : i32
      %mul3A_217 = arith.muli %scan3A_88, %mul3A_216 : i32
      %swap3A_218 = arith.constant 6 : i32
      %swap3A_219 = arith.index_cast %swap3A_218 : i32 to index
      %swap3A_220 = arith.index_cast %mul3A_217 : i32 to index
      %swap3A_221 = tpu.vector_load %arg8[%swap3A_219, %swap3A_220] {strides = array<i32>} : memref<16x1024xf32, #tpu.memory_space<vmem>>, vector<16xf32>,
      tpu.vector_store %arg8[%swap3A_219, %swap3A_220], %add3A_215 {strides = array<i32>} : memref<16x1024xf32, #tpu.memory_space<vmem>>, vector<16xf32>,
      %mul3A_222 = arith.constant 16 : i32
      %mul3A_223 = arith.muli %scan3A_88, %mul3A_222 : i32
      %get3A_224 = arith.constant 14 : i32
      %get3A_225 = arith.index_cast %get3A_224 : i32 to index
      %get3A_226 = arith.index_cast %mul3A_223 : i32 to index
      %get3A_227 = tpu.vector_load %arg7[%get3A_225, %get3A_226] {strides = array<i32>} : memref<32x1024xf32, #tpu.memory_space<vmem>>, vector<16xf32>,
      %mul3A_228 = arith.constant 16 : i32
      %mul3A_229 = arith.muli %scan3A_88, %mul3A_228 : i32
      %get3A_230 = arith.constant 15 : i32
      %get3A_231 = arith.index_cast %get3A_230 : i32 to index
      %get3A_232 = arith.index_cast %mul3A_229 : i32 to index
      %get3A_233 = tpu.vector_load %arg7[%get3A_231, %get3A_232] {strides = array<i32>} : memref<32x1024xf32, #tpu.memory_space<vmem>>, vector<16xf32>,
      %add3A_234 = arith.addf %get3A_227, %get3A_233 : vector<16xf32>
      %mul3A_235 = arith.constant 16 : i32
      %mul3A_236 = arith.muli %scan3A_88, %mul3A_235 : i32
      %swap3A_237 = arith.constant 7 : i32
      %swap3A_238 = arith.index_cast %swap3A_237 : i32 to index
      %swap3A_239 = arith.index_cast %mul3A_236 : i32 to index
      %swap3A_240 = tpu.vector_load %arg8[%swap3A_238, %swap3A_239] {strides = array<i32>} : memref<16x1024xf32, #tpu.memory_space<vmem>>, vector<16xf32>,
      tpu.vector_store %arg8[%swap3A_238, %swap3A_239], %add3A_234 {strides = array<i32>} : memref<16x1024xf32, #tpu.memory_space<vmem>>, vector<16xf32>,
      %mul3A_241 = arith.constant 16 : i32
      %mul3A_242 = arith.muli %scan3A_88, %mul3A_241 : i32
      %get3A_243 = arith.constant 16 : i32
      %get3A_244 = arith.index_cast %get3A_243 : i32 to index
      %get3A_245 = arith.index_cast %mul3A_242 : i32 to index
      %get3A_246 = tpu.vector_load %arg7[%get3A_244, %get3A_245] {strides = array<i32>} : memref<32x1024xf32, #tpu.memory_space<vmem>>, vector<16xf32>,
      %mul3A_247 = arith.constant 16 : i32
      %mul3A_248 = arith.muli %scan3A_88, %mul3A_247 : i32
      %get3A_249 = arith.constant 17 : i32
      %get3A_250 = arith.index_cast %get3A_249 : i32 to index
      %get3A_251 = arith.index_cast %mul3A_248 : i32 to index
      %get3A_252 = tpu.vector_load %arg7[%get3A_250, %get3A_251] {strides = array<i32>} : memref<32x1024xf32, #tpu.memory_space<vmem>>, vector<16xf32>,
      %add3A_253 = arith.addf %get3A_246, %get3A_252 : vector<16xf32>
      %mul3A_254 = arith.constant 16 : i32
      %mul3A_255 = arith.muli %scan3A_88, %mul3A_254 : i32
      %swap3A_256 = arith.constant 8 : i32
      %swap3A_257 = arith.index_cast %swap3A_256 : i32 to index
      %swap3A_258 = arith.index_cast %mul3A_255 : i32 to index
      %swap3A_259 = tpu.vector_load %arg8[%swap3A_257, %swap3A_258] {strides = array<i32>} : memref<16x1024xf32, #tpu.memory_space<vmem>>, vector<16xf32>,
      tpu.vector_store %arg8[%swap3A_257, %swap3A_258], %add3A_253 {strides = array<i32>} : memref<16x1024xf32, #tpu.memory_space<vmem>>, vector<16xf32>,
      %mul3A_260 = arith.constant 16 : i32
      %mul3A_261 = arith.muli %scan3A_88, %mul3A_260 : i32
      %get3A_262 = arith.constant 18 : i32
      %get3A_263 = arith.index_cast %get3A_262 : i32 to index
      %get3A_264 = arith.index_cast %mul3A_261 : i32 to index
      %get3A_265 = tpu.vector_load %arg7[%get3A_263, %get3A_264] {strides = array<i32>} : memref<32x1024xf32, #tpu.memory_space<vmem>>, vector<16xf32>,
      %mul3A_266 = arith.constant 16 : i32
      %mul3A_267 = arith.muli %scan3A_88, %mul3A_266 : i32
      %get3A_268 = arith.constant 19 : i32
      %get3A_269 = arith.index_cast %get3A_268 : i32 to index
      %get3A_270 = arith.index_cast %mul3A_267 : i32 to index
      %get3A_271 = tpu.vector_load %arg7[%get3A_269, %get3A_270] {strides = array<i32>} : memref<32x1024xf32, #tpu.memory_space<vmem>>, vector<16xf32>,
      %add3A_272 = arith.addf %get3A_265, %get3A_271 : vector<16xf32>
      %mul3A_273 = arith.constant 16 : i32
      %mul3A_274 = arith.muli %scan3A_88, %mul3A_273 : i32
      %swap3A_275 = arith.constant 9 : i32
      %swap3A_276 = arith.index_cast %swap3A_275 : i32 to index
      %swap3A_277 = arith.index_cast %mul3A_274 : i32 to index
      %swap3A_278 = tpu.vector_load %arg8[%swap3A_276, %swap3A_277] {strides = array<i32>} : memref<16x1024xf32, #tpu.memory_space<vmem>>, vector<16xf32>,
      tpu.vector_store %arg8[%swap3A_276, %swap3A_277], %add3A_272 {strides = array<i32>} : memref<16x1024xf32, #tpu.memory_space<vmem>>, vector<16xf32>,
      %mul3A_279 = arith.constant 16 : i32
      %mul3A_280 = arith.muli %scan3A_88, %mul3A_279 : i32
      %get3A_281 = arith.constant 20 : i32
      %get3A_282 = arith.index_cast %get3A_281 : i32 to index
      %get3A_283 = arith.index_cast %mul3A_280 : i32 to index
      %get3A_284 = tpu.vector_load %arg7[%get3A_282, %get3A_283] {strides = array<i32>} : memref<32x1024xf32, #tpu.memory_space<vmem>>, vector<16xf32>,
      %mul3A_285 = arith.constant 16 : i32
      %mul3A_286 = arith.muli %scan3A_88, %mul3A_285 : i32
      %get3A_287 = arith.constant 21 : i32
      %get3A_288 = arith.index_cast %get3A_287 : i32 to index
      %get3A_289 = arith.index_cast %mul3A_286 : i32 to index
      %get3A_290 = tpu.vector_load %arg7[%get3A_288, %get3A_289] {strides = array<i32>} : memref<32x1024xf32, #tpu.memory_space<vmem>>, vector<16xf32>,
      %add3A_291 = arith.addf %get3A_284, %get3A_290 : vector<16xf32>
      %mul3A_292 = arith.constant 16 : i32
      %mul3A_293 = arith.muli %scan3A_88, %mul3A_292 : i32
      %swap3A_294 = arith.constant 10 : i32
      %swap3A_295 = arith.index_cast %swap3A_294 : i32 to index
      %swap3A_296 = arith.index_cast %mul3A_293 : i32 to index
      %swap3A_297 = tpu.vector_load %arg8[%swap3A_295, %swap3A_296] {strides = array<i32>} : memref<16x1024xf32, #tpu.memory_space<vmem>>, vector<16xf32>,
      tpu.vector_store %arg8[%swap3A_295, %swap3A_296], %add3A_291 {strides = array<i32>} : memref<16x1024xf32, #tpu.memory_space<vmem>>, vector<16xf32>,
      %mul3A_298 = arith.constant 16 : i32
      %mul3A_299 = arith.muli %scan3A_88, %mul3A_298 : i32
      %get3A_300 = arith.constant 22 : i32
      %get3A_301 = arith.index_cast %get3A_300 : i32 to index
      %get3A_302 = arith.index_cast %mul3A_299 : i32 to index
      %get3A_303 = tpu.vector_load %arg7[%get3A_301, %get3A_302] {strides = array<i32>} : memref<32x1024xf32, #tpu.memory_space<vmem>>, vector<16xf32>,
      %mul3A_304 = arith.constant 16 : i32
      %mul3A_305 = arith.muli %scan3A_88, %mul3A_304 : i32
      %get3A_306 = arith.constant 23 : i32
      %get3A_307 = arith.index_cast %get3A_306 : i32 to index
      %get3A_308 = arith.index_cast %mul3A_305 : i32 to index
      %get3A_309 = tpu.vector_load %arg7[%get3A_307, %get3A_308] {strides = array<i32>} : memref<32x1024xf32, #tpu.memory_space<vmem>>, vector<16xf32>,
      %add3A_310 = arith.addf %get3A_303, %get3A_309 : vector<16xf32>
      %mul3A_311 = arith.constant 16 : i32
      %mul3A_312 = arith.muli %scan3A_88, %mul3A_311 : i32
      %swap3A_313 = arith.constant 11 : i32
      %swap3A_314 = arith.index_cast %swap3A_313 : i32 to index
      %swap3A_315 = arith.index_cast %mul3A_312 : i32 to index
      %swap3A_316 = tpu.vector_load %arg8[%swap3A_314, %swap3A_315] {strides = array<i32>} : memref<16x1024xf32, #tpu.memory_space<vmem>>, vector<16xf32>,
      tpu.vector_store %arg8[%swap3A_314, %swap3A_315], %add3A_310 {strides = array<i32>} : memref<16x1024xf32, #tpu.memory_space<vmem>>, vector<16xf32>,
      %mul3A_317 = arith.constant 16 : i32
      %mul3A_318 = arith.muli %scan3A_88, %mul3A_317 : i32
      %get3A_319 = arith.constant 24 : i32
      %get3A_320 = arith.index_cast %get3A_319 : i32 to index
      %get3A_321 = arith.index_cast %mul3A_318 : i32 to index
      %get3A_322 = tpu.vector_load %arg7[%get3A_320, %get3A_321] {strides = array<i32>} : memref<32x1024xf32, #tpu.memory_space<vmem>>, vector<16xf32>,
      %mul3A_323 = arith.constant 16 : i32
      %mul3A_324 = arith.muli %scan3A_88, %mul3A_323 : i32
      %get3A_325 = arith.constant 25 : i32
      %get3A_326 = arith.index_cast %get3A_325 : i32 to index
      %get3A_327 = arith.index_cast %mul3A_324 : i32 to index
      %get3A_328 = tpu.vector_load %arg7[%get3A_326, %get3A_327] {strides = array<i32>} : memref<32x1024xf32, #tpu.memory_space<vmem>>, vector<16xf32>,
      %add3A_329 = arith.addf %get3A_322, %get3A_328 : vector<16xf32>
      %mul3A_330 = arith.constant 16 : i32
      %mul3A_331 = arith.muli %scan3A_88, %mul3A_330 : i32
      %swap3A_332 = arith.constant 12 : i32
      %swap3A_333 = arith.index_cast %swap3A_332 : i32 to index
      %swap3A_334 = arith.index_cast %mul3A_331 : i32 to index
      %swap3A_335 = tpu.vector_load %arg8[%swap3A_333, %swap3A_334] {strides = array<i32>} : memref<16x1024xf32, #tpu.memory_space<vmem>>, vector<16xf32>,
      tpu.vector_store %arg8[%swap3A_333, %swap3A_334], %add3A_329 {strides = array<i32>} : memref<16x1024xf32, #tpu.memory_space<vmem>>, vector<16xf32>,
      %mul3A_336 = arith.constant 16 : i32
      %mul3A_337 = arith.muli %scan3A_88, %mul3A_336 : i32
      %get3A_338 = arith.constant 26 : i32
      %get3A_339 = arith.index_cast %get3A_338 : i32 to index
      %get3A_340 = arith.index_cast %mul3A_337 : i32 to index
      %get3A_341 = tpu.vector_load %arg7[%get3A_339, %get3A_340] {strides = array<i32>} : memref<32x1024xf32, #tpu.memory_space<vmem>>, vector<16xf32>,
      %mul3A_342 = arith.constant 16 : i32
      %mul3A_343 = arith.muli %scan3A_88, %mul3A_342 : i32
      %get3A_344 = arith.constant 27 : i32
      %get3A_345 = arith.index_cast %get3A_344 : i32 to index
      %get3A_346 = arith.index_cast %mul3A_343 : i32 to index
      %get3A_347 = tpu.vector_load %arg7[%get3A_345, %get3A_346] {strides = array<i32>} : memref<32x1024xf32, #tpu.memory_space<vmem>>, vector<16xf32>,
      %add3A_348 = arith.addf %get3A_341, %get3A_347 : vector<16xf32>
      %mul3A_349 = arith.constant 16 : i32
      %mul3A_350 = arith.muli %scan3A_88, %mul3A_349 : i32
      %swap3A_351 = arith.constant 13 : i32
      %swap3A_352 = arith.index_cast %swap3A_351 : i32 to index
      %swap3A_353 = arith.index_cast %mul3A_350 : i32 to index
      %swap3A_354 = tpu.vector_load %arg8[%swap3A_352, %swap3A_353] {strides = array<i32>} : memref<16x1024xf32, #tpu.memory_space<vmem>>, vector<16xf32>,
      tpu.vector_store %arg8[%swap3A_352, %swap3A_353], %add3A_348 {strides = array<i32>} : memref<16x1024xf32, #tpu.memory_space<vmem>>, vector<16xf32>,
      %mul3A_355 = arith.constant 16 : i32
      %mul3A_356 = arith.muli %scan3A_88, %mul3A_355 : i32
      %get3A_357 = arith.constant 28 : i32
      %get3A_358 = arith.index_cast %get3A_357 : i32 to index
      %get3A_359 = arith.index_cast %mul3A_356 : i32 to index
      %get3A_360 = tpu.vector_load %arg7[%get3A_358, %get3A_359] {strides = array<i32>} : memref<32x1024xf32, #tpu.memory_space<vmem>>, vector<16xf32>,
      %mul3A_361 = arith.constant 16 : i32
      %mul3A_362 = arith.muli %scan3A_88, %mul3A_361 : i32
      %get3A_363 = arith.constant 29 : i32
      %get3A_364 = arith.index_cast %get3A_363 : i32 to index
      %get3A_365 = arith.index_cast %mul3A_362 : i32 to index
      %get3A_366 = tpu.vector_load %arg7[%get3A_364, %get3A_365] {strides = array<i32>} : memref<32x1024xf32, #tpu.memory_space<vmem>>, vector<16xf32>,
      %add3A_367 = arith.addf %get3A_360, %get3A_366 : vector<16xf32>
      %mul3A_368 = arith.constant 16 : i32
      %mul3A_369 = arith.muli %scan3A_88, %mul3A_368 : i32
      %swap3A_370 = arith.constant 14 : i32
      %swap3A_371 = arith.index_cast %swap3A_370 : i32 to index
      %swap3A_372 = arith.index_cast %mul3A_369 : i32 to index
      %swap3A_373 = tpu.vector_load %arg8[%swap3A_371, %swap3A_372] {strides = array<i32>} : memref<16x1024xf32, #tpu.memory_space<vmem>>, vector<16xf32>,
      tpu.vector_store %arg8[%swap3A_371, %swap3A_372], %add3A_367 {strides = array<i32>} : memref<16x1024xf32, #tpu.memory_space<vmem>>, vector<16xf32>,
      %mul3A_374 = arith.constant 16 : i32
      %mul3A_375 = arith.muli %scan3A_88, %mul3A_374 : i32
      %get3A_376 = arith.constant 30 : i32
      %get3A_377 = arith.index_cast %get3A_376 : i32 to index
      %get3A_378 = arith.index_cast %mul3A_375 : i32 to index
      %get3A_379 = tpu.vector_load %arg7[%get3A_377, %get3A_378] {strides = array<i32>} : memref<32x1024xf32, #tpu.memory_space<vmem>>, vector<16xf32>,
      %mul3A_380 = arith.constant 16 : i32
      %mul3A_381 = arith.muli %scan3A_88, %mul3A_380 : i32
      %get3A_382 = arith.constant 31 : i32
      %get3A_383 = arith.index_cast %get3A_382 : i32 to index
      %get3A_384 = arith.index_cast %mul3A_381 : i32 to index
      %get3A_385 = tpu.vector_load %arg7[%get3A_383, %get3A_384] {strides = array<i32>} : memref<32x1024xf32, #tpu.memory_space<vmem>>, vector<16xf32>,
      %add3A_386 = arith.addf %get3A_379, %get3A_385 : vector<16xf32>
      %mul3A_387 = arith.constant 16 : i32
      %mul3A_388 = arith.muli %scan3A_88, %mul3A_387 : i32
      %swap3A_389 = arith.constant 15 : i32
      %swap3A_390 = arith.index_cast %swap3A_389 : i32 to index
      %swap3A_391 = arith.index_cast %mul3A_388 : i32 to index
      %swap3A_392 = tpu.vector_load %arg8[%swap3A_390, %swap3A_391] {strides = array<i32>} : memref<16x1024xf32, #tpu.memory_space<vmem>>, vector<16xf32>,
      tpu.vector_store %arg8[%swap3A_390, %swap3A_391], %add3A_386 {strides = array<i32>} : memref<16x1024xf32, #tpu.memory_space<vmem>>, vector<16xf32>,
    }
    %scan3A_41 = arith.constant 64 : i32
    %add3A_42 = arith.constant 16 : i32
    %add3A_43 = arith.addi %mul3A_2, %add3A_42 : i32
    "tpu.region"() ({
      %run_scoped3A = tpu.sem_alloc : memref<!tpu.dma_semaphore, #tpu.memory_space<semaphore_mem>>
      %dma_start3A_88 = arith.constant 0 : i32
      %dma_start3A_89 = tpu.memref_slice %arg4[%add3A_43, %dma_start3A_88] : memref<2048x1024xf32, #tpu.memory_space<hbm>> -> memref<16x1024xf32, #tpu.memory_space<hbm>>
      %dma_start3A_90 = arith.constant 0 : i32
      %dma_start3A_91 = tpu.memref_slice %arg4[%add3A_43, %dma_start3A_90] : memref<2048x1024xf32, #tpu.memory_space<hbm>> -> memref<16x1024xf32, #tpu.memory_space<hbm>>
      tpu.enqueue_dma source(%arg8 : memref<16x1024xf32, #tpu.memory_space<vmem>>) target(%dma_start3A_91 : memref<16x1024xf32, #tpu.memory_space<hbm>>) target_semaphore(%run_scoped3A : memref<!tpu.dma_semaphore, #tpu.memory_space<semaphore_mem>>)
      %dma_wait3A_92 = arith.constant 0 : i32
      %dma_wait3A_93 = tpu.memref_slice %arg4[%add3A_43, %dma_wait3A_92] : memref<2048x1024xf32, #tpu.memory_space<hbm>> -> memref<16x1024xf32, #tpu.memory_space<hbm>>
      %dma_wait3A_94 = arith.constant 0 : i32
      %dma_wait3A_95 = tpu.memref_slice %arg4[%add3A_43, %dma_wait3A_94] : memref<2048x1024xf32, #tpu.memory_space<hbm>> -> memref<16x1024xf32, #tpu.memory_space<hbm>>
      tpu.wait_dma2 semaphore(%run_scoped3A : memref<!tpu.dma_semaphore, #tpu.memory_space<semaphore_mem>>) src(%arg8 : memref<16x1024xf32, #tpu.memory_space<vmem>>) dst(%dma_wait3A_95 : memref<16x1024xf32, #tpu.memory_space<hbm>>)
      tpu.yield
    }) : () -> ()
    %get3A_44 = arith.constant 64 : index
    %get3A_45 = tpu.vector_load %arg5[%get3A_44] {strides = array<i32>} : memref<128xi32, #tpu.memory_space<vmem>>, vector<16xi32>,
    %swap3A_46 = arith.constant 0 : index
    %swap3A_47 = tpu.vector_load %arg6[%swap3A_46] {strides = array<i32>} : memref<32xi32, #tpu.memory_space<vmem>>, vector<16xi32>,
    tpu.vector_store %arg6[%swap3A_46], %get3A_45 {strides = array<i32>} : memref<32xi32, #tpu.memory_space<vmem>>, vector<16xi32>,
    %get3A_48 = arith.constant 80 : index
    %get3A_49 = tpu.vector_load %arg5[%get3A_48] {strides = array<i32>} : memref<128xi32, #tpu.memory_space<vmem>>, vector<16xi32>,
    %swap3A_50 = arith.constant 16 : index
    %swap3A_51 = tpu.vector_load %arg6[%swap3A_50] {strides = array<i32>} : memref<32xi32, #tpu.memory_space<vmem>>, vector<16xi32>,
    tpu.vector_store %arg6[%swap3A_50], %get3A_49 {strides = array<i32>} : memref<32xi32, #tpu.memory_space<vmem>>, vector<16xi32>,
    %dma_start3A_52 = arith.constant 0 : i32
    %dma_start3A_53 = arith.constant 0 : i32
    %dma_start3A_54 = tpu.memref_slice %arg2[%dma_start3A_52, %dma_start3A_53] : memref<6144x1024xf32, #tpu.memory_space<hbm>> -> memref<6144x1024xf32, #tpu.memory_space<hbm>>
    tpu.enqueue_indirect_dma source(%dma_start3A_54 : memref<6144x1024xf32, #tpu.memory_space<hbm>>) target(%arg7 : memref<32x1024xf32, #tpu.memory_space<vmem>>) offsets(%arg6 : memref<32xi32, #tpu.memory_space<vmem>>) semaphore(%arg9 : memref<!tpu.dma_semaphore, #tpu.memory_space<semaphore_mem>>)
    %dma_wait3A_55 = arith.constant 0 : i32
    %dma_wait3A_56 = arith.constant 0 : i32
    %dma_wait3A_57 = tpu.memref_slice %arg2[%dma_wait3A_55, %dma_wait3A_56] : memref<6144x1024xf32, #tpu.memory_space<hbm>> -> memref<6144x1024xf32, #tpu.memory_space<hbm>>
    tpu.wait_indirect_dma semaphore(%arg9 : memref<!tpu.dma_semaphore, #tpu.memory_space<semaphore_mem>>) src(%dma_wait3A_57 : memref<6144x1024xf32, #tpu.memory_space<hbm>>) dst(%arg7 : memref<32x1024xf32, #tpu.memory_space<vmem>>)
    %scan3A_58 = arith.constant 0 : i32
    %scan3A_59 = arith.constant 0 : i32
    %scan3A_60 = arith.constant 64 : i32
    %scan3A_61 = arith.addi %scan3A_59, %scan3A_60 : i32
    %scan3A_62 = arith.constant 1 : i32
    scf.for %scan3A_88 = %scan3A_59 to %scan3A_61 step %scan3A_62  : i32 {
      %mul3A_89 = arith.constant 16 : i32
      %mul3A_90 = arith.muli %scan3A_88, %mul3A_89 : i32
      %get3A_91 = arith.constant 0 : i32
      %get3A_92 = arith.index_cast %get3A_91 : i32 to index
      %get3A_93 = arith.index_cast %mul3A_90 : i32 to index
      %get3A_94 = tpu.vector_load %arg7[%get3A_92, %get3A_93] {strides = array<i32>} : memref<32x1024xf32, #tpu.memory_space<vmem>>, vector<16xf32>,
      %mul3A_95 = arith.constant 16 : i32
      %mul3A_96 = arith.muli %scan3A_88, %mul3A_95 : i32
      %get3A_97 = arith.constant 1 : i32
      %get3A_98 = arith.index_cast %get3A_97 : i32 to index
      %get3A_99 = arith.index_cast %mul3A_96 : i32 to index
      %get3A_100 = tpu.vector_load %arg7[%get3A_98, %get3A_99] {strides = array<i32>} : memref<32x1024xf32, #tpu.memory_space<vmem>>, vector<16xf32>,
      %add3A_101 = arith.addf %get3A_94, %get3A_100 : vector<16xf32>
      %mul3A_102 = arith.constant 16 : i32
      %mul3A_103 = arith.muli %scan3A_88, %mul3A_102 : i32
      %swap3A_104 = arith.constant 0 : i32
      %swap3A_105 = arith.index_cast %swap3A_104 : i32 to index
      %swap3A_106 = arith.index_cast %mul3A_103 : i32 to index
      %swap3A_107 = tpu.vector_load %arg8[%swap3A_105, %swap3A_106] {strides = array<i32>} : memref<16x1024xf32, #tpu.memory_space<vmem>>, vector<16xf32>,
      tpu.vector_store %arg8[%swap3A_105, %swap3A_106], %add3A_101 {strides = array<i32>} : memref<16x1024xf32, #tpu.memory_space<vmem>>, vector<16xf32>,
      %mul3A_108 = arith.constant 16 : i32
      %mul3A_109 = arith.muli %scan3A_88, %mul3A_108 : i32
      %get3A_110 = arith.constant 2 : i32
      %get3A_111 = arith.index_cast %get3A_110 : i32 to index
      %get3A_112 = arith.index_cast %mul3A_109 : i32 to index
      %get3A_113 = tpu.vector_load %arg7[%get3A_111, %get3A_112] {strides = array<i32>} : memref<32x1024xf32, #tpu.memory_space<vmem>>, vector<16xf32>,
      %mul3A_114 = arith.constant 16 : i32
      %mul3A_115 = arith.muli %scan3A_88, %mul3A_114 : i32
      %get3A_116 = arith.constant 3 : i32
      %get3A_117 = arith.index_cast %get3A_116 : i32 to index
      %get3A_118 = arith.index_cast %mul3A_115 : i32 to index
      %get3A_119 = tpu.vector_load %arg7[%get3A_117, %get3A_118] {strides = array<i32>} : memref<32x1024xf32, #tpu.memory_space<vmem>>, vector<16xf32>,
      %add3A_120 = arith.addf %get3A_113, %get3A_119 : vector<16xf32>
      %mul3A_121 = arith.constant 16 : i32
      %mul3A_122 = arith.muli %scan3A_88, %mul3A_121 : i32
      %swap3A_123 = arith.constant 1 : i32
      %swap3A_124 = arith.index_cast %swap3A_123 : i32 to index
      %swap3A_125 = arith.index_cast %mul3A_122 : i32 to index
      %swap3A_126 = tpu.vector_load %arg8[%swap3A_124, %swap3A_125] {strides = array<i32>} : memref<16x1024xf32, #tpu.memory_space<vmem>>, vector<16xf32>,
      tpu.vector_store %arg8[%swap3A_124, %swap3A_125], %add3A_120 {strides = array<i32>} : memref<16x1024xf32, #tpu.memory_space<vmem>>, vector<16xf32>,
      %mul3A_127 = arith.constant 16 : i32
      %mul3A_128 = arith.muli %scan3A_88, %mul3A_127 : i32
      %get3A_129 = arith.constant 4 : i32
      %get3A_130 = arith.index_cast %get3A_129 : i32 to index
      %get3A_131 = arith.index_cast %mul3A_128 : i32 to index
      %get3A_132 = tpu.vector_load %arg7[%get3A_130, %get3A_131] {strides = array<i32>} : memref<32x1024xf32, #tpu.memory_space<vmem>>, vector<16xf32>,
      %mul3A_133 = arith.constant 16 : i32
      %mul3A_134 = arith.muli %scan3A_88, %mul3A_133 : i32
      %get3A_135 = arith.constant 5 : i32
      %get3A_136 = arith.index_cast %get3A_135 : i32 to index
      %get3A_137 = arith.index_cast %mul3A_134 : i32 to index
      %get3A_138 = tpu.vector_load %arg7[%get3A_136, %get3A_137] {strides = array<i32>} : memref<32x1024xf32, #tpu.memory_space<vmem>>, vector<16xf32>,
      %add3A_139 = arith.addf %get3A_132, %get3A_138 : vector<16xf32>
      %mul3A_140 = arith.constant 16 : i32
      %mul3A_141 = arith.muli %scan3A_88, %mul3A_140 : i32
      %swap3A_142 = arith.constant 2 : i32
      %swap3A_143 = arith.index_cast %swap3A_142 : i32 to index
      %swap3A_144 = arith.index_cast %mul3A_141 : i32 to index
      %swap3A_145 = tpu.vector_load %arg8[%swap3A_143, %swap3A_144] {strides = array<i32>} : memref<16x1024xf32, #tpu.memory_space<vmem>>, vector<16xf32>,
      tpu.vector_store %arg8[%swap3A_143, %swap3A_144], %add3A_139 {strides = array<i32>} : memref<16x1024xf32, #tpu.memory_space<vmem>>, vector<16xf32>,
      %mul3A_146 = arith.constant 16 : i32
      %mul3A_147 = arith.muli %scan3A_88, %mul3A_146 : i32
      %get3A_148 = arith.constant 6 : i32
      %get3A_149 = arith.index_cast %get3A_148 : i32 to index
      %get3A_150 = arith.index_cast %mul3A_147 : i32 to index
      %get3A_151 = tpu.vector_load %arg7[%get3A_149, %get3A_150] {strides = array<i32>} : memref<32x1024xf32, #tpu.memory_space<vmem>>, vector<16xf32>,
      %mul3A_152 = arith.constant 16 : i32
      %mul3A_153 = arith.muli %scan3A_88, %mul3A_152 : i32
      %get3A_154 = arith.constant 7 : i32
      %get3A_155 = arith.index_cast %get3A_154 : i32 to index
      %get3A_156 = arith.index_cast %mul3A_153 : i32 to index
      %get3A_157 = tpu.vector_load %arg7[%get3A_155, %get3A_156] {strides = array<i32>} : memref<32x1024xf32, #tpu.memory_space<vmem>>, vector<16xf32>,
      %add3A_158 = arith.addf %get3A_151, %get3A_157 : vector<16xf32>
      %mul3A_159 = arith.constant 16 : i32
      %mul3A_160 = arith.muli %scan3A_88, %mul3A_159 : i32
      %swap3A_161 = arith.constant 3 : i32
      %swap3A_162 = arith.index_cast %swap3A_161 : i32 to index
      %swap3A_163 = arith.index_cast %mul3A_160 : i32 to index
      %swap3A_164 = tpu.vector_load %arg8[%swap3A_162, %swap3A_163] {strides = array<i32>} : memref<16x1024xf32, #tpu.memory_space<vmem>>, vector<16xf32>,
      tpu.vector_store %arg8[%swap3A_162, %swap3A_163], %add3A_158 {strides = array<i32>} : memref<16x1024xf32, #tpu.memory_space<vmem>>, vector<16xf32>,
      %mul3A_165 = arith.constant 16 : i32
      %mul3A_166 = arith.muli %scan3A_88, %mul3A_165 : i32
      %get3A_167 = arith.constant 8 : i32
      %get3A_168 = arith.index_cast %get3A_167 : i32 to index
      %get3A_169 = arith.index_cast %mul3A_166 : i32 to index
      %get3A_170 = tpu.vector_load %arg7[%get3A_168, %get3A_169] {strides = array<i32>} : memref<32x1024xf32, #tpu.memory_space<vmem>>, vector<16xf32>,
      %mul3A_171 = arith.constant 16 : i32
      %mul3A_172 = arith.muli %scan3A_88, %mul3A_171 : i32
      %get3A_173 = arith.constant 9 : i32
      %get3A_174 = arith.index_cast %get3A_173 : i32 to index
      %get3A_175 = arith.index_cast %mul3A_172 : i32 to index
      %get3A_176 = tpu.vector_load %arg7[%get3A_174, %get3A_175] {strides = array<i32>} : memref<32x1024xf32, #tpu.memory_space<vmem>>, vector<16xf32>,
      %add3A_177 = arith.addf %get3A_170, %get3A_176 : vector<16xf32>
      %mul3A_178 = arith.constant 16 : i32
      %mul3A_179 = arith.muli %scan3A_88, %mul3A_178 : i32
      %swap3A_180 = arith.constant 4 : i32
      %swap3A_181 = arith.index_cast %swap3A_180 : i32 to index
      %swap3A_182 = arith.index_cast %mul3A_179 : i32 to index
      %swap3A_183 = tpu.vector_load %arg8[%swap3A_181, %swap3A_182] {strides = array<i32>} : memref<16x1024xf32, #tpu.memory_space<vmem>>, vector<16xf32>,
      tpu.vector_store %arg8[%swap3A_181, %swap3A_182], %add3A_177 {strides = array<i32>} : memref<16x1024xf32, #tpu.memory_space<vmem>>, vector<16xf32>,
      %mul3A_184 = arith.constant 16 : i32
      %mul3A_185 = arith.muli %scan3A_88, %mul3A_184 : i32
      %get3A_186 = arith.constant 10 : i32
      %get3A_187 = arith.index_cast %get3A_186 : i32 to index
      %get3A_188 = arith.index_cast %mul3A_185 : i32 to index
      %get3A_189 = tpu.vector_load %arg7[%get3A_187, %get3A_188] {strides = array<i32>} : memref<32x1024xf32, #tpu.memory_space<vmem>>, vector<16xf32>,
      %mul3A_190 = arith.constant 16 : i32
      %mul3A_191 = arith.muli %scan3A_88, %mul3A_190 : i32
      %get3A_192 = arith.constant 11 : i32
      %get3A_193 = arith.index_cast %get3A_192 : i32 to index
      %get3A_194 = arith.index_cast %mul3A_191 : i32 to index
      %get3A_195 = tpu.vector_load %arg7[%get3A_193, %get3A_194] {strides = array<i32>} : memref<32x1024xf32, #tpu.memory_space<vmem>>, vector<16xf32>,
      %add3A_196 = arith.addf %get3A_189, %get3A_195 : vector<16xf32>
      %mul3A_197 = arith.constant 16 : i32
      %mul3A_198 = arith.muli %scan3A_88, %mul3A_197 : i32
      %swap3A_199 = arith.constant 5 : i32
      %swap3A_200 = arith.index_cast %swap3A_199 : i32 to index
      %swap3A_201 = arith.index_cast %mul3A_198 : i32 to index
      %swap3A_202 = tpu.vector_load %arg8[%swap3A_200, %swap3A_201] {strides = array<i32>} : memref<16x1024xf32, #tpu.memory_space<vmem>>, vector<16xf32>,
      tpu.vector_store %arg8[%swap3A_200, %swap3A_201], %add3A_196 {strides = array<i32>} : memref<16x1024xf32, #tpu.memory_space<vmem>>, vector<16xf32>,
      %mul3A_203 = arith.constant 16 : i32
      %mul3A_204 = arith.muli %scan3A_88, %mul3A_203 : i32
      %get3A_205 = arith.constant 12 : i32
      %get3A_206 = arith.index_cast %get3A_205 : i32 to index
      %get3A_207 = arith.index_cast %mul3A_204 : i32 to index
      %get3A_208 = tpu.vector_load %arg7[%get3A_206, %get3A_207] {strides = array<i32>} : memref<32x1024xf32, #tpu.memory_space<vmem>>, vector<16xf32>,
      %mul3A_209 = arith.constant 16 : i32
      %mul3A_210 = arith.muli %scan3A_88, %mul3A_209 : i32
      %get3A_211 = arith.constant 13 : i32
      %get3A_212 = arith.index_cast %get3A_211 : i32 to index
      %get3A_213 = arith.index_cast %mul3A_210 : i32 to index
      %get3A_214 = tpu.vector_load %arg7[%get3A_212, %get3A_213] {strides = array<i32>} : memref<32x1024xf32, #tpu.memory_space<vmem>>, vector<16xf32>,
      %add3A_215 = arith.addf %get3A_208, %get3A_214 : vector<16xf32>
      %mul3A_216 = arith.constant 16 : i32
      %mul3A_217 = arith.muli %scan3A_88, %mul3A_216 : i32
      %swap3A_218 = arith.constant 6 : i32
      %swap3A_219 = arith.index_cast %swap3A_218 : i32 to index
      %swap3A_220 = arith.index_cast %mul3A_217 : i32 to index
      %swap3A_221 = tpu.vector_load %arg8[%swap3A_219, %swap3A_220] {strides = array<i32>} : memref<16x1024xf32, #tpu.memory_space<vmem>>, vector<16xf32>,
      tpu.vector_store %arg8[%swap3A_219, %swap3A_220], %add3A_215 {strides = array<i32>} : memref<16x1024xf32, #tpu.memory_space<vmem>>, vector<16xf32>,
      %mul3A_222 = arith.constant 16 : i32
      %mul3A_223 = arith.muli %scan3A_88, %mul3A_222 : i32
      %get3A_224 = arith.constant 14 : i32
      %get3A_225 = arith.index_cast %get3A_224 : i32 to index
      %get3A_226 = arith.index_cast %mul3A_223 : i32 to index
      %get3A_227 = tpu.vector_load %arg7[%get3A_225, %get3A_226] {strides = array<i32>} : memref<32x1024xf32, #tpu.memory_space<vmem>>, vector<16xf32>,
      %mul3A_228 = arith.constant 16 : i32
      %mul3A_229 = arith.muli %scan3A_88, %mul3A_228 : i32
      %get3A_230 = arith.constant 15 : i32
      %get3A_231 = arith.index_cast %get3A_230 : i32 to index
      %get3A_232 = arith.index_cast %mul3A_229 : i32 to index
      %get3A_233 = tpu.vector_load %arg7[%get3A_231, %get3A_232] {strides = array<i32>} : memref<32x1024xf32, #tpu.memory_space<vmem>>, vector<16xf32>,
      %add3A_234 = arith.addf %get3A_227, %get3A_233 : vector<16xf32>
      %mul3A_235 = arith.constant 16 : i32
      %mul3A_236 = arith.muli %scan3A_88, %mul3A_235 : i32
      %swap3A_237 = arith.constant 7 : i32
      %swap3A_238 = arith.index_cast %swap3A_237 : i32 to index
      %swap3A_239 = arith.index_cast %mul3A_236 : i32 to index
      %swap3A_240 = tpu.vector_load %arg8[%swap3A_238, %swap3A_239] {strides = array<i32>} : memref<16x1024xf32, #tpu.memory_space<vmem>>, vector<16xf32>,
      tpu.vector_store %arg8[%swap3A_238, %swap3A_239], %add3A_234 {strides = array<i32>} : memref<16x1024xf32, #tpu.memory_space<vmem>>, vector<16xf32>,
      %mul3A_241 = arith.constant 16 : i32
      %mul3A_242 = arith.muli %scan3A_88, %mul3A_241 : i32
      %get3A_243 = arith.constant 16 : i32
      %get3A_244 = arith.index_cast %get3A_243 : i32 to index
      %get3A_245 = arith.index_cast %mul3A_242 : i32 to index
      %get3A_246 = tpu.vector_load %arg7[%get3A_244, %get3A_245] {strides = array<i32>} : memref<32x1024xf32, #tpu.memory_space<vmem>>, vector<16xf32>,
      %mul3A_247 = arith.constant 16 : i32
      %mul3A_248 = arith.muli %scan3A_88, %mul3A_247 : i32
      %get3A_249 = arith.constant 17 : i32
      %get3A_250 = arith.index_cast %get3A_249 : i32 to index
      %get3A_251 = arith.index_cast %mul3A_248 : i32 to index
      %get3A_252 = tpu.vector_load %arg7[%get3A_250, %get3A_251] {strides = array<i32>} : memref<32x1024xf32, #tpu.memory_space<vmem>>, vector<16xf32>,
      %add3A_253 = arith.addf %get3A_246, %get3A_252 : vector<16xf32>
      %mul3A_254 = arith.constant 16 : i32
      %mul3A_255 = arith.muli %scan3A_88, %mul3A_254 : i32
      %swap3A_256 = arith.constant 8 : i32
      %swap3A_257 = arith.index_cast %swap3A_256 : i32 to index
      %swap3A_258 = arith.index_cast %mul3A_255 : i32 to index
      %swap3A_259 = tpu.vector_load %arg8[%swap3A_257, %swap3A_258] {strides = array<i32>} : memref<16x1024xf32, #tpu.memory_space<vmem>>, vector<16xf32>,
      tpu.vector_store %arg8[%swap3A_257, %swap3A_258], %add3A_253 {strides = array<i32>} : memref<16x1024xf32, #tpu.memory_space<vmem>>, vector<16xf32>,
      %mul3A_260 = arith.constant 16 : i32
      %mul3A_261 = arith.muli %scan3A_88, %mul3A_260 : i32
      %get3A_262 = arith.constant 18 : i32
      %get3A_263 = arith.index_cast %get3A_262 : i32 to index
      %get3A_264 = arith.index_cast %mul3A_261 : i32 to index
      %get3A_265 = tpu.vector_load %arg7[%get3A_263, %get3A_264] {strides = array<i32>} : memref<32x1024xf32, #tpu.memory_space<vmem>>, vector<16xf32>,
      %mul3A_266 = arith.constant 16 : i32
      %mul3A_267 = arith.muli %scan3A_88, %mul3A_266 : i32
      %get3A_268 = arith.constant 19 : i32
      %get3A_269 = arith.index_cast %get3A_268 : i32 to index
      %get3A_270 = arith.index_cast %mul3A_267 : i32 to index
      %get3A_271 = tpu.vector_load %arg7[%get3A_269, %get3A_270] {strides = array<i32>} : memref<32x1024xf32, #tpu.memory_space<vmem>>, vector<16xf32>,
      %add3A_272 = arith.addf %get3A_265, %get3A_271 : vector<16xf32>
      %mul3A_273 = arith.constant 16 : i32
      %mul3A_274 = arith.muli %scan3A_88, %mul3A_273 : i32
      %swap3A_275 = arith.constant 9 : i32
      %swap3A_276 = arith.index_cast %swap3A_275 : i32 to index
      %swap3A_277 = arith.index_cast %mul3A_274 : i32 to index
      %swap3A_278 = tpu.vector_load %arg8[%swap3A_276, %swap3A_277] {strides = array<i32>} : memref<16x1024xf32, #tpu.memory_space<vmem>>, vector<16xf32>,
      tpu.vector_store %arg8[%swap3A_276, %swap3A_277], %add3A_272 {strides = array<i32>} : memref<16x1024xf32, #tpu.memory_space<vmem>>, vector<16xf32>,
      %mul3A_279 = arith.constant 16 : i32
      %mul3A_280 = arith.muli %scan3A_88, %mul3A_279 : i32
      %get3A_281 = arith.constant 20 : i32
      %get3A_282 = arith.index_cast %get3A_281 : i32 to index
      %get3A_283 = arith.index_cast %mul3A_280 : i32 to index
      %get3A_284 = tpu.vector_load %arg7[%get3A_282, %get3A_283] {strides = array<i32>} : memref<32x1024xf32, #tpu.memory_space<vmem>>, vector<16xf32>,
      %mul3A_285 = arith.constant 16 : i32
      %mul3A_286 = arith.muli %scan3A_88, %mul3A_285 : i32
      %get3A_287 = arith.constant 21 : i32
      %get3A_288 = arith.index_cast %get3A_287 : i32 to index
      %get3A_289 = arith.index_cast %mul3A_286 : i32 to index
      %get3A_290 = tpu.vector_load %arg7[%get3A_288, %get3A_289] {strides = array<i32>} : memref<32x1024xf32, #tpu.memory_space<vmem>>, vector<16xf32>,
      %add3A_291 = arith.addf %get3A_284, %get3A_290 : vector<16xf32>
      %mul3A_292 = arith.constant 16 : i32
      %mul3A_293 = arith.muli %scan3A_88, %mul3A_292 : i32
      %swap3A_294 = arith.constant 10 : i32
      %swap3A_295 = arith.index_cast %swap3A_294 : i32 to index
      %swap3A_296 = arith.index_cast %mul3A_293 : i32 to index
      %swap3A_297 = tpu.vector_load %arg8[%swap3A_295, %swap3A_296] {strides = array<i32>} : memref<16x1024xf32, #tpu.memory_space<vmem>>, vector<16xf32>,
      tpu.vector_store %arg8[%swap3A_295, %swap3A_296], %add3A_291 {strides = array<i32>} : memref<16x1024xf32, #tpu.memory_space<vmem>>, vector<16xf32>,
      %mul3A_298 = arith.constant 16 : i32
      %mul3A_299 = arith.muli %scan3A_88, %mul3A_298 : i32
      %get3A_300 = arith.constant 22 : i32
      %get3A_301 = arith.index_cast %get3A_300 : i32 to index
      %get3A_302 = arith.index_cast %mul3A_299 : i32 to index
      %get3A_303 = tpu.vector_load %arg7[%get3A_301, %get3A_302] {strides = array<i32>} : memref<32x1024xf32, #tpu.memory_space<vmem>>, vector<16xf32>,
      %mul3A_304 = arith.constant 16 : i32
      %mul3A_305 = arith.muli %scan3A_88, %mul3A_304 : i32
      %get3A_306 = arith.constant 23 : i32
      %get3A_307 = arith.index_cast %get3A_306 : i32 to index
      %get3A_308 = arith.index_cast %mul3A_305 : i32 to index
      %get3A_309 = tpu.vector_load %arg7[%get3A_307, %get3A_308] {strides = array<i32>} : memref<32x1024xf32, #tpu.memory_space<vmem>>, vector<16xf32>,
      %add3A_310 = arith.addf %get3A_303, %get3A_309 : vector<16xf32>
      %mul3A_311 = arith.constant 16 : i32
      %mul3A_312 = arith.muli %scan3A_88, %mul3A_311 : i32
      %swap3A_313 = arith.constant 11 : i32
      %swap3A_314 = arith.index_cast %swap3A_313 : i32 to index
      %swap3A_315 = arith.index_cast %mul3A_312 : i32 to index
      %swap3A_316 = tpu.vector_load %arg8[%swap3A_314, %swap3A_315] {strides = array<i32>} : memref<16x1024xf32, #tpu.memory_space<vmem>>, vector<16xf32>,
      tpu.vector_store %arg8[%swap3A_314, %swap3A_315], %add3A_310 {strides = array<i32>} : memref<16x1024xf32, #tpu.memory_space<vmem>>, vector<16xf32>,
      %mul3A_317 = arith.constant 16 : i32
      %mul3A_318 = arith.muli %scan3A_88, %mul3A_317 : i32
      %get3A_319 = arith.constant 24 : i32
      %get3A_320 = arith.index_cast %get3A_319 : i32 to index
      %get3A_321 = arith.index_cast %mul3A_318 : i32 to index
      %get3A_322 = tpu.vector_load %arg7[%get3A_320, %get3A_321] {strides = array<i32>} : memref<32x1024xf32, #tpu.memory_space<vmem>>, vector<16xf32>,
      %mul3A_323 = arith.constant 16 : i32
      %mul3A_324 = arith.muli %scan3A_88, %mul3A_323 : i32
      %get3A_325 = arith.constant 25 : i32
      %get3A_326 = arith.index_cast %get3A_325 : i32 to index
      %get3A_327 = arith.index_cast %mul3A_324 : i32 to index
      %get3A_328 = tpu.vector_load %arg7[%get3A_326, %get3A_327] {strides = array<i32>} : memref<32x1024xf32, #tpu.memory_space<vmem>>, vector<16xf32>,
      %add3A_329 = arith.addf %get3A_322, %get3A_328 : vector<16xf32>
      %mul3A_330 = arith.constant 16 : i32
      %mul3A_331 = arith.muli %scan3A_88, %mul3A_330 : i32
      %swap3A_332 = arith.constant 12 : i32
      %swap3A_333 = arith.index_cast %swap3A_332 : i32 to index
      %swap3A_334 = arith.index_cast %mul3A_331 : i32 to index
      %swap3A_335 = tpu.vector_load %arg8[%swap3A_333, %swap3A_334] {strides = array<i32>} : memref<16x1024xf32, #tpu.memory_space<vmem>>, vector<16xf32>,
      tpu.vector_store %arg8[%swap3A_333, %swap3A_334], %add3A_329 {strides = array<i32>} : memref<16x1024xf32, #tpu.memory_space<vmem>>, vector<16xf32>,
      %mul3A_336 = arith.constant 16 : i32
      %mul3A_337 = arith.muli %scan3A_88, %mul3A_336 : i32
      %get3A_338 = arith.constant 26 : i32
      %get3A_339 = arith.index_cast %get3A_338 : i32 to index
      %get3A_340 = arith.index_cast %mul3A_337 : i32 to index
      %get3A_341 = tpu.vector_load %arg7[%get3A_339, %get3A_340] {strides = array<i32>} : memref<32x1024xf32, #tpu.memory_space<vmem>>, vector<16xf32>,
      %mul3A_342 = arith.constant 16 : i32
      %mul3A_343 = arith.muli %scan3A_88, %mul3A_342 : i32
      %get3A_344 = arith.constant 27 : i32
      %get3A_345 = arith.index_cast %get3A_344 : i32 to index
      %get3A_346 = arith.index_cast %mul3A_343 : i32 to index
      %get3A_347 = tpu.vector_load %arg7[%get3A_345, %get3A_346] {strides = array<i32>} : memref<32x1024xf32, #tpu.memory_space<vmem>>, vector<16xf32>,
      %add3A_348 = arith.addf %get3A_341, %get3A_347 : vector<16xf32>
      %mul3A_349 = arith.constant 16 : i32
      %mul3A_350 = arith.muli %scan3A_88, %mul3A_349 : i32
      %swap3A_351 = arith.constant 13 : i32
      %swap3A_352 = arith.index_cast %swap3A_351 : i32 to index
      %swap3A_353 = arith.index_cast %mul3A_350 : i32 to index
      %swap3A_354 = tpu.vector_load %arg8[%swap3A_352, %swap3A_353] {strides = array<i32>} : memref<16x1024xf32, #tpu.memory_space<vmem>>, vector<16xf32>,
      tpu.vector_store %arg8[%swap3A_352, %swap3A_353], %add3A_348 {strides = array<i32>} : memref<16x1024xf32, #tpu.memory_space<vmem>>, vector<16xf32>,
      %mul3A_355 = arith.constant 16 : i32
      %mul3A_356 = arith.muli %scan3A_88, %mul3A_355 : i32
      %get3A_357 = arith.constant 28 : i32
      %get3A_358 = arith.index_cast %get3A_357 : i32 to index
      %get3A_359 = arith.index_cast %mul3A_356 : i32 to index
      %get3A_360 = tpu.vector_load %arg7[%get3A_358, %get3A_359] {strides = array<i32>} : memref<32x1024xf32, #tpu.memory_space<vmem>>, vector<16xf32>,
      %mul3A_361 = arith.constant 16 : i32
      %mul3A_362 = arith.muli %scan3A_88, %mul3A_361 : i32
      %get3A_363 = arith.constant 29 : i32
      %get3A_364 = arith.index_cast %get3A_363 : i32 to index
      %get3A_365 = arith.index_cast %mul3A_362 : i32 to index
      %get3A_366 = tpu.vector_load %arg7[%get3A_364, %get3A_365] {strides = array<i32>} : memref<32x1024xf32, #tpu.memory_space<vmem>>, vector<16xf32>,
      %add3A_367 = arith.addf %get3A_360, %get3A_366 : vector<16xf32>
      %mul3A_368 = arith.constant 16 : i32
      %mul3A_369 = arith.muli %scan3A_88, %mul3A_368 : i32
      %swap3A_370 = arith.constant 14 : i32
      %swap3A_371 = arith.index_cast %swap3A_370 : i32 to index
      %swap3A_372 = arith.index_cast %mul3A_369 : i32 to index
      %swap3A_373 = tpu.vector_load %arg8[%swap3A_371, %swap3A_372] {strides = array<i32>} : memref<16x1024xf32, #tpu.memory_space<vmem>>, vector<16xf32>,
      tpu.vector_store %arg8[%swap3A_371, %swap3A_372], %add3A_367 {strides = array<i32>} : memref<16x1024xf32, #tpu.memory_space<vmem>>, vector<16xf32>,
      %mul3A_374 = arith.constant 16 : i32
      %mul3A_375 = arith.muli %scan3A_88, %mul3A_374 : i32
      %get3A_376 = arith.constant 30 : i32
      %get3A_377 = arith.index_cast %get3A_376 : i32 to index
      %get3A_378 = arith.index_cast %mul3A_375 : i32 to index
      %get3A_379 = tpu.vector_load %arg7[%get3A_377, %get3A_378] {strides = array<i32>} : memref<32x1024xf32, #tpu.memory_space<vmem>>, vector<16xf32>,
      %mul3A_380 = arith.constant 16 : i32
      %mul3A_381 = arith.muli %scan3A_88, %mul3A_380 : i32
      %get3A_382 = arith.constant 31 : i32
      %get3A_383 = arith.index_cast %get3A_382 : i32 to index
      %get3A_384 = arith.index_cast %mul3A_381 : i32 to index
      %get3A_385 = tpu.vector_load %arg7[%get3A_383, %get3A_384] {strides = array<i32>} : memref<32x1024xf32, #tpu.memory_space<vmem>>, vector<16xf32>,
      %add3A_386 = arith.addf %get3A_379, %get3A_385 : vector<16xf32>
      %mul3A_387 = arith.constant 16 : i32
      %mul3A_388 = arith.muli %scan3A_88, %mul3A_387 : i32
      %swap3A_389 = arith.constant 15 : i32
      %swap3A_390 = arith.index_cast %swap3A_389 : i32 to index
      %swap3A_391 = arith.index_cast %mul3A_388 : i32 to index
      %swap3A_392 = tpu.vector_load %arg8[%swap3A_390, %swap3A_391] {strides = array<i32>} : memref<16x1024xf32, #tpu.memory_space<vmem>>, vector<16xf32>,
      tpu.vector_store %arg8[%swap3A_390, %swap3A_391], %add3A_386 {strides = array<i32>} : memref<16x1024xf32, #tpu.memory_space<vmem>>, vector<16xf32>,
    }
    %scan3A_63 = arith.constant 64 : i32
    %add3A_64 = arith.constant 32 : i32
    %add3A_65 = arith.addi %mul3A_2, %add3A_64 : i32
    "tpu.region"() ({
      %run_scoped3A = tpu.sem_alloc : memref<!tpu.dma_semaphore, #tpu.memory_space<semaphore_mem>>
      %dma_start3A_88 = arith.constant 0 : i32
      %dma_start3A_89 = tpu.memref_slice %arg4[%add3A_65, %dma_start3A_88] : memref<2048x1024xf32, #tpu.memory_space<hbm>> -> memref<16x1024xf32, #tpu.memory_space<hbm>>
      %dma_start3A_90 = arith.constant 0 : i32
      %dma_start3A_91 = tpu.memref_slice %arg4[%add3A_65, %dma_start3A_90] : memref<2048x1024xf32, #tpu.memory_space<hbm>> -> memref<16x1024xf32, #tpu.memory_space<hbm>>
      tpu.enqueue_dma source(%arg8 : memref<16x1024xf32, #tpu.memory_space<vmem>>) target(%dma_start3A_91 : memref<16x1024xf32, #tpu.memory_space<hbm>>) target_semaphore(%run_scoped3A : memref<!tpu.dma_semaphore, #tpu.memory_space<semaphore_mem>>)
      %dma_wait3A_92 = arith.constant 0 : i32
      %dma_wait3A_93 = tpu.memref_slice %arg4[%add3A_65, %dma_wait3A_92] : memref<2048x1024xf32, #tpu.memory_space<hbm>> -> memref<16x1024xf32, #tpu.memory_space<hbm>>
      %dma_wait3A_94 = arith.constant 0 : i32
      %dma_wait3A_95 = tpu.memref_slice %arg4[%add3A_65, %dma_wait3A_94] : memref<2048x1024xf32, #tpu.memory_space<hbm>> -> memref<16x1024xf32, #tpu.memory_space<hbm>>
      tpu.wait_dma2 semaphore(%run_scoped3A : memref<!tpu.dma_semaphore, #tpu.memory_space<semaphore_mem>>) src(%arg8 : memref<16x1024xf32, #tpu.memory_space<vmem>>) dst(%dma_wait3A_95 : memref<16x1024xf32, #tpu.memory_space<hbm>>)
      tpu.yield
    }) : () -> ()
    %get3A_66 = arith.constant 96 : index
    %get3A_67 = tpu.vector_load %arg5[%get3A_66] {strides = array<i32>} : memref<128xi32, #tpu.memory_space<vmem>>, vector<16xi32>,
    %swap3A_68 = arith.constant 0 : index
    %swap3A_69 = tpu.vector_load %arg6[%swap3A_68] {strides = array<i32>} : memref<32xi32, #tpu.memory_space<vmem>>, vector<16xi32>,
    tpu.vector_store %arg6[%swap3A_68], %get3A_67 {strides = array<i32>} : memref<32xi32, #tpu.memory_space<vmem>>, vector<16xi32>,
    %get3A_70 = arith.constant 112 : index
    %get3A_71 = tpu.vector_load %arg5[%get3A_70] {strides = array<i32>} : memref<128xi32, #tpu.memory_space<vmem>>, vector<16xi32>,
    %swap3A_72 = arith.constant 16 : index
    %swap3A_73 = tpu.vector_load %arg6[%swap3A_72] {strides = array<i32>} : memref<32xi32, #tpu.memory_space<vmem>>, vector<16xi32>,
    tpu.vector_store %arg6[%swap3A_72], %get3A_71 {strides = array<i32>} : memref<32xi32, #tpu.memory_space<vmem>>, vector<16xi32>,
    %dma_start3A_74 = arith.constant 0 : i32
    %dma_start3A_75 = arith.constant 0 : i32
    %dma_start3A_76 = tpu.memref_slice %arg2[%dma_start3A_74, %dma_start3A_75] : memref<6144x1024xf32, #tpu.memory_space<hbm>> -> memref<6144x1024xf32, #tpu.memory_space<hbm>>
    tpu.enqueue_indirect_dma source(%dma_start3A_76 : memref<6144x1024xf32, #tpu.memory_space<hbm>>) target(%arg7 : memref<32x1024xf32, #tpu.memory_space<vmem>>) offsets(%arg6 : memref<32xi32, #tpu.memory_space<vmem>>) semaphore(%arg9 : memref<!tpu.dma_semaphore, #tpu.memory_space<semaphore_mem>>)
    %dma_wait3A_77 = arith.constant 0 : i32
    %dma_wait3A_78 = arith.constant 0 : i32
    %dma_wait3A_79 = tpu.memref_slice %arg2[%dma_wait3A_77, %dma_wait3A_78] : memref<6144x1024xf32, #tpu.memory_space<hbm>> -> memref<6144x1024xf32, #tpu.memory_space<hbm>>
    tpu.wait_indirect_dma semaphore(%arg9 : memref<!tpu.dma_semaphore, #tpu.memory_space<semaphore_mem>>) src(%dma_wait3A_79 : memref<6144x1024xf32, #tpu.memory_space<hbm>>) dst(%arg7 : memref<32x1024xf32, #tpu.memory_space<vmem>>)
    %scan3A_80 = arith.constant 0 : i32
    %scan3A_81 = arith.constant 0 : i32
    %scan3A_82 = arith.constant 64 : i32
    %scan3A_83 = arith.addi %scan3A_81, %scan3A_82 : i32
    %scan3A_84 = arith.constant 1 : i32
    scf.for %scan3A_88 = %scan3A_81 to %scan3A_83 step %scan3A_84  : i32 {
      %mul3A_89 = arith.constant 16 : i32
      %mul3A_90 = arith.muli %scan3A_88, %mul3A_89 : i32
      %get3A_91 = arith.constant 0 : i32
      %get3A_92 = arith.index_cast %get3A_91 : i32 to index
      %get3A_93 = arith.index_cast %mul3A_90 : i32 to index
      %get3A_94 = tpu.vector_load %arg7[%get3A_92, %get3A_93] {strides = array<i32>} : memref<32x1024xf32, #tpu.memory_space<vmem>>, vector<16xf32>,
      %mul3A_95 = arith.constant 16 : i32
      %mul3A_96 = arith.muli %scan3A_88, %mul3A_95 : i32
      %get3A_97 = arith.constant 1 : i32
      %get3A_98 = arith.index_cast %get3A_97 : i32 to index
      %get3A_99 = arith.index_cast %mul3A_96 : i32 to index
      %get3A_100 = tpu.vector_load %arg7[%get3A_98, %get3A_99] {strides = array<i32>} : memref<32x1024xf32, #tpu.memory_space<vmem>>, vector<16xf32>,
      %add3A_101 = arith.addf %get3A_94, %get3A_100 : vector<16xf32>
      %mul3A_102 = arith.constant 16 : i32
      %mul3A_103 = arith.muli %scan3A_88, %mul3A_102 : i32
      %swap3A_104 = arith.constant 0 : i32
      %swap3A_105 = arith.index_cast %swap3A_104 : i32 to index
      %swap3A_106 = arith.index_cast %mul3A_103 : i32 to index
      %swap3A_107 = tpu.vector_load %arg8[%swap3A_105, %swap3A_106] {strides = array<i32>} : memref<16x1024xf32, #tpu.memory_space<vmem>>, vector<16xf32>,
      tpu.vector_store %arg8[%swap3A_105, %swap3A_106], %add3A_101 {strides = array<i32>} : memref<16x1024xf32, #tpu.memory_space<vmem>>, vector<16xf32>,
      %mul3A_108 = arith.constant 16 : i32
      %mul3A_109 = arith.muli %scan3A_88, %mul3A_108 : i32
      %get3A_110 = arith.constant 2 : i32
      %get3A_111 = arith.index_cast %get3A_110 : i32 to index
      %get3A_112 = arith.index_cast %mul3A_109 : i32 to index
      %get3A_113 = tpu.vector_load %arg7[%get3A_111, %get3A_112] {strides = array<i32>} : memref<32x1024xf32, #tpu.memory_space<vmem>>, vector<16xf32>,
      %mul3A_114 = arith.constant 16 : i32
      %mul3A_115 = arith.muli %scan3A_88, %mul3A_114 : i32
      %get3A_116 = arith.constant 3 : i32
      %get3A_117 = arith.index_cast %get3A_116 : i32 to index
      %get3A_118 = arith.index_cast %mul3A_115 : i32 to index
      %get3A_119 = tpu.vector_load %arg7[%get3A_117, %get3A_118] {strides = array<i32>} : memref<32x1024xf32, #tpu.memory_space<vmem>>, vector<16xf32>,
      %add3A_120 = arith.addf %get3A_113, %get3A_119 : vector<16xf32>
      %mul3A_121 = arith.constant 16 : i32
      %mul3A_122 = arith.muli %scan3A_88, %mul3A_121 : i32
      %swap3A_123 = arith.constant 1 : i32
      %swap3A_124 = arith.index_cast %swap3A_123 : i32 to index
      %swap3A_125 = arith.index_cast %mul3A_122 : i32 to index
      %swap3A_126 = tpu.vector_load %arg8[%swap3A_124, %swap3A_125] {strides = array<i32>} : memref<16x1024xf32, #tpu.memory_space<vmem>>, vector<16xf32>,
      tpu.vector_store %arg8[%swap3A_124, %swap3A_125], %add3A_120 {strides = array<i32>} : memref<16x1024xf32, #tpu.memory_space<vmem>>, vector<16xf32>,
      %mul3A_127 = arith.constant 16 : i32
      %mul3A_128 = arith.muli %scan3A_88, %mul3A_127 : i32
      %get3A_129 = arith.constant 4 : i32
      %get3A_130 = arith.index_cast %get3A_129 : i32 to index
      %get3A_131 = arith.index_cast %mul3A_128 : i32 to index
      %get3A_132 = tpu.vector_load %arg7[%get3A_130, %get3A_131] {strides = array<i32>} : memref<32x1024xf32, #tpu.memory_space<vmem>>, vector<16xf32>,
      %mul3A_133 = arith.constant 16 : i32
      %mul3A_134 = arith.muli %scan3A_88, %mul3A_133 : i32
      %get3A_135 = arith.constant 5 : i32
      %get3A_136 = arith.index_cast %get3A_135 : i32 to index
      %get3A_137 = arith.index_cast %mul3A_134 : i32 to index
      %get3A_138 = tpu.vector_load %arg7[%get3A_136, %get3A_137] {strides = array<i32>} : memref<32x1024xf32, #tpu.memory_space<vmem>>, vector<16xf32>,
      %add3A_139 = arith.addf %get3A_132, %get3A_138 : vector<16xf32>
      %mul3A_140 = arith.constant 16 : i32
      %mul3A_141 = arith.muli %scan3A_88, %mul3A_140 : i32
      %swap3A_142 = arith.constant 2 : i32
      %swap3A_143 = arith.index_cast %swap3A_142 : i32 to index
      %swap3A_144 = arith.index_cast %mul3A_141 : i32 to index
      %swap3A_145 = tpu.vector_load %arg8[%swap3A_143, %swap3A_144] {strides = array<i32>} : memref<16x1024xf32, #tpu.memory_space<vmem>>, vector<16xf32>,
      tpu.vector_store %arg8[%swap3A_143, %swap3A_144], %add3A_139 {strides = array<i32>} : memref<16x1024xf32, #tpu.memory_space<vmem>>, vector<16xf32>,
      %mul3A_146 = arith.constant 16 : i32
      %mul3A_147 = arith.muli %scan3A_88, %mul3A_146 : i32
      %get3A_148 = arith.constant 6 : i32
      %get3A_149 = arith.index_cast %get3A_148 : i32 to index
      %get3A_150 = arith.index_cast %mul3A_147 : i32 to index
      %get3A_151 = tpu.vector_load %arg7[%get3A_149, %get3A_150] {strides = array<i32>} : memref<32x1024xf32, #tpu.memory_space<vmem>>, vector<16xf32>,
      %mul3A_152 = arith.constant 16 : i32
      %mul3A_153 = arith.muli %scan3A_88, %mul3A_152 : i32
      %get3A_154 = arith.constant 7 : i32
      %get3A_155 = arith.index_cast %get3A_154 : i32 to index
      %get3A_156 = arith.index_cast %mul3A_153 : i32 to index
      %get3A_157 = tpu.vector_load %arg7[%get3A_155, %get3A_156] {strides = array<i32>} : memref<32x1024xf32, #tpu.memory_space<vmem>>, vector<16xf32>,
      %add3A_158 = arith.addf %get3A_151, %get3A_157 : vector<16xf32>
      %mul3A_159 = arith.constant 16 : i32
      %mul3A_160 = arith.muli %scan3A_88, %mul3A_159 : i32
      %swap3A_161 = arith.constant 3 : i32
      %swap3A_162 = arith.index_cast %swap3A_161 : i32 to index
      %swap3A_163 = arith.index_cast %mul3A_160 : i32 to index
      %swap3A_164 = tpu.vector_load %arg8[%swap3A_162, %swap3A_163] {strides = array<i32>} : memref<16x1024xf32, #tpu.memory_space<vmem>>, vector<16xf32>,
      tpu.vector_store %arg8[%swap3A_162, %swap3A_163], %add3A_158 {strides = array<i32>} : memref<16x1024xf32, #tpu.memory_space<vmem>>, vector<16xf32>,
      %mul3A_165 = arith.constant 16 : i32
      %mul3A_166 = arith.muli %scan3A_88, %mul3A_165 : i32
      %get3A_167 = arith.constant 8 : i32
      %get3A_168 = arith.index_cast %get3A_167 : i32 to index
      %get3A_169 = arith.index_cast %mul3A_166 : i32 to index
      %get3A_170 = tpu.vector_load %arg7[%get3A_168, %get3A_169] {strides = array<i32>} : memref<32x1024xf32, #tpu.memory_space<vmem>>, vector<16xf32>,
      %mul3A_171 = arith.constant 16 : i32
      %mul3A_172 = arith.muli %scan3A_88, %mul3A_171 : i32
      %get3A_173 = arith.constant 9 : i32
      %get3A_174 = arith.index_cast %get3A_173 : i32 to index
      %get3A_175 = arith.index_cast %mul3A_172 : i32 to index
      %get3A_176 = tpu.vector_load %arg7[%get3A_174, %get3A_175] {strides = array<i32>} : memref<32x1024xf32, #tpu.memory_space<vmem>>, vector<16xf32>,
      %add3A_177 = arith.addf %get3A_170, %get3A_176 : vector<16xf32>
      %mul3A_178 = arith.constant 16 : i32
      %mul3A_179 = arith.muli %scan3A_88, %mul3A_178 : i32
      %swap3A_180 = arith.constant 4 : i32
      %swap3A_181 = arith.index_cast %swap3A_180 : i32 to index
      %swap3A_182 = arith.index_cast %mul3A_179 : i32 to index
      %swap3A_183 = tpu.vector_load %arg8[%swap3A_181, %swap3A_182] {strides = array<i32>} : memref<16x1024xf32, #tpu.memory_space<vmem>>, vector<16xf32>,
      tpu.vector_store %arg8[%swap3A_181, %swap3A_182], %add3A_177 {strides = array<i32>} : memref<16x1024xf32, #tpu.memory_space<vmem>>, vector<16xf32>,
      %mul3A_184 = arith.constant 16 : i32
      %mul3A_185 = arith.muli %scan3A_88, %mul3A_184 : i32
      %get3A_186 = arith.constant 10 : i32
      %get3A_187 = arith.index_cast %get3A_186 : i32 to index
      %get3A_188 = arith.index_cast %mul3A_185 : i32 to index
      %get3A_189 = tpu.vector_load %arg7[%get3A_187, %get3A_188] {strides = array<i32>} : memref<32x1024xf32, #tpu.memory_space<vmem>>, vector<16xf32>,
      %mul3A_190 = arith.constant 16 : i32
      %mul3A_191 = arith.muli %scan3A_88, %mul3A_190 : i32
      %get3A_192 = arith.constant 11 : i32
      %get3A_193 = arith.index_cast %get3A_192 : i32 to index
      %get3A_194 = arith.index_cast %mul3A_191 : i32 to index
      %get3A_195 = tpu.vector_load %arg7[%get3A_193, %get3A_194] {strides = array<i32>} : memref<32x1024xf32, #tpu.memory_space<vmem>>, vector<16xf32>,
      %add3A_196 = arith.addf %get3A_189, %get3A_195 : vector<16xf32>
      %mul3A_197 = arith.constant 16 : i32
      %mul3A_198 = arith.muli %scan3A_88, %mul3A_197 : i32
      %swap3A_199 = arith.constant 5 : i32
      %swap3A_200 = arith.index_cast %swap3A_199 : i32 to index
      %swap3A_201 = arith.index_cast %mul3A_198 : i32 to index
      %swap3A_202 = tpu.vector_load %arg8[%swap3A_200, %swap3A_201] {strides = array<i32>} : memref<16x1024xf32, #tpu.memory_space<vmem>>, vector<16xf32>,
      tpu.vector_store %arg8[%swap3A_200, %swap3A_201], %add3A_196 {strides = array<i32>} : memref<16x1024xf32, #tpu.memory_space<vmem>>, vector<16xf32>,
      %mul3A_203 = arith.constant 16 : i32
      %mul3A_204 = arith.muli %scan3A_88, %mul3A_203 : i32
      %get3A_205 = arith.constant 12 : i32
      %get3A_206 = arith.index_cast %get3A_205 : i32 to index
      %get3A_207 = arith.index_cast %mul3A_204 : i32 to index
      %get3A_208 = tpu.vector_load %arg7[%get3A_206, %get3A_207] {strides = array<i32>} : memref<32x1024xf32, #tpu.memory_space<vmem>>, vector<16xf32>,
      %mul3A_209 = arith.constant 16 : i32
      %mul3A_210 = arith.muli %scan3A_88, %mul3A_209 : i32
      %get3A_211 = arith.constant 13 : i32
      %get3A_212 = arith.index_cast %get3A_211 : i32 to index
      %get3A_213 = arith.index_cast %mul3A_210 : i32 to index
      %get3A_214 = tpu.vector_load %arg7[%get3A_212, %get3A_213] {strides = array<i32>} : memref<32x1024xf32, #tpu.memory_space<vmem>>, vector<16xf32>,
      %add3A_215 = arith.addf %get3A_208, %get3A_214 : vector<16xf32>
      %mul3A_216 = arith.constant 16 : i32
      %mul3A_217 = arith.muli %scan3A_88, %mul3A_216 : i32
      %swap3A_218 = arith.constant 6 : i32
      %swap3A_219 = arith.index_cast %swap3A_218 : i32 to index
      %swap3A_220 = arith.index_cast %mul3A_217 : i32 to index
      %swap3A_221 = tpu.vector_load %arg8[%swap3A_219, %swap3A_220] {strides = array<i32>} : memref<16x1024xf32, #tpu.memory_space<vmem>>, vector<16xf32>,
      tpu.vector_store %arg8[%swap3A_219, %swap3A_220], %add3A_215 {strides = array<i32>} : memref<16x1024xf32, #tpu.memory_space<vmem>>, vector<16xf32>,
      %mul3A_222 = arith.constant 16 : i32
      %mul3A_223 = arith.muli %scan3A_88, %mul3A_222 : i32
      %get3A_224 = arith.constant 14 : i32
      %get3A_225 = arith.index_cast %get3A_224 : i32 to index
      %get3A_226 = arith.index_cast %mul3A_223 : i32 to index
      %get3A_227 = tpu.vector_load %arg7[%get3A_225, %get3A_226] {strides = array<i32>} : memref<32x1024xf32, #tpu.memory_space<vmem>>, vector<16xf32>,
      %mul3A_228 = arith.constant 16 : i32
      %mul3A_229 = arith.muli %scan3A_88, %mul3A_228 : i32
      %get3A_230 = arith.constant 15 : i32
      %get3A_231 = arith.index_cast %get3A_230 : i32 to index
      %get3A_232 = arith.index_cast %mul3A_229 : i32 to index
      %get3A_233 = tpu.vector_load %arg7[%get3A_231, %get3A_232] {strides = array<i32>} : memref<32x1024xf32, #tpu.memory_space<vmem>>, vector<16xf32>,
      %add3A_234 = arith.addf %get3A_227, %get3A_233 : vector<16xf32>
      %mul3A_235 = arith.constant 16 : i32
      %mul3A_236 = arith.muli %scan3A_88, %mul3A_235 : i32
      %swap3A_237 = arith.constant 7 : i32
      %swap3A_238 = arith.index_cast %swap3A_237 : i32 to index
      %swap3A_239 = arith.index_cast %mul3A_236 : i32 to index
      %swap3A_240 = tpu.vector_load %arg8[%swap3A_238, %swap3A_239] {strides = array<i32>} : memref<16x1024xf32, #tpu.memory_space<vmem>>, vector<16xf32>,
      tpu.vector_store %arg8[%swap3A_238, %swap3A_239], %add3A_234 {strides = array<i32>} : memref<16x1024xf32, #tpu.memory_space<vmem>>, vector<16xf32>,
      %mul3A_241 = arith.constant 16 : i32
      %mul3A_242 = arith.muli %scan3A_88, %mul3A_241 : i32
      %get3A_243 = arith.constant 16 : i32
      %get3A_244 = arith.index_cast %get3A_243 : i32 to index
      %get3A_245 = arith.index_cast %mul3A_242 : i32 to index
      %get3A_246 = tpu.vector_load %arg7[%get3A_244, %get3A_245] {strides = array<i32>} : memref<32x1024xf32, #tpu.memory_space<vmem>>, vector<16xf32>,
      %mul3A_247 = arith.constant 16 : i32
      %mul3A_248 = arith.muli %scan3A_88, %mul3A_247 : i32
      %get3A_249 = arith.constant 17 : i32
      %get3A_250 = arith.index_cast %get3A_249 : i32 to index
      %get3A_251 = arith.index_cast %mul3A_248 : i32 to index
      %get3A_252 = tpu.vector_load %arg7[%get3A_250, %get3A_251] {strides = array<i32>} : memref<32x1024xf32, #tpu.memory_space<vmem>>, vector<16xf32>,
      %add3A_253 = arith.addf %get3A_246, %get3A_252 : vector<16xf32>
      %mul3A_254 = arith.constant 16 : i32
      %mul3A_255 = arith.muli %scan3A_88, %mul3A_254 : i32
      %swap3A_256 = arith.constant 8 : i32
      %swap3A_257 = arith.index_cast %swap3A_256 : i32 to index
      %swap3A_258 = arith.index_cast %mul3A_255 : i32 to index
      %swap3A_259 = tpu.vector_load %arg8[%swap3A_257, %swap3A_258] {strides = array<i32>} : memref<16x1024xf32, #tpu.memory_space<vmem>>, vector<16xf32>,
      tpu.vector_store %arg8[%swap3A_257, %swap3A_258], %add3A_253 {strides = array<i32>} : memref<16x1024xf32, #tpu.memory_space<vmem>>, vector<16xf32>,
      %mul3A_260 = arith.constant 16 : i32
      %mul3A_261 = arith.muli %scan3A_88, %mul3A_260 : i32
      %get3A_262 = arith.constant 18 : i32
      %get3A_263 = arith.index_cast %get3A_262 : i32 to index
      %get3A_264 = arith.index_cast %mul3A_261 : i32 to index
      %get3A_265 = tpu.vector_load %arg7[%get3A_263, %get3A_264] {strides = array<i32>} : memref<32x1024xf32, #tpu.memory_space<vmem>>, vector<16xf32>,
      %mul3A_266 = arith.constant 16 : i32
      %mul3A_267 = arith.muli %scan3A_88, %mul3A_266 : i32
      %get3A_268 = arith.constant 19 : i32
      %get3A_269 = arith.index_cast %get3A_268 : i32 to index
      %get3A_270 = arith.index_cast %mul3A_267 : i32 to index
      %get3A_271 = tpu.vector_load %arg7[%get3A_269, %get3A_270] {strides = array<i32>} : memref<32x1024xf32, #tpu.memory_space<vmem>>, vector<16xf32>,
      %add3A_272 = arith.addf %get3A_265, %get3A_271 : vector<16xf32>
      %mul3A_273 = arith.constant 16 : i32
      %mul3A_274 = arith.muli %scan3A_88, %mul3A_273 : i32
      %swap3A_275 = arith.constant 9 : i32
      %swap3A_276 = arith.index_cast %swap3A_275 : i32 to index
      %swap3A_277 = arith.index_cast %mul3A_274 : i32 to index
      %swap3A_278 = tpu.vector_load %arg8[%swap3A_276, %swap3A_277] {strides = array<i32>} : memref<16x1024xf32, #tpu.memory_space<vmem>>, vector<16xf32>,
      tpu.vector_store %arg8[%swap3A_276, %swap3A_277], %add3A_272 {strides = array<i32>} : memref<16x1024xf32, #tpu.memory_space<vmem>>, vector<16xf32>,
      %mul3A_279 = arith.constant 16 : i32
      %mul3A_280 = arith.muli %scan3A_88, %mul3A_279 : i32
      %get3A_281 = arith.constant 20 : i32
      %get3A_282 = arith.index_cast %get3A_281 : i32 to index
      %get3A_283 = arith.index_cast %mul3A_280 : i32 to index
      %get3A_284 = tpu.vector_load %arg7[%get3A_282, %get3A_283] {strides = array<i32>} : memref<32x1024xf32, #tpu.memory_space<vmem>>, vector<16xf32>,
      %mul3A_285 = arith.constant 16 : i32
      %mul3A_286 = arith.muli %scan3A_88, %mul3A_285 : i32
      %get3A_287 = arith.constant 21 : i32
      %get3A_288 = arith.index_cast %get3A_287 : i32 to index
      %get3A_289 = arith.index_cast %mul3A_286 : i32 to index
      %get3A_290 = tpu.vector_load %arg7[%get3A_288, %get3A_289] {strides = array<i32>} : memref<32x1024xf32, #tpu.memory_space<vmem>>, vector<16xf32>,
      %add3A_291 = arith.addf %get3A_284, %get3A_290 : vector<16xf32>
      %mul3A_292 = arith.constant 16 : i32
      %mul3A_293 = arith.muli %scan3A_88, %mul3A_292 : i32
      %swap3A_294 = arith.constant 10 : i32
      %swap3A_295 = arith.index_cast %swap3A_294 : i32 to index
      %swap3A_296 = arith.index_cast %mul3A_293 : i32 to index
      %swap3A_297 = tpu.vector_load %arg8[%swap3A_295, %swap3A_296] {strides = array<i32>} : memref<16x1024xf32, #tpu.memory_space<vmem>>, vector<16xf32>,
      tpu.vector_store %arg8[%swap3A_295, %swap3A_296], %add3A_291 {strides = array<i32>} : memref<16x1024xf32, #tpu.memory_space<vmem>>, vector<16xf32>,
      %mul3A_298 = arith.constant 16 : i32
      %mul3A_299 = arith.muli %scan3A_88, %mul3A_298 : i32
      %get3A_300 = arith.constant 22 : i32
      %get3A_301 = arith.index_cast %get3A_300 : i32 to index
      %get3A_302 = arith.index_cast %mul3A_299 : i32 to index
      %get3A_303 = tpu.vector_load %arg7[%get3A_301, %get3A_302] {strides = array<i32>} : memref<32x1024xf32, #tpu.memory_space<vmem>>, vector<16xf32>,
      %mul3A_304 = arith.constant 16 : i32
      %mul3A_305 = arith.muli %scan3A_88, %mul3A_304 : i32
      %get3A_306 = arith.constant 23 : i32
      %get3A_307 = arith.index_cast %get3A_306 : i32 to index
      %get3A_308 = arith.index_cast %mul3A_305 : i32 to index
      %get3A_309 = tpu.vector_load %arg7[%get3A_307, %get3A_308] {strides = array<i32>} : memref<32x1024xf32, #tpu.memory_space<vmem>>, vector<16xf32>,
      %add3A_310 = arith.addf %get3A_303, %get3A_309 : vector<16xf32>
      %mul3A_311 = arith.constant 16 : i32
      %mul3A_312 = arith.muli %scan3A_88, %mul3A_311 : i32
      %swap3A_313 = arith.constant 11 : i32
      %swap3A_314 = arith.index_cast %swap3A_313 : i32 to index
      %swap3A_315 = arith.index_cast %mul3A_312 : i32 to index
      %swap3A_316 = tpu.vector_load %arg8[%swap3A_314, %swap3A_315] {strides = array<i32>} : memref<16x1024xf32, #tpu.memory_space<vmem>>, vector<16xf32>,
      tpu.vector_store %arg8[%swap3A_314, %swap3A_315], %add3A_310 {strides = array<i32>} : memref<16x1024xf32, #tpu.memory_space<vmem>>, vector<16xf32>,
      %mul3A_317 = arith.constant 16 : i32
      %mul3A_318 = arith.muli %scan3A_88, %mul3A_317 : i32
      %get3A_319 = arith.constant 24 : i32
      %get3A_320 = arith.index_cast %get3A_319 : i32 to index
      %get3A_321 = arith.index_cast %mul3A_318 : i32 to index
      %get3A_322 = tpu.vector_load %arg7[%get3A_320, %get3A_321] {strides = array<i32>} : memref<32x1024xf32, #tpu.memory_space<vmem>>, vector<16xf32>,
      %mul3A_323 = arith.constant 16 : i32
      %mul3A_324 = arith.muli %scan3A_88, %mul3A_323 : i32
      %get3A_325 = arith.constant 25 : i32
      %get3A_326 = arith.index_cast %get3A_325 : i32 to index
      %get3A_327 = arith.index_cast %mul3A_324 : i32 to index
      %get3A_328 = tpu.vector_load %arg7[%get3A_326, %get3A_327] {strides = array<i32>} : memref<32x1024xf32, #tpu.memory_space<vmem>>, vector<16xf32>,
      %add3A_329 = arith.addf %get3A_322, %get3A_328 : vector<16xf32>
      %mul3A_330 = arith.constant 16 : i32
      %mul3A_331 = arith.muli %scan3A_88, %mul3A_330 : i32
      %swap3A_332 = arith.constant 12 : i32
      %swap3A_333 = arith.index_cast %swap3A_332 : i32 to index
      %swap3A_334 = arith.index_cast %mul3A_331 : i32 to index
      %swap3A_335 = tpu.vector_load %arg8[%swap3A_333, %swap3A_334] {strides = array<i32>} : memref<16x1024xf32, #tpu.memory_space<vmem>>, vector<16xf32>,
      tpu.vector_store %arg8[%swap3A_333, %swap3A_334], %add3A_329 {strides = array<i32>} : memref<16x1024xf32, #tpu.memory_space<vmem>>, vector<16xf32>,
      %mul3A_336 = arith.constant 16 : i32
      %mul3A_337 = arith.muli %scan3A_88, %mul3A_336 : i32
      %get3A_338 = arith.constant 26 : i32
      %get3A_339 = arith.index_cast %get3A_338 : i32 to index
      %get3A_340 = arith.index_cast %mul3A_337 : i32 to index
      %get3A_341 = tpu.vector_load %arg7[%get3A_339, %get3A_340] {strides = array<i32>} : memref<32x1024xf32, #tpu.memory_space<vmem>>, vector<16xf32>,
      %mul3A_342 = arith.constant 16 : i32
      %mul3A_343 = arith.muli %scan3A_88, %mul3A_342 : i32
      %get3A_344 = arith.constant 27 : i32
      %get3A_345 = arith.index_cast %get3A_344 : i32 to index
      %get3A_346 = arith.index_cast %mul3A_343 : i32 to index
      %get3A_347 = tpu.vector_load %arg7[%get3A_345, %get3A_346] {strides = array<i32>} : memref<32x1024xf32, #tpu.memory_space<vmem>>, vector<16xf32>,
      %add3A_348 = arith.addf %get3A_341, %get3A_347 : vector<16xf32>
      %mul3A_349 = arith.constant 16 : i32
      %mul3A_350 = arith.muli %scan3A_88, %mul3A_349 : i32
      %swap3A_351 = arith.constant 13 : i32
      %swap3A_352 = arith.index_cast %swap3A_351 : i32 to index
      %swap3A_353 = arith.index_cast %mul3A_350 : i32 to index
      %swap3A_354 = tpu.vector_load %arg8[%swap3A_352, %swap3A_353] {strides = array<i32>} : memref<16x1024xf32, #tpu.memory_space<vmem>>, vector<16xf32>,
      tpu.vector_store %arg8[%swap3A_352, %swap3A_353], %add3A_348 {strides = array<i32>} : memref<16x1024xf32, #tpu.memory_space<vmem>>, vector<16xf32>,
      %mul3A_355 = arith.constant 16 : i32
      %mul3A_356 = arith.muli %scan3A_88, %mul3A_355 : i32
      %get3A_357 = arith.constant 28 : i32
      %get3A_358 = arith.index_cast %get3A_357 : i32 to index
      %get3A_359 = arith.index_cast %mul3A_356 : i32 to index
      %get3A_360 = tpu.vector_load %arg7[%get3A_358, %get3A_359] {strides = array<i32>} : memref<32x1024xf32, #tpu.memory_space<vmem>>, vector<16xf32>,
      %mul3A_361 = arith.constant 16 : i32
      %mul3A_362 = arith.muli %scan3A_88, %mul3A_361 : i32
      %get3A_363 = arith.constant 29 : i32
      %get3A_364 = arith.index_cast %get3A_363 : i32 to index
      %get3A_365 = arith.index_cast %mul3A_362 : i32 to index
      %get3A_366 = tpu.vector_load %arg7[%get3A_364, %get3A_365] {strides = array<i32>} : memref<32x1024xf32, #tpu.memory_space<vmem>>, vector<16xf32>,
      %add3A_367 = arith.addf %get3A_360, %get3A_366 : vector<16xf32>
      %mul3A_368 = arith.constant 16 : i32
      %mul3A_369 = arith.muli %scan3A_88, %mul3A_368 : i32
      %swap3A_370 = arith.constant 14 : i32
      %swap3A_371 = arith.index_cast %swap3A_370 : i32 to index
      %swap3A_372 = arith.index_cast %mul3A_369 : i32 to index
      %swap3A_373 = tpu.vector_load %arg8[%swap3A_371, %swap3A_372] {strides = array<i32>} : memref<16x1024xf32, #tpu.memory_space<vmem>>, vector<16xf32>,
      tpu.vector_store %arg8[%swap3A_371, %swap3A_372], %add3A_367 {strides = array<i32>} : memref<16x1024xf32, #tpu.memory_space<vmem>>, vector<16xf32>,
      %mul3A_374 = arith.constant 16 : i32
      %mul3A_375 = arith.muli %scan3A_88, %mul3A_374 : i32
      %get3A_376 = arith.constant 30 : i32
      %get3A_377 = arith.index_cast %get3A_376 : i32 to index
      %get3A_378 = arith.index_cast %mul3A_375 : i32 to index
      %get3A_379 = tpu.vector_load %arg7[%get3A_377, %get3A_378] {strides = array<i32>} : memref<32x1024xf32, #tpu.memory_space<vmem>>, vector<16xf32>,
      %mul3A_380 = arith.constant 16 : i32
      %mul3A_381 = arith.muli %scan3A_88, %mul3A_380 : i32
      %get3A_382 = arith.constant 31 : i32
      %get3A_383 = arith.index_cast %get3A_382 : i32 to index
      %get3A_384 = arith.index_cast %mul3A_381 : i32 to index
      %get3A_385 = tpu.vector_load %arg7[%get3A_383, %get3A_384] {strides = array<i32>} : memref<32x1024xf32, #tpu.memory_space<vmem>>, vector<16xf32>,
      %add3A_386 = arith.addf %get3A_379, %get3A_385 : vector<16xf32>
      %mul3A_387 = arith.constant 16 : i32
      %mul3A_388 = arith.muli %scan3A_88, %mul3A_387 : i32
      %swap3A_389 = arith.constant 15 : i32
      %swap3A_390 = arith.index_cast %swap3A_389 : i32 to index
      %swap3A_391 = arith.index_cast %mul3A_388 : i32 to index
      %swap3A_392 = tpu.vector_load %arg8[%swap3A_390, %swap3A_391] {strides = array<i32>} : memref<16x1024xf32, #tpu.memory_space<vmem>>, vector<16xf32>,
      tpu.vector_store %arg8[%swap3A_390, %swap3A_391], %add3A_386 {strides = array<i32>} : memref<16x1024xf32, #tpu.memory_space<vmem>>, vector<16xf32>,
    }
    %scan3A_85 = arith.constant 64 : i32
    %add3A_86 = arith.constant 48 : i32
    %add3A_87 = arith.addi %mul3A_2, %add3A_86 : i32
    "tpu.region"() ({
      %run_scoped3A = tpu.sem_alloc : memref<!tpu.dma_semaphore, #tpu.memory_space<semaphore_mem>>
      %dma_start3A_88 = arith.constant 0 : i32
      %dma_start3A_89 = tpu.memref_slice %arg4[%add3A_87, %dma_start3A_88] : memref<2048x1024xf32, #tpu.memory_space<hbm>> -> memref<16x1024xf32, #tpu.memory_space<hbm>>
      %dma_start3A_90 = arith.constant 0 : i32
      %dma_start3A_91 = tpu.memref_slice %arg4[%add3A_87, %dma_start3A_90] : memref<2048x1024xf32, #tpu.memory_space<hbm>> -> memref<16x1024xf32, #tpu.memory_space<hbm>>
      tpu.enqueue_dma source(%arg8 : memref<16x1024xf32, #tpu.memory_space<vmem>>) target(%dma_start3A_91 : memref<16x1024xf32, #tpu.memory_space<hbm>>) target_semaphore(%run_scoped3A : memref<!tpu.dma_semaphore, #tpu.memory_space<semaphore_mem>>)
      %dma_wait3A_92 = arith.constant 0 : i32
      %dma_wait3A_93 = tpu.memref_slice %arg4[%add3A_87, %dma_wait3A_92] : memref<2048x1024xf32, #tpu.memory_space<hbm>> -> memref<16x1024xf32, #tpu.memory_space<hbm>>
      %dma_wait3A_94 = arith.constant 0 : i32
      %dma_wait3A_95 = tpu.memref_slice %arg4[%add3A_87, %dma_wait3A_94] : memref<2048x1024xf32, #tpu.memory_space<hbm>> -> memref<16x1024xf32, #tpu.memory_space<hbm>>
      tpu.wait_dma2 semaphore(%run_scoped3A : memref<!tpu.dma_semaphore, #tpu.memory_space<semaphore_mem>>) src(%arg8 : memref<16x1024xf32, #tpu.memory_space<vmem>>) dst(%dma_wait3A_95 : memref<16x1024xf32, #tpu.memory_space<hbm>>)
      tpu.yield
    }) : () -> ()
    return
  }
}

#map = affine_map<(d0, d1) -> (0)>
#map1 = affine_map<(d0, d1) -> (0, 0)>
module attributes {stable_mosaic.version = 14 : i64} {
  func.func @_dispatch_body(%arg0: i32, %arg1: i32, %arg2: memref<4096xi32, #tpu.memory_space<hbm>>, %arg3: memref<4096xf32, #tpu.memory_space<hbm>>, %arg4: memref<2048x1024xf32, #tpu.memory_space<hbm>>, %arg5: memref<6144x1024xf32, #tpu.memory_space<hbm>>, %arg6: memref<6144xf32, #tpu.memory_space<hbm>>, %arg7: memref<4096xi32, #tpu.memory_space<hbm>>, %arg8: memref<2x32xi32, #tpu.memory_space<hbm>>, %arg9: memref<4096xi32, #tpu.memory_space<vmem>>, %arg10: memref<4096xf32, #tpu.memory_space<vmem>>, %arg11: memref<6144xi32, #tpu.memory_space<vmem>>, %arg12: memref<192xi32, #tpu.memory_space<vmem>>, %arg13: memref<6144xi32, #tpu.memory_space<vmem_shared>>, %arg14: memref<4096xi32, #tpu.memory_space<vmem>>, %arg15: memref<2x32xi32, #tpu.memory_space<vmem>>, %arg16: memref<32xi32, #tpu.memory_space<vmem>>, %arg17: memref<32xi32, #tpu.memory_space<vmem>>, %arg18: memref<32x1024xf32, #tpu.memory_space<vmem>>, %arg19: memref<32x1024xf32, #tpu.memory_space<vmem>>, %arg20: memref<192xf32, #tpu.memory_space<vmem>>, %arg21: memref<32xi32, #tpu.memory_space<vmem>>, %arg22: memref<64xi32, #tpu.memory_space<vmem>>, %arg23: memref<!tpu.dma_semaphore, #tpu.memory_space<semaphore_mem>>, %arg24: memref<!tpu.dma_semaphore, #tpu.memory_space<semaphore_mem>>, %arg25: memref<!tpu.dma_semaphore, #tpu.memory_space<semaphore_mem>>, %arg26: memref<!tpu.dma_semaphore, #tpu.memory_space<semaphore_mem>>) attributes {dimension_semantics = [#tpu.dimension_semantics<core_parallel>, #tpu.dimension_semantics<subcore_parallel>], iteration_bounds = array<i64: 2, 16>, scalar_prefetch = 0 : i64, scratch_operands = 18 : i64, tpu.core_type = #tpu.core_type<sc_vector_subcore>, window_params = [{transform_indices = #map}, {transform_indices = #map}, {transform_indices = #map1}, {transform_indices = #map1}, {transform_indices = #map}, {transform_indices = #map}, {transform_indices = #map1}]} {
    %mul3A = arith.constant 16 : i32
    %mul3A_0 = arith.muli %arg0, %mul3A : i32
    %add3A = arith.addi %mul3A_0, %arg1 : i32
    "tpu.region"() ({
      %run_scoped3A = tpu.sem_alloc : memref<!tpu.dma_semaphore, #tpu.memory_space<semaphore_mem>>
      tpu.enqueue_dma source(%arg3 : memref<4096xf32, #tpu.memory_space<hbm>>) target(%arg10 : memref<4096xf32, #tpu.memory_space<vmem>>) target_semaphore(%run_scoped3A : memref<!tpu.dma_semaphore, #tpu.memory_space<semaphore_mem>>)
      tpu.wait_dma2 semaphore(%run_scoped3A : memref<!tpu.dma_semaphore, #tpu.memory_space<semaphore_mem>>) src(%arg3 : memref<4096xf32, #tpu.memory_space<hbm>>) dst(%arg10 : memref<4096xf32, #tpu.memory_space<vmem>>)
      tpu.yield
    }) : () -> ()
    %eq3A = arith.constant 0 : i32
    %eq3A_1 = arith.cmpi eq, %arg1, %eq3A : i32
    %convert_element_type3A = arith.extui %eq3A_1 : i1 to i32
    %cond3A = arith.constant 0 : i32
    %cond3A_2 = arith.cmpi ne, %convert_element_type3A, %cond3A : i32
    scf.if %cond3A_2 {
      "tpu.region"() ({
        %run_scoped3A = tpu.sem_alloc : memref<!tpu.dma_semaphore, #tpu.memory_space<semaphore_mem>>
        tpu.enqueue_dma source(%arg2 : memref<4096xi32, #tpu.memory_space<hbm>>) target(%arg9 : memref<4096xi32, #tpu.memory_space<vmem>>) target_semaphore(%run_scoped3A : memref<!tpu.dma_semaphore, #tpu.memory_space<semaphore_mem>>)
        tpu.wait_dma2 semaphore(%run_scoped3A : memref<!tpu.dma_semaphore, #tpu.memory_space<semaphore_mem>>) src(%arg2 : memref<4096xi32, #tpu.memory_space<hbm>>) dst(%arg9 : memref<4096xi32, #tpu.memory_space<vmem>>)
        tpu.yield
      }) : () -> ()
      %scan3A = arith.constant 0 : i32
      %scan3A_12 = arith.constant 0 : i32
      %scan3A_13 = arith.constant 384 : i32
      %scan3A_14 = arith.addi %scan3A_12, %scan3A_13 : i32
      %scan3A_15 = arith.constant 1 : i32
      scf.for %scan3A_95 = %scan3A_12 to %scan3A_14 step %scan3A_15  : i32 {
        %broadcast_in_dim3A_96 = arith.constant 0 : i32
        %broadcast_in_dim3A_97 = vector.broadcast %broadcast_in_dim3A_96 : i32 to vector<16xi32>
        %mul3A_98 = arith.constant 16 : i32
        %mul3A_99 = arith.muli %scan3A_95, %mul3A_98 : i32
        %swap3A_100 = arith.index_cast %mul3A_99 : i32 to index
        %swap3A_101 = tpu.vector_load %arg11[%swap3A_100] {strides = array<i32>} : memref<6144xi32, #tpu.memory_space<vmem>>, vector<16xi32>,
        tpu.vector_store %arg11[%swap3A_100], %broadcast_in_dim3A_97 {strides = array<i32>} : memref<6144xi32, #tpu.memory_space<vmem>>, vector<16xi32>,
      }
      %scan3A_16 = arith.constant 384 : i32
      %broadcast_in_dim3A = arith.constant 0 : i32
      %broadcast_in_dim3A_17 = vector.broadcast %broadcast_in_dim3A : i32 to vector<16xi32>
      %swap3A = arith.constant 0 : index
      %swap3A_18 = tpu.vector_load %arg21[%swap3A] {strides = array<i32>} : memref<32xi32, #tpu.memory_space<vmem>>, vector<16xi32>,
      tpu.vector_store %arg21[%swap3A], %broadcast_in_dim3A_17 {strides = array<i32>} : memref<32xi32, #tpu.memory_space<vmem>>, vector<16xi32>,
      %scan3A_19 = arith.constant 0 : i32
      %scan3A_20 = arith.constant 0 : i32
      %scan3A_21 = arith.constant 64 : i32
      %scan3A_22 = arith.addi %scan3A_20, %scan3A_21 : i32
      %scan3A_23 = arith.constant 1 : i32
      scf.for %scan3A_95 = %scan3A_20 to %scan3A_22 step %scan3A_23  : i32 {
        %mul3A_96 = arith.constant 16 : i32
        %mul3A_97 = arith.muli %scan3A_95, %mul3A_96 : i32
        %get3A_98 = arith.index_cast %mul3A_97 : i32 to index
        %get3A_99 = tpu.vector_load %arg9[%get3A_98] {strides = array<i32>} : memref<4096xi32, #tpu.memory_space<vmem>>, vector<16xi32>,
        %broadcast_in_dim3A_100 = arith.constant true
        %broadcast_in_dim3A_101 = vector.broadcast %broadcast_in_dim3A_100 : i1 to vector<16xi1>
        %unique3A, %unique3A_102 = tpu.scan_count mask(%broadcast_in_dim3A_101 : vector<16xi1>) value(%get3A_99 : vector<16xi32>) : vector<16xi1>, vector<16xi32>
        %gather3A = tpu.vector_load_idx %arg21[%get3A_99] : memref<32xi32, #tpu.memory_space<vmem>>[vector<16xi32>], vector<16xi32>,
        %add3A_103 = arith.addi %gather3A, %unique3A_102 : vector<16xi32>
        tpu.vector_store_idx %arg21[%get3A_99], %add3A_103 masked %unique3A : memref<32xi32, #tpu.memory_space<vmem>>[vector<16xi32>], vector<16xi32>, vector<16xi1>
      }
      %scan3A_24 = arith.constant 64 : i32
      %get3A = arith.constant 0 : index
      %get3A_25 = tpu.vector_load %arg21[%get3A] {strides = array<i32>} : memref<32xi32, #tpu.memory_space<vmem>>, vector<16xi32>,
      %scan3A_26 = arith.constant 0 : i32
      %scan3A_27 = arith.constant 64 : i32
      %scan3A_28 = arith.constant 64 : i32
      %scan3A_29 = arith.addi %scan3A_27, %scan3A_28 : i32
      %scan3A_30 = arith.constant 1 : i32
      scf.for %scan3A_95 = %scan3A_27 to %scan3A_29 step %scan3A_30  : i32 {
        %mul3A_96 = arith.constant 16 : i32
        %mul3A_97 = arith.muli %scan3A_95, %mul3A_96 : i32
        %get3A_98 = arith.index_cast %mul3A_97 : i32 to index
        %get3A_99 = tpu.vector_load %arg9[%get3A_98] {strides = array<i32>} : memref<4096xi32, #tpu.memory_space<vmem>>, vector<16xi32>,
        %broadcast_in_dim3A_100 = arith.constant true
        %broadcast_in_dim3A_101 = vector.broadcast %broadcast_in_dim3A_100 : i1 to vector<16xi1>
        %unique3A, %unique3A_102 = tpu.scan_count mask(%broadcast_in_dim3A_101 : vector<16xi1>) value(%get3A_99 : vector<16xi32>) : vector<16xi1>, vector<16xi32>
        %gather3A = tpu.vector_load_idx %arg21[%get3A_99] : memref<32xi32, #tpu.memory_space<vmem>>[vector<16xi32>], vector<16xi32>,
        %add3A_103 = arith.addi %gather3A, %unique3A_102 : vector<16xi32>
        tpu.vector_store_idx %arg21[%get3A_99], %add3A_103 masked %unique3A : memref<32xi32, #tpu.memory_space<vmem>>[vector<16xi32>], vector<16xi32>, vector<16xi1>
      }
      %scan3A_31 = arith.constant 64 : i32
      %get3A_32 = arith.constant 0 : index
      %get3A_33 = tpu.vector_load %arg21[%get3A_32] {strides = array<i32>} : memref<32xi32, #tpu.memory_space<vmem>>, vector<16xi32>,
      %scan3A_34 = arith.constant 0 : i32
      %scan3A_35 = arith.constant 128 : i32
      %scan3A_36 = arith.constant 64 : i32
      %scan3A_37 = arith.addi %scan3A_35, %scan3A_36 : i32
      %scan3A_38 = arith.constant 1 : i32
      scf.for %scan3A_95 = %scan3A_35 to %scan3A_37 step %scan3A_38  : i32 {
        %mul3A_96 = arith.constant 16 : i32
        %mul3A_97 = arith.muli %scan3A_95, %mul3A_96 : i32
        %get3A_98 = arith.index_cast %mul3A_97 : i32 to index
        %get3A_99 = tpu.vector_load %arg9[%get3A_98] {strides = array<i32>} : memref<4096xi32, #tpu.memory_space<vmem>>, vector<16xi32>,
        %broadcast_in_dim3A_100 = arith.constant true
        %broadcast_in_dim3A_101 = vector.broadcast %broadcast_in_dim3A_100 : i1 to vector<16xi1>
        %unique3A, %unique3A_102 = tpu.scan_count mask(%broadcast_in_dim3A_101 : vector<16xi1>) value(%get3A_99 : vector<16xi32>) : vector<16xi1>, vector<16xi32>
        %gather3A = tpu.vector_load_idx %arg21[%get3A_99] : memref<32xi32, #tpu.memory_space<vmem>>[vector<16xi32>], vector<16xi32>,
        %add3A_103 = arith.addi %gather3A, %unique3A_102 : vector<16xi32>
        tpu.vector_store_idx %arg21[%get3A_99], %add3A_103 masked %unique3A : memref<32xi32, #tpu.memory_space<vmem>>[vector<16xi32>], vector<16xi32>, vector<16xi1>
      }
      %scan3A_39 = arith.constant 64 : i32
      %get3A_40 = arith.constant 0 : index
      %get3A_41 = tpu.vector_load %arg21[%get3A_40] {strides = array<i32>} : memref<32xi32, #tpu.memory_space<vmem>>, vector<16xi32>,
      %scan3A_42 = arith.constant 0 : i32
      %scan3A_43 = arith.constant 192 : i32
      %scan3A_44 = arith.constant 64 : i32
      %scan3A_45 = arith.addi %scan3A_43, %scan3A_44 : i32
      %scan3A_46 = arith.constant 1 : i32
      scf.for %scan3A_95 = %scan3A_43 to %scan3A_45 step %scan3A_46  : i32 {
        %mul3A_96 = arith.constant 16 : i32
        %mul3A_97 = arith.muli %scan3A_95, %mul3A_96 : i32
        %get3A_98 = arith.index_cast %mul3A_97 : i32 to index
        %get3A_99 = tpu.vector_load %arg9[%get3A_98] {strides = array<i32>} : memref<4096xi32, #tpu.memory_space<vmem>>, vector<16xi32>,
        %broadcast_in_dim3A_100 = arith.constant true
        %broadcast_in_dim3A_101 = vector.broadcast %broadcast_in_dim3A_100 : i1 to vector<16xi1>
        %unique3A, %unique3A_102 = tpu.scan_count mask(%broadcast_in_dim3A_101 : vector<16xi1>) value(%get3A_99 : vector<16xi32>) : vector<16xi1>, vector<16xi32>
        %gather3A = tpu.vector_load_idx %arg21[%get3A_99] : memref<32xi32, #tpu.memory_space<vmem>>[vector<16xi32>], vector<16xi32>,
        %add3A_103 = arith.addi %gather3A, %unique3A_102 : vector<16xi32>
        tpu.vector_store_idx %arg21[%get3A_99], %add3A_103 masked %unique3A : memref<32xi32, #tpu.memory_space<vmem>>[vector<16xi32>], vector<16xi32>, vector<16xi1>
      }
      %scan3A_47 = arith.constant 64 : i32
      %get3A_48 = arith.constant 0 : index
      %get3A_49 = tpu.vector_load %arg21[%get3A_48] {strides = array<i32>} : memref<32xi32, #tpu.memory_space<vmem>>, vector<16xi32>,
      %add3A_50 = arith.constant 255 : i32
      %add3A_51 = vector.broadcast %add3A_50 : i32 to vector<16xi32>
      %add3A_52 = arith.addi %get3A_49, %add3A_51 : vector<16xi32>
      %shift_right_logical3A = arith.constant 8 : i32
      %shift_right_logical3A_53 = vector.broadcast %shift_right_logical3A : i32 to vector<16xi32>
      %shift_right_logical3A_54 = arith.shrui %add3A_52, %shift_right_logical3A_53 : vector<16xi32>
      %shift_left3A = arith.constant 8 : i32
      %shift_left3A_55 = vector.broadcast %shift_left3A : i32 to vector<16xi32>
      %shift_left3A_56 = arith.shli %shift_right_logical3A_54, %shift_left3A_55 : vector<16xi32>
      %broadcast_in_dim3A_57 = arith.constant true
      %broadcast_in_dim3A_58 = vector.broadcast %broadcast_in_dim3A_57 : i1 to vector<16xi1>
      %masked_cumsum3A = tpu.scan <sum>, %shift_left3A_56 masked %broadcast_in_dim3A_58 : vector<16xi32>, vector<16xi1> -> vector<16xi32>
      %sub3A = arith.subi %masked_cumsum3A, %shift_left3A_56 : vector<16xi32>
      %swap3A_59 = arith.constant 16 : index
      %swap3A_60 = tpu.vector_load %arg21[%swap3A_59] {strides = array<i32>} : memref<32xi32, #tpu.memory_space<vmem>>, vector<16xi32>,
      tpu.vector_store %arg21[%swap3A_59], %sub3A {strides = array<i32>} : memref<32xi32, #tpu.memory_space<vmem>>, vector<16xi32>,
      %swap3A_61 = arith.constant 0 : index
      %swap3A_62 = tpu.vector_load %arg22[%swap3A_61] {strides = array<i32>} : memref<64xi32, #tpu.memory_space<vmem>>, vector<16xi32>,
      tpu.vector_store %arg22[%swap3A_61], %sub3A {strides = array<i32>} : memref<64xi32, #tpu.memory_space<vmem>>, vector<16xi32>,
      %add3A_63 = arith.addi %sub3A, %get3A_25 : vector<16xi32>
      %swap3A_64 = arith.constant 16 : index
      %swap3A_65 = tpu.vector_load %arg22[%swap3A_64] {strides = array<i32>} : memref<64xi32, #tpu.memory_space<vmem>>, vector<16xi32>,
      tpu.vector_store %arg22[%swap3A_64], %add3A_63 {strides = array<i32>} : memref<64xi32, #tpu.memory_space<vmem>>, vector<16xi32>,
      %add3A_66 = arith.addi %sub3A, %get3A_33 : vector<16xi32>
      %swap3A_67 = arith.constant 32 : index
      %swap3A_68 = tpu.vector_load %arg22[%swap3A_67] {strides = array<i32>} : memref<64xi32, #tpu.memory_space<vmem>>, vector<16xi32>,
      tpu.vector_store %arg22[%swap3A_67], %add3A_66 {strides = array<i32>} : memref<64xi32, #tpu.memory_space<vmem>>, vector<16xi32>,
      %add3A_69 = arith.addi %sub3A, %get3A_41 : vector<16xi32>
      %swap3A_70 = arith.constant 48 : index
      %swap3A_71 = tpu.vector_load %arg22[%swap3A_70] {strides = array<i32>} : memref<64xi32, #tpu.memory_space<vmem>>, vector<16xi32>,
      tpu.vector_store %arg22[%swap3A_70], %add3A_69 {strides = array<i32>} : memref<64xi32, #tpu.memory_space<vmem>>, vector<16xi32>,
      %broadcast_in_dim3A_72 = arith.constant 1 : i32
      %broadcast_in_dim3A_73 = vector.broadcast %broadcast_in_dim3A_72 : i32 to vector<16xi32>
      %iota3A = tpu.iota {dimensions = array<i32: 0>} : vector<16xi32>
      %add3A_74 = arith.constant 0 : i32
      %add3A_75 = vector.broadcast %add3A_74 : i32 to vector<16xi32>
      %add3A_76 = arith.addi %iota3A, %add3A_75 : vector<16xi32>
      %iota3A_77 = tpu.iota {dimensions = array<i32: 0>} : vector<16xi32>
      %add3A_78 = arith.constant 1024 : i32
      %add3A_79 = vector.broadcast %add3A_78 : i32 to vector<16xi32>
      %add3A_80 = arith.addi %iota3A_77, %add3A_79 : vector<16xi32>
      %iota3A_81 = tpu.iota {dimensions = array<i32: 0>} : vector<16xi32>
      %add3A_82 = arith.constant 2048 : i32
      %add3A_83 = vector.broadcast %add3A_82 : i32 to vector<16xi32>
      %add3A_84 = arith.addi %iota3A_81, %add3A_83 : vector<16xi32>
      %iota3A_85 = tpu.iota {dimensions = array<i32: 0>} : vector<16xi32>
      %add3A_86 = arith.constant 3072 : i32
      %add3A_87 = vector.broadcast %add3A_86 : i32 to vector<16xi32>
      %add3A_88 = arith.addi %iota3A_85, %add3A_87 : vector<16xi32>
      %scan3A_89 = arith.constant 0 : i32
      %scan3A_90 = arith.constant 64 : i32
      %scan3A_91 = arith.addi %scan3A_89, %scan3A_90 : i32
      %scan3A_92 = arith.constant 1 : i32
      %scan3A_93:4 = scf.for %scan3A_95 = %scan3A_89 to %scan3A_91 step %scan3A_92 iter_args(%scan3A_96 = %add3A_76, %scan3A_97 = %add3A_80, %scan3A_98 = %add3A_84, %scan3A_99 = %add3A_88) -> (vector<16xi32>, vector<16xi32>, vector<16xi32>, vector<16xi32>)  : i32 {
        %add3A_100 = arith.constant 0 : i32
        %add3A_101 = arith.addi %add3A_100, %scan3A_95 : i32
        %mul3A_102 = arith.constant 16 : i32
        %mul3A_103 = arith.muli %add3A_101, %mul3A_102 : i32
        %get3A_104 = arith.index_cast %mul3A_103 : i32 to index
        %get3A_105 = tpu.vector_load %arg9[%get3A_104] {strides = array<i32>} : memref<4096xi32, #tpu.memory_space<vmem>>, vector<16xi32>,
        %add3A_106 = arith.constant 0 : i32
        %add3A_107 = vector.broadcast %add3A_106 : i32 to vector<16xi32>
        %add3A_108 = arith.addi %get3A_105, %add3A_107 : vector<16xi32>
        %broadcast_in_dim3A_109 = arith.constant true
        %broadcast_in_dim3A_110 = vector.broadcast %broadcast_in_dim3A_109 : i1 to vector<16xi1>
        %unique3A, %unique3A_111 = tpu.scan_count mask(%broadcast_in_dim3A_110 : vector<16xi1>) value(%get3A_105 : vector<16xi32>) : vector<16xi1>, vector<16xi32>
        %gather3A = tpu.vector_load_idx %arg22[%add3A_108] : memref<64xi32, #tpu.memory_space<vmem>>[vector<16xi32>], vector<16xi32>,
        %add3A_112 = arith.addi %gather3A, %unique3A_111 : vector<16xi32>
        %sub3A_113 = arith.subi %add3A_112, %broadcast_in_dim3A_73 : vector<16xi32>
        tpu.vector_store_idx %arg11[%sub3A_113], %scan3A_96 : memref<6144xi32, #tpu.memory_space<vmem>>[vector<16xi32>], vector<16xi32>,
        tpu.vector_store_idx %arg14[%scan3A_96], %sub3A_113 : memref<4096xi32, #tpu.memory_space<vmem>>[vector<16xi32>], vector<16xi32>,
        %add3A_114 = arith.addi %gather3A, %unique3A_111 : vector<16xi32>
        tpu.vector_store_idx %arg22[%add3A_108], %add3A_114 masked %unique3A : memref<64xi32, #tpu.memory_space<vmem>>[vector<16xi32>], vector<16xi32>, vector<16xi1>
        %add3A_115 = arith.constant 16 : i32
        %add3A_116 = vector.broadcast %add3A_115 : i32 to vector<16xi32>
        %add3A_117 = arith.addi %scan3A_96, %add3A_116 : vector<16xi32>
        %add3A_118 = arith.constant 64 : i32
        %add3A_119 = arith.addi %add3A_118, %scan3A_95 : i32
        %mul3A_120 = arith.constant 16 : i32
        %mul3A_121 = arith.muli %add3A_119, %mul3A_120 : i32
        %get3A_122 = arith.index_cast %mul3A_121 : i32 to index
        %get3A_123 = tpu.vector_load %arg9[%get3A_122] {strides = array<i32>} : memref<4096xi32, #tpu.memory_space<vmem>>, vector<16xi32>,
        %add3A_124 = arith.constant 16 : i32
        %add3A_125 = vector.broadcast %add3A_124 : i32 to vector<16xi32>
        %add3A_126 = arith.addi %get3A_123, %add3A_125 : vector<16xi32>
        %broadcast_in_dim3A_127 = arith.constant true
        %broadcast_in_dim3A_128 = vector.broadcast %broadcast_in_dim3A_127 : i1 to vector<16xi1>
        %unique3A_129, %unique3A_130 = tpu.scan_count mask(%broadcast_in_dim3A_128 : vector<16xi1>) value(%get3A_123 : vector<16xi32>) : vector<16xi1>, vector<16xi32>
        %gather3A_131 = tpu.vector_load_idx %arg22[%add3A_126] : memref<64xi32, #tpu.memory_space<vmem>>[vector<16xi32>], vector<16xi32>,
        %add3A_132 = arith.addi %gather3A_131, %unique3A_130 : vector<16xi32>
        %sub3A_133 = arith.subi %add3A_132, %broadcast_in_dim3A_73 : vector<16xi32>
        tpu.vector_store_idx %arg11[%sub3A_133], %scan3A_97 : memref<6144xi32, #tpu.memory_space<vmem>>[vector<16xi32>], vector<16xi32>,
        tpu.vector_store_idx %arg14[%scan3A_97], %sub3A_133 : memref<4096xi32, #tpu.memory_space<vmem>>[vector<16xi32>], vector<16xi32>,
        %add3A_134 = arith.addi %gather3A_131, %unique3A_130 : vector<16xi32>
        tpu.vector_store_idx %arg22[%add3A_126], %add3A_134 masked %unique3A_129 : memref<64xi32, #tpu.memory_space<vmem>>[vector<16xi32>], vector<16xi32>, vector<16xi1>
        %add3A_135 = arith.constant 16 : i32
        %add3A_136 = vector.broadcast %add3A_135 : i32 to vector<16xi32>
        %add3A_137 = arith.addi %scan3A_97, %add3A_136 : vector<16xi32>
        %add3A_138 = arith.constant 128 : i32
        %add3A_139 = arith.addi %add3A_138, %scan3A_95 : i32
        %mul3A_140 = arith.constant 16 : i32
        %mul3A_141 = arith.muli %add3A_139, %mul3A_140 : i32
        %get3A_142 = arith.index_cast %mul3A_141 : i32 to index
        %get3A_143 = tpu.vector_load %arg9[%get3A_142] {strides = array<i32>} : memref<4096xi32, #tpu.memory_space<vmem>>, vector<16xi32>,
        %add3A_144 = arith.constant 32 : i32
        %add3A_145 = vector.broadcast %add3A_144 : i32 to vector<16xi32>
        %add3A_146 = arith.addi %get3A_143, %add3A_145 : vector<16xi32>
        %broadcast_in_dim3A_147 = arith.constant true
        %broadcast_in_dim3A_148 = vector.broadcast %broadcast_in_dim3A_147 : i1 to vector<16xi1>
        %unique3A_149, %unique3A_150 = tpu.scan_count mask(%broadcast_in_dim3A_148 : vector<16xi1>) value(%get3A_143 : vector<16xi32>) : vector<16xi1>, vector<16xi32>
        %gather3A_151 = tpu.vector_load_idx %arg22[%add3A_146] : memref<64xi32, #tpu.memory_space<vmem>>[vector<16xi32>], vector<16xi32>,
        %add3A_152 = arith.addi %gather3A_151, %unique3A_150 : vector<16xi32>
        %sub3A_153 = arith.subi %add3A_152, %broadcast_in_dim3A_73 : vector<16xi32>
        tpu.vector_store_idx %arg11[%sub3A_153], %scan3A_98 : memref<6144xi32, #tpu.memory_space<vmem>>[vector<16xi32>], vector<16xi32>,
        tpu.vector_store_idx %arg14[%scan3A_98], %sub3A_153 : memref<4096xi32, #tpu.memory_space<vmem>>[vector<16xi32>], vector<16xi32>,
        %add3A_154 = arith.addi %gather3A_151, %unique3A_150 : vector<16xi32>
        tpu.vector_store_idx %arg22[%add3A_146], %add3A_154 masked %unique3A_149 : memref<64xi32, #tpu.memory_space<vmem>>[vector<16xi32>], vector<16xi32>, vector<16xi1>
        %add3A_155 = arith.constant 16 : i32
        %add3A_156 = vector.broadcast %add3A_155 : i32 to vector<16xi32>
        %add3A_157 = arith.addi %scan3A_98, %add3A_156 : vector<16xi32>
        %add3A_158 = arith.constant 192 : i32
        %add3A_159 = arith.addi %add3A_158, %scan3A_95 : i32
        %mul3A_160 = arith.constant 16 : i32
        %mul3A_161 = arith.muli %add3A_159, %mul3A_160 : i32
        %get3A_162 = arith.index_cast %mul3A_161 : i32 to index
        %get3A_163 = tpu.vector_load %arg9[%get3A_162] {strides = array<i32>} : memref<4096xi32, #tpu.memory_space<vmem>>, vector<16xi32>,
        %add3A_164 = arith.constant 48 : i32
        %add3A_165 = vector.broadcast %add3A_164 : i32 to vector<16xi32>
        %add3A_166 = arith.addi %get3A_163, %add3A_165 : vector<16xi32>
        %broadcast_in_dim3A_167 = arith.constant true
        %broadcast_in_dim3A_168 = vector.broadcast %broadcast_in_dim3A_167 : i1 to vector<16xi1>
        %unique3A_169, %unique3A_170 = tpu.scan_count mask(%broadcast_in_dim3A_168 : vector<16xi1>) value(%get3A_163 : vector<16xi32>) : vector<16xi1>, vector<16xi32>
        %gather3A_171 = tpu.vector_load_idx %arg22[%add3A_166] : memref<64xi32, #tpu.memory_space<vmem>>[vector<16xi32>], vector<16xi32>,
        %add3A_172 = arith.addi %gather3A_171, %unique3A_170 : vector<16xi32>
        %sub3A_173 = arith.subi %add3A_172, %broadcast_in_dim3A_73 : vector<16xi32>
        tpu.vector_store_idx %arg11[%sub3A_173], %scan3A_99 : memref<6144xi32, #tpu.memory_space<vmem>>[vector<16xi32>], vector<16xi32>,
        tpu.vector_store_idx %arg14[%scan3A_99], %sub3A_173 : memref<4096xi32, #tpu.memory_space<vmem>>[vector<16xi32>], vector<16xi32>,
        %add3A_174 = arith.addi %gather3A_171, %unique3A_170 : vector<16xi32>
        tpu.vector_store_idx %arg22[%add3A_166], %add3A_174 masked %unique3A_169 : memref<64xi32, #tpu.memory_space<vmem>>[vector<16xi32>], vector<16xi32>, vector<16xi1>
        %add3A_175 = arith.constant 16 : i32
        %add3A_176 = vector.broadcast %add3A_175 : i32 to vector<16xi32>
        %add3A_177 = arith.addi %scan3A_99, %add3A_176 : vector<16xi32>
        scf.yield %add3A_117, %add3A_137, %add3A_157, %add3A_177 : vector<16xi32>, vector<16xi32>, vector<16xi32>, vector<16xi32>
      }
      %scan3A_94 = arith.constant 64 : i32
      "tpu.region"() ({
        %run_scoped3A = tpu.sem_alloc : memref<!tpu.dma_semaphore, #tpu.memory_space<semaphore_mem>>
        tpu.enqueue_dma source(%arg11 : memref<6144xi32, #tpu.memory_space<vmem>>) target(%arg13 : memref<6144xi32, #tpu.memory_space<vmem_shared>>) target_semaphore(%run_scoped3A : memref<!tpu.dma_semaphore, #tpu.memory_space<semaphore_mem>>)
        tpu.wait_dma2 semaphore(%run_scoped3A : memref<!tpu.dma_semaphore, #tpu.memory_space<semaphore_mem>>) src(%arg11 : memref<6144xi32, #tpu.memory_space<vmem>>) dst(%arg13 : memref<6144xi32, #tpu.memory_space<vmem_shared>>)
        tpu.yield
      }) : () -> ()
    } else {
    }
    %barrier3A = arith.constant 0 : index
    tpu.barrier barrier_id(%barrier3A)
    %eq3A_3 = arith.constant 0 : i32
    %eq3A_4 = arith.cmpi eq, %add3A, %eq3A_3 : i32
    %convert_element_type3A_5 = arith.extui %eq3A_4 : i1 to i32
    %cond3A_6 = arith.constant 0 : i32
    %cond3A_7 = arith.cmpi ne, %convert_element_type3A_5, %cond3A_6 : i32
    scf.if %cond3A_7 {
      %iota3A = tpu.iota {dimensions = array<i32: 0>} : vector<16xi32>
      %add3A_12 = arith.constant 0 : i32
      %add3A_13 = vector.broadcast %add3A_12 : i32 to vector<16xi32>
      %add3A_14 = arith.addi %iota3A, %add3A_13 : vector<16xi32>
      %mul3A_15 = arith.constant 256 : i32
      %mul3A_16 = vector.broadcast %mul3A_15 : i32 to vector<16xi32>
      %mul3A_17 = arith.muli %add3A_14, %mul3A_16 : vector<16xi32>
      %broadcast_in_dim3A = arith.constant 0 : i32
      %broadcast_in_dim3A_18 = vector.broadcast %broadcast_in_dim3A : i32 to vector<16xi32>
      %broadcast_in_dim3A_19 = arith.constant 17 : i32
      %broadcast_in_dim3A_20 = vector.broadcast %broadcast_in_dim3A_19 : i32 to vector<16xi32>
      %gather3A = tpu.vector_load_idx %arg21[%broadcast_in_dim3A_20] : memref<32xi32, #tpu.memory_space<vmem>>[vector<16xi32>], vector<16xi32>,
      %le3A = arith.cmpi sle, %gather3A, %mul3A_17 : vector<16xi32>
      %convert_element_type3A_21 = arith.extui %le3A : vector<16xi1> to vector<16xi32>
      %add3A_22 = arith.addi %broadcast_in_dim3A_18, %convert_element_type3A_21 : vector<16xi32>
      %broadcast_in_dim3A_23 = arith.constant 18 : i32
      %broadcast_in_dim3A_24 = vector.broadcast %broadcast_in_dim3A_23 : i32 to vector<16xi32>
      %gather3A_25 = tpu.vector_load_idx %arg21[%broadcast_in_dim3A_24] : memref<32xi32, #tpu.memory_space<vmem>>[vector<16xi32>], vector<16xi32>,
      %le3A_26 = arith.cmpi sle, %gather3A_25, %mul3A_17 : vector<16xi32>
      %convert_element_type3A_27 = arith.extui %le3A_26 : vector<16xi1> to vector<16xi32>
      %add3A_28 = arith.addi %add3A_22, %convert_element_type3A_27 : vector<16xi32>
      %broadcast_in_dim3A_29 = arith.constant 19 : i32
      %broadcast_in_dim3A_30 = vector.broadcast %broadcast_in_dim3A_29 : i32 to vector<16xi32>
      %gather3A_31 = tpu.vector_load_idx %arg21[%broadcast_in_dim3A_30] : memref<32xi32, #tpu.memory_space<vmem>>[vector<16xi32>], vector<16xi32>,
      %le3A_32 = arith.cmpi sle, %gather3A_31, %mul3A_17 : vector<16xi32>
      %convert_element_type3A_33 = arith.extui %le3A_32 : vector<16xi1> to vector<16xi32>
      %add3A_34 = arith.addi %add3A_28, %convert_element_type3A_33 : vector<16xi32>
      %broadcast_in_dim3A_35 = arith.constant 20 : i32
      %broadcast_in_dim3A_36 = vector.broadcast %broadcast_in_dim3A_35 : i32 to vector<16xi32>
      %gather3A_37 = tpu.vector_load_idx %arg21[%broadcast_in_dim3A_36] : memref<32xi32, #tpu.memory_space<vmem>>[vector<16xi32>], vector<16xi32>,
      %le3A_38 = arith.cmpi sle, %gather3A_37, %mul3A_17 : vector<16xi32>
      %convert_element_type3A_39 = arith.extui %le3A_38 : vector<16xi1> to vector<16xi32>
      %add3A_40 = arith.addi %add3A_34, %convert_element_type3A_39 : vector<16xi32>
      %broadcast_in_dim3A_41 = arith.constant 21 : i32
      %broadcast_in_dim3A_42 = vector.broadcast %broadcast_in_dim3A_41 : i32 to vector<16xi32>
      %gather3A_43 = tpu.vector_load_idx %arg21[%broadcast_in_dim3A_42] : memref<32xi32, #tpu.memory_space<vmem>>[vector<16xi32>], vector<16xi32>,
      %le3A_44 = arith.cmpi sle, %gather3A_43, %mul3A_17 : vector<16xi32>
      %convert_element_type3A_45 = arith.extui %le3A_44 : vector<16xi1> to vector<16xi32>
      %add3A_46 = arith.addi %add3A_40, %convert_element_type3A_45 : vector<16xi32>
      %broadcast_in_dim3A_47 = arith.constant 22 : i32
      %broadcast_in_dim3A_48 = vector.broadcast %broadcast_in_dim3A_47 : i32 to vector<16xi32>
      %gather3A_49 = tpu.vector_load_idx %arg21[%broadcast_in_dim3A_48] : memref<32xi32, #tpu.memory_space<vmem>>[vector<16xi32>], vector<16xi32>,
      %le3A_50 = arith.cmpi sle, %gather3A_49, %mul3A_17 : vector<16xi32>
      %convert_element_type3A_51 = arith.extui %le3A_50 : vector<16xi1> to vector<16xi32>
      %add3A_52 = arith.addi %add3A_46, %convert_element_type3A_51 : vector<16xi32>
      %broadcast_in_dim3A_53 = arith.constant 23 : i32
      %broadcast_in_dim3A_54 = vector.broadcast %broadcast_in_dim3A_53 : i32 to vector<16xi32>
      %gather3A_55 = tpu.vector_load_idx %arg21[%broadcast_in_dim3A_54] : memref<32xi32, #tpu.memory_space<vmem>>[vector<16xi32>], vector<16xi32>,
      %le3A_56 = arith.cmpi sle, %gather3A_55, %mul3A_17 : vector<16xi32>
      %convert_element_type3A_57 = arith.extui %le3A_56 : vector<16xi1> to vector<16xi32>
      %add3A_58 = arith.addi %add3A_52, %convert_element_type3A_57 : vector<16xi32>
      %add3A_59 = arith.constant 16 : i32
      %add3A_60 = vector.broadcast %add3A_59 : i32 to vector<16xi32>
      %add3A_61 = arith.addi %add3A_58, %add3A_60 : vector<16xi32>
      %gather3A_62 = tpu.vector_load_idx %arg21[%add3A_61] : memref<32xi32, #tpu.memory_space<vmem>>[vector<16xi32>], vector<16xi32>,
      %gather3A_63 = tpu.vector_load_idx %arg21[%add3A_58] : memref<32xi32, #tpu.memory_space<vmem>>[vector<16xi32>], vector<16xi32>,
      %swap3A = arith.constant 0 : i32
      %swap3A_64 = arith.index_cast %swap3A : i32 to index
      %swap3A_65 = arith.constant 0 : index
      %swap3A_66 = tpu.vector_load %arg15[%swap3A_64, %swap3A_65] {strides = array<i32>} : memref<2x32xi32, #tpu.memory_space<vmem>>, vector<16xi32>,
      tpu.vector_store %arg15[%swap3A_64, %swap3A_65], %add3A_58 {strides = array<i32>} : memref<2x32xi32, #tpu.memory_space<vmem>>, vector<16xi32>,
      %sub3A = arith.subi %mul3A_17, %gather3A_62 : vector<16xi32>
      %lt3A = arith.cmpi slt, %sub3A, %gather3A_63 : vector<16xi32>
      %convert_element_type3A_67 = arith.extui %lt3A : vector<16xi1> to vector<16xi32>
      %swap3A_68 = arith.constant 1 : i32
      %swap3A_69 = arith.index_cast %swap3A_68 : i32 to index
      %swap3A_70 = arith.constant 0 : index
      %swap3A_71 = tpu.vector_load %arg15[%swap3A_69, %swap3A_70] {strides = array<i32>} : memref<2x32xi32, #tpu.memory_space<vmem>>, vector<16xi32>,
      tpu.vector_store %arg15[%swap3A_69, %swap3A_70], %convert_element_type3A_67 {strides = array<i32>} : memref<2x32xi32, #tpu.memory_space<vmem>>, vector<16xi32>,
      %iota3A_72 = tpu.iota {dimensions = array<i32: 0>} : vector<16xi32>
      %add3A_73 = arith.constant 16 : i32
      %add3A_74 = vector.broadcast %add3A_73 : i32 to vector<16xi32>
      %add3A_75 = arith.addi %iota3A_72, %add3A_74 : vector<16xi32>
      %mul3A_76 = arith.constant 256 : i32
      %mul3A_77 = vector.broadcast %mul3A_76 : i32 to vector<16xi32>
      %mul3A_78 = arith.muli %add3A_75, %mul3A_77 : vector<16xi32>
      %broadcast_in_dim3A_79 = arith.constant 0 : i32
      %broadcast_in_dim3A_80 = vector.broadcast %broadcast_in_dim3A_79 : i32 to vector<16xi32>
      %broadcast_in_dim3A_81 = arith.constant 17 : i32
      %broadcast_in_dim3A_82 = vector.broadcast %broadcast_in_dim3A_81 : i32 to vector<16xi32>
      %gather3A_83 = tpu.vector_load_idx %arg21[%broadcast_in_dim3A_82] : memref<32xi32, #tpu.memory_space<vmem>>[vector<16xi32>], vector<16xi32>,
      %le3A_84 = arith.cmpi sle, %gather3A_83, %mul3A_78 : vector<16xi32>
      %convert_element_type3A_85 = arith.extui %le3A_84 : vector<16xi1> to vector<16xi32>
      %add3A_86 = arith.addi %broadcast_in_dim3A_80, %convert_element_type3A_85 : vector<16xi32>
      %broadcast_in_dim3A_87 = arith.constant 18 : i32
      %broadcast_in_dim3A_88 = vector.broadcast %broadcast_in_dim3A_87 : i32 to vector<16xi32>
      %gather3A_89 = tpu.vector_load_idx %arg21[%broadcast_in_dim3A_88] : memref<32xi32, #tpu.memory_space<vmem>>[vector<16xi32>], vector<16xi32>,
      %le3A_90 = arith.cmpi sle, %gather3A_89, %mul3A_78 : vector<16xi32>
      %convert_element_type3A_91 = arith.extui %le3A_90 : vector<16xi1> to vector<16xi32>
      %add3A_92 = arith.addi %add3A_86, %convert_element_type3A_91 : vector<16xi32>
      %broadcast_in_dim3A_93 = arith.constant 19 : i32
      %broadcast_in_dim3A_94 = vector.broadcast %broadcast_in_dim3A_93 : i32 to vector<16xi32>
      %gather3A_95 = tpu.vector_load_idx %arg21[%broadcast_in_dim3A_94] : memref<32xi32, #tpu.memory_space<vmem>>[vector<16xi32>], vector<16xi32>,
      %le3A_96 = arith.cmpi sle, %gather3A_95, %mul3A_78 : vector<16xi32>
      %convert_element_type3A_97 = arith.extui %le3A_96 : vector<16xi1> to vector<16xi32>
      %add3A_98 = arith.addi %add3A_92, %convert_element_type3A_97 : vector<16xi32>
      %broadcast_in_dim3A_99 = arith.constant 20 : i32
      %broadcast_in_dim3A_100 = vector.broadcast %broadcast_in_dim3A_99 : i32 to vector<16xi32>
      %gather3A_101 = tpu.vector_load_idx %arg21[%broadcast_in_dim3A_100] : memref<32xi32, #tpu.memory_space<vmem>>[vector<16xi32>], vector<16xi32>,
      %le3A_102 = arith.cmpi sle, %gather3A_101, %mul3A_78 : vector<16xi32>
      %convert_element_type3A_103 = arith.extui %le3A_102 : vector<16xi1> to vector<16xi32>
      %add3A_104 = arith.addi %add3A_98, %convert_element_type3A_103 : vector<16xi32>
      %broadcast_in_dim3A_105 = arith.constant 21 : i32
      %broadcast_in_dim3A_106 = vector.broadcast %broadcast_in_dim3A_105 : i32 to vector<16xi32>
      %gather3A_107 = tpu.vector_load_idx %arg21[%broadcast_in_dim3A_106] : memref<32xi32, #tpu.memory_space<vmem>>[vector<16xi32>], vector<16xi32>,
      %le3A_108 = arith.cmpi sle, %gather3A_107, %mul3A_78 : vector<16xi32>
      %convert_element_type3A_109 = arith.extui %le3A_108 : vector<16xi1> to vector<16xi32>
      %add3A_110 = arith.addi %add3A_104, %convert_element_type3A_109 : vector<16xi32>
      %broadcast_in_dim3A_111 = arith.constant 22 : i32
      %broadcast_in_dim3A_112 = vector.broadcast %broadcast_in_dim3A_111 : i32 to vector<16xi32>
      %gather3A_113 = tpu.vector_load_idx %arg21[%broadcast_in_dim3A_112] : memref<32xi32, #tpu.memory_space<vmem>>[vector<16xi32>], vector<16xi32>,
      %le3A_114 = arith.cmpi sle, %gather3A_113, %mul3A_78 : vector<16xi32>
      %convert_element_type3A_115 = arith.extui %le3A_114 : vector<16xi1> to vector<16xi32>
      %add3A_116 = arith.addi %add3A_110, %convert_element_type3A_115 : vector<16xi32>
      %broadcast_in_dim3A_117 = arith.constant 23 : i32
      %broadcast_in_dim3A_118 = vector.broadcast %broadcast_in_dim3A_117 : i32 to vector<16xi32>
      %gather3A_119 = tpu.vector_load_idx %arg21[%broadcast_in_dim3A_118] : memref<32xi32, #tpu.memory_space<vmem>>[vector<16xi32>], vector<16xi32>,
      %le3A_120 = arith.cmpi sle, %gather3A_119, %mul3A_78 : vector<16xi32>
      %convert_element_type3A_121 = arith.extui %le3A_120 : vector<16xi1> to vector<16xi32>
      %add3A_122 = arith.addi %add3A_116, %convert_element_type3A_121 : vector<16xi32>
      %add3A_123 = arith.constant 16 : i32
      %add3A_124 = vector.broadcast %add3A_123 : i32 to vector<16xi32>
      %add3A_125 = arith.addi %add3A_122, %add3A_124 : vector<16xi32>
      %gather3A_126 = tpu.vector_load_idx %arg21[%add3A_125] : memref<32xi32, #tpu.memory_space<vmem>>[vector<16xi32>], vector<16xi32>,
      %gather3A_127 = tpu.vector_load_idx %arg21[%add3A_122] : memref<32xi32, #tpu.memory_space<vmem>>[vector<16xi32>], vector<16xi32>,
      %swap3A_128 = arith.constant 0 : i32
      %swap3A_129 = arith.index_cast %swap3A_128 : i32 to index
      %swap3A_130 = arith.constant 16 : index
      %swap3A_131 = tpu.vector_load %arg15[%swap3A_129, %swap3A_130] {strides = array<i32>} : memref<2x32xi32, #tpu.memory_space<vmem>>, vector<16xi32>,
      tpu.vector_store %arg15[%swap3A_129, %swap3A_130], %add3A_122 {strides = array<i32>} : memref<2x32xi32, #tpu.memory_space<vmem>>, vector<16xi32>,
      %sub3A_132 = arith.subi %mul3A_78, %gather3A_126 : vector<16xi32>
      %lt3A_133 = arith.cmpi slt, %sub3A_132, %gather3A_127 : vector<16xi32>
      %convert_element_type3A_134 = arith.extui %lt3A_133 : vector<16xi1> to vector<16xi32>
      %swap3A_135 = arith.constant 1 : i32
      %swap3A_136 = arith.index_cast %swap3A_135 : i32 to index
      %swap3A_137 = arith.constant 16 : index
      %swap3A_138 = tpu.vector_load %arg15[%swap3A_136, %swap3A_137] {strides = array<i32>} : memref<2x32xi32, #tpu.memory_space<vmem>>, vector<16xi32>,
      tpu.vector_store %arg15[%swap3A_136, %swap3A_137], %convert_element_type3A_134 {strides = array<i32>} : memref<2x32xi32, #tpu.memory_space<vmem>>, vector<16xi32>,
      "tpu.region"() ({
        %run_scoped3A = tpu.sem_alloc : memref<!tpu.dma_semaphore, #tpu.memory_space<semaphore_mem>>
        tpu.enqueue_dma source(%arg15 : memref<2x32xi32, #tpu.memory_space<vmem>>) target(%arg8 : memref<2x32xi32, #tpu.memory_space<hbm>>) target_semaphore(%run_scoped3A : memref<!tpu.dma_semaphore, #tpu.memory_space<semaphore_mem>>)
        tpu.wait_dma2 semaphore(%run_scoped3A : memref<!tpu.dma_semaphore, #tpu.memory_space<semaphore_mem>>) src(%arg15 : memref<2x32xi32, #tpu.memory_space<vmem>>) dst(%arg8 : memref<2x32xi32, #tpu.memory_space<hbm>>)
        tpu.yield
      }) : () -> ()
      "tpu.region"() ({
        %run_scoped3A = tpu.sem_alloc : memref<!tpu.dma_semaphore, #tpu.memory_space<semaphore_mem>>
        tpu.enqueue_dma source(%arg14 : memref<4096xi32, #tpu.memory_space<vmem>>) target(%arg7 : memref<4096xi32, #tpu.memory_space<hbm>>) target_semaphore(%run_scoped3A : memref<!tpu.dma_semaphore, #tpu.memory_space<semaphore_mem>>)
        tpu.wait_dma2 semaphore(%run_scoped3A : memref<!tpu.dma_semaphore, #tpu.memory_space<semaphore_mem>>) src(%arg14 : memref<4096xi32, #tpu.memory_space<vmem>>) dst(%arg7 : memref<4096xi32, #tpu.memory_space<hbm>>)
        tpu.yield
      }) : () -> ()
    } else {
    }
    %gt3A = arith.constant 0 : i32
    %gt3A_8 = arith.cmpi sgt, %arg1, %gt3A : i32
    %convert_element_type3A_9 = arith.extui %gt3A_8 : i1 to i32
    %cond3A_10 = arith.constant 0 : i32
    %cond3A_11 = arith.cmpi ne, %convert_element_type3A_9, %cond3A_10 : i32
    scf.if %cond3A_11 {
      %mul3A_12 = arith.constant 15 : i32
      %mul3A_13 = arith.muli %arg0, %mul3A_12 : i32
      %add3A_14 = arith.addi %mul3A_13, %arg1 : i32
      %sub3A = arith.constant 1 : i32
      %sub3A_15 = arith.subi %add3A_14, %sub3A : i32
      %lt3A = arith.constant 12 : i32
      %lt3A_16 = arith.cmpi slt, %sub3A_15, %lt3A : i32
      %mul3A_17 = arith.constant 7 : i32
      %mul3A_18 = arith.muli %mul3A_17, %sub3A_15 : i32
      %mul3A_19 = arith.constant 6 : i32
      %mul3A_20 = arith.muli %mul3A_19, %sub3A_15 : i32
      %add3A_21 = arith.constant 12 : i32
      %add3A_22 = arith.addi %mul3A_20, %add3A_21 : i32
      %select_n3A = arith.select %lt3A_16, %mul3A_18, %add3A_22 : i32
      %lt3A_23 = arith.constant 12 : i32
      %lt3A_24 = arith.cmpi slt, %sub3A_15, %lt3A_23 : i32
      %jit3A = arith.constant 7 : i32
      %jit3A_25 = arith.constant 6 : i32
      %select_n3A_26 = arith.select %lt3A_24, %jit3A, %jit3A_25 : i32
      "tpu.region"() ({
        %run_scoped3A = tpu.sem_alloc : memref<!tpu.dma_semaphore, #tpu.memory_space<semaphore_mem>>
        tpu.enqueue_dma source(%arg13 : memref<6144xi32, #tpu.memory_space<vmem_shared>>) target(%arg11 : memref<6144xi32, #tpu.memory_space<vmem>>) target_semaphore(%run_scoped3A : memref<!tpu.dma_semaphore, #tpu.memory_space<semaphore_mem>>)
        tpu.wait_dma2 semaphore(%run_scoped3A : memref<!tpu.dma_semaphore, #tpu.memory_space<semaphore_mem>>) src(%arg13 : memref<6144xi32, #tpu.memory_space<vmem_shared>>) dst(%arg11 : memref<6144xi32, #tpu.memory_space<vmem>>)
        tpu.yield
      }) : () -> ()
      %while3A = arith.constant 0 : i32
      %while3A_27 = arith.constant 0 : i32
      %while3A_28 = arith.subi %select_n3A_26, %while3A_27 : i32
      %while3A_29 = arith.addi %while3A_27, %while3A_28 : i32
      %while3A_30 = arith.constant 1 : i32
      %while3A_31 = arith.divsi %while3A_28, %while3A_30 : i32
      %while3A_32 = arith.muli %while3A_31, %while3A_30 : i32
      %while3A_33 = arith.addi %while3A_27, %while3A_32 : i32
      %while3A_34 = arith.constant 1 : i32
      scf.for %while3A_36 = %while3A_27 to %while3A_33 step %while3A_34  : i32 {
        %add3A_37 = arith.addi %select_n3A, %while3A_36 : i32
        %mul3A_38 = arith.constant 32 : i32
        %mul3A_39 = arith.muli %add3A_37, %mul3A_38 : i32
        %add3A_40 = arith.constant 0 : i32
        %add3A_41 = arith.addi %mul3A_39, %add3A_40 : i32
        %get3A = arith.index_cast %add3A_41 : i32 to index
        %get3A_42 = tpu.vector_load %arg11[%get3A] {strides = array<i32>} : memref<6144xi32, #tpu.memory_space<vmem>>, vector<16xi32>,
        %shift_right_logical3A = arith.constant 1 : i32
        %shift_right_logical3A_43 = vector.broadcast %shift_right_logical3A : i32 to vector<16xi32>
        %shift_right_logical3A_44 = arith.shrui %get3A_42, %shift_right_logical3A_43 : vector<16xi32>
        %swap3A = arith.constant 0 : index
        %swap3A_45 = tpu.vector_load %arg16[%swap3A] {strides = array<i32>} : memref<32xi32, #tpu.memory_space<vmem>>, vector<16xi32>,
        tpu.vector_store %arg16[%swap3A], %shift_right_logical3A_44 {strides = array<i32>} : memref<32xi32, #tpu.memory_space<vmem>>, vector<16xi32>,
        %gather3A = tpu.vector_load_idx %arg10[%get3A_42] : memref<4096xf32, #tpu.memory_space<vmem>>[vector<16xi32>], vector<16xf32>,
        %swap3A_46 = arith.constant 0 : index
        %swap3A_47 = tpu.vector_load %arg20[%swap3A_46] {strides = array<i32>} : memref<192xf32, #tpu.memory_space<vmem>>, vector<16xf32>,
        tpu.vector_store %arg20[%swap3A_46], %gather3A {strides = array<i32>} : memref<192xf32, #tpu.memory_space<vmem>>, vector<16xf32>,
        %add3A_48 = arith.constant 16 : i32
        %add3A_49 = arith.addi %mul3A_39, %add3A_48 : i32
        %get3A_50 = arith.index_cast %add3A_49 : i32 to index
        %get3A_51 = tpu.vector_load %arg11[%get3A_50] {strides = array<i32>} : memref<6144xi32, #tpu.memory_space<vmem>>, vector<16xi32>,
        %shift_right_logical3A_52 = arith.constant 1 : i32
        %shift_right_logical3A_53 = vector.broadcast %shift_right_logical3A_52 : i32 to vector<16xi32>
        %shift_right_logical3A_54 = arith.shrui %get3A_51, %shift_right_logical3A_53 : vector<16xi32>
        %swap3A_55 = arith.constant 16 : index
        %swap3A_56 = tpu.vector_load %arg16[%swap3A_55] {strides = array<i32>} : memref<32xi32, #tpu.memory_space<vmem>>, vector<16xi32>,
        tpu.vector_store %arg16[%swap3A_55], %shift_right_logical3A_54 {strides = array<i32>} : memref<32xi32, #tpu.memory_space<vmem>>, vector<16xi32>,
        %gather3A_57 = tpu.vector_load_idx %arg10[%get3A_51] : memref<4096xf32, #tpu.memory_space<vmem>>[vector<16xi32>], vector<16xf32>,
        %swap3A_58 = arith.constant 16 : index
        %swap3A_59 = tpu.vector_load %arg20[%swap3A_58] {strides = array<i32>} : memref<192xf32, #tpu.memory_space<vmem>>, vector<16xf32>,
        tpu.vector_store %arg20[%swap3A_58], %gather3A_57 {strides = array<i32>} : memref<192xf32, #tpu.memory_space<vmem>>, vector<16xf32>,
        %dma_start3A = arith.constant 0 : i32
        %dma_start3A_60 = arith.constant 0 : i32
        %dma_start3A_61 = tpu.memref_slice %arg4[%dma_start3A, %dma_start3A_60] : memref<2048x1024xf32, #tpu.memory_space<hbm>> -> memref<2048x1024xf32, #tpu.memory_space<hbm>>
        tpu.enqueue_indirect_dma source(%dma_start3A_61 : memref<2048x1024xf32, #tpu.memory_space<hbm>>) target(%arg18 : memref<32x1024xf32, #tpu.memory_space<vmem>>) offsets(%arg16 : memref<32xi32, #tpu.memory_space<vmem>>) semaphore(%arg23 : memref<!tpu.dma_semaphore, #tpu.memory_space<semaphore_mem>>)
        %dma_wait3A = arith.constant 0 : i32
        %dma_wait3A_62 = arith.constant 0 : i32
        %dma_wait3A_63 = tpu.memref_slice %arg4[%dma_wait3A, %dma_wait3A_62] : memref<2048x1024xf32, #tpu.memory_space<hbm>> -> memref<2048x1024xf32, #tpu.memory_space<hbm>>
        tpu.wait_indirect_dma semaphore(%arg23 : memref<!tpu.dma_semaphore, #tpu.memory_space<semaphore_mem>>) src(%dma_wait3A_63 : memref<2048x1024xf32, #tpu.memory_space<hbm>>) dst(%arg18 : memref<32x1024xf32, #tpu.memory_space<vmem>>)
        "tpu.region"() ({
          %run_scoped3A = tpu.sem_alloc : memref<!tpu.dma_semaphore, #tpu.memory_space<semaphore_mem>>
          %dma_start3A_64 = arith.constant 0 : i32
          %dma_start3A_65 = tpu.memref_slice %arg5[%mul3A_39, %dma_start3A_64] : memref<6144x1024xf32, #tpu.memory_space<hbm>> -> memref<32x1024xf32, #tpu.memory_space<hbm>>
          %dma_start3A_66 = arith.constant 0 : i32
          %dma_start3A_67 = tpu.memref_slice %arg5[%mul3A_39, %dma_start3A_66] : memref<6144x1024xf32, #tpu.memory_space<hbm>> -> memref<32x1024xf32, #tpu.memory_space<hbm>>
          tpu.enqueue_dma source(%arg18 : memref<32x1024xf32, #tpu.memory_space<vmem>>) target(%dma_start3A_67 : memref<32x1024xf32, #tpu.memory_space<hbm>>) target_semaphore(%run_scoped3A : memref<!tpu.dma_semaphore, #tpu.memory_space<semaphore_mem>>)
          %dma_wait3A_68 = arith.constant 0 : i32
          %dma_wait3A_69 = tpu.memref_slice %arg5[%mul3A_39, %dma_wait3A_68] : memref<6144x1024xf32, #tpu.memory_space<hbm>> -> memref<32x1024xf32, #tpu.memory_space<hbm>>
          %dma_wait3A_70 = arith.constant 0 : i32
          %dma_wait3A_71 = tpu.memref_slice %arg5[%mul3A_39, %dma_wait3A_70] : memref<6144x1024xf32, #tpu.memory_space<hbm>> -> memref<32x1024xf32, #tpu.memory_space<hbm>>
          tpu.wait_dma2 semaphore(%run_scoped3A : memref<!tpu.dma_semaphore, #tpu.memory_space<semaphore_mem>>) src(%arg18 : memref<32x1024xf32, #tpu.memory_space<vmem>>) dst(%dma_wait3A_71 : memref<32x1024xf32, #tpu.memory_space<hbm>>)
          tpu.yield
        }) : () -> ()
        "tpu.region"() ({
          %run_scoped3A = tpu.sem_alloc : memref<!tpu.dma_semaphore, #tpu.memory_space<semaphore_mem>>
          %dma_start3A_64 = arith.constant 0 : i32
          %dma_start3A_65 = tpu.memref_slice %arg20[%dma_start3A_64] : memref<192xf32, #tpu.memory_space<vmem>> -> memref<32xf32, #tpu.memory_space<vmem>>
          %dma_start3A_66 = tpu.memref_slice %arg6[%mul3A_39] : memref<6144xf32, #tpu.memory_space<hbm>> -> memref<32xf32, #tpu.memory_space<hbm>>
          %dma_start3A_67 = tpu.memref_slice %arg6[%mul3A_39] : memref<6144xf32, #tpu.memory_space<hbm>> -> memref<32xf32, #tpu.memory_space<hbm>>
          %dma_start3A_68 = arith.constant 0 : i32
          %dma_start3A_69 = tpu.memref_slice %arg20[%dma_start3A_68] : memref<192xf32, #tpu.memory_space<vmem>> -> memref<32xf32, #tpu.memory_space<vmem>>
          tpu.enqueue_dma source(%dma_start3A_69 : memref<32xf32, #tpu.memory_space<vmem>>) target(%dma_start3A_67 : memref<32xf32, #tpu.memory_space<hbm>>) target_semaphore(%run_scoped3A : memref<!tpu.dma_semaphore, #tpu.memory_space<semaphore_mem>>)
          %dma_wait3A_70 = arith.constant 0 : i32
          %dma_wait3A_71 = tpu.memref_slice %arg20[%dma_wait3A_70] : memref<192xf32, #tpu.memory_space<vmem>> -> memref<32xf32, #tpu.memory_space<vmem>>
          %dma_wait3A_72 = tpu.memref_slice %arg6[%mul3A_39] : memref<6144xf32, #tpu.memory_space<hbm>> -> memref<32xf32, #tpu.memory_space<hbm>>
          %dma_wait3A_73 = tpu.memref_slice %arg6[%mul3A_39] : memref<6144xf32, #tpu.memory_space<hbm>> -> memref<32xf32, #tpu.memory_space<hbm>>
          %dma_wait3A_74 = arith.constant 0 : i32
          %dma_wait3A_75 = tpu.memref_slice %arg20[%dma_wait3A_74] : memref<192xf32, #tpu.memory_space<vmem>> -> memref<32xf32, #tpu.memory_space<vmem>>
          tpu.wait_dma2 semaphore(%run_scoped3A : memref<!tpu.dma_semaphore, #tpu.memory_space<semaphore_mem>>) src(%dma_wait3A_75 : memref<32xf32, #tpu.memory_space<vmem>>) dst(%dma_wait3A_73 : memref<32xf32, #tpu.memory_space<hbm>>)
          tpu.yield
        }) : () -> ()
      }
      %while3A_35 = arith.constant 1 : i32
      scf.for %while3A_36 = %while3A_33 to %while3A_29 step %while3A_35  : i32 {
        %add3A_37 = arith.addi %select_n3A, %while3A_36 : i32
        %mul3A_38 = arith.constant 32 : i32
        %mul3A_39 = arith.muli %add3A_37, %mul3A_38 : i32
        %add3A_40 = arith.constant 0 : i32
        %add3A_41 = arith.addi %mul3A_39, %add3A_40 : i32
        %get3A = arith.index_cast %add3A_41 : i32 to index
        %get3A_42 = tpu.vector_load %arg11[%get3A] {strides = array<i32>} : memref<6144xi32, #tpu.memory_space<vmem>>, vector<16xi32>,
        %shift_right_logical3A = arith.constant 1 : i32
        %shift_right_logical3A_43 = vector.broadcast %shift_right_logical3A : i32 to vector<16xi32>
        %shift_right_logical3A_44 = arith.shrui %get3A_42, %shift_right_logical3A_43 : vector<16xi32>
        %swap3A = arith.constant 0 : index
        %swap3A_45 = tpu.vector_load %arg16[%swap3A] {strides = array<i32>} : memref<32xi32, #tpu.memory_space<vmem>>, vector<16xi32>,
        tpu.vector_store %arg16[%swap3A], %shift_right_logical3A_44 {strides = array<i32>} : memref<32xi32, #tpu.memory_space<vmem>>, vector<16xi32>,
        %gather3A = tpu.vector_load_idx %arg10[%get3A_42] : memref<4096xf32, #tpu.memory_space<vmem>>[vector<16xi32>], vector<16xf32>,
        %swap3A_46 = arith.constant 0 : index
        %swap3A_47 = tpu.vector_load %arg20[%swap3A_46] {strides = array<i32>} : memref<192xf32, #tpu.memory_space<vmem>>, vector<16xf32>,
        tpu.vector_store %arg20[%swap3A_46], %gather3A {strides = array<i32>} : memref<192xf32, #tpu.memory_space<vmem>>, vector<16xf32>,
        %add3A_48 = arith.constant 16 : i32
        %add3A_49 = arith.addi %mul3A_39, %add3A_48 : i32
        %get3A_50 = arith.index_cast %add3A_49 : i32 to index
        %get3A_51 = tpu.vector_load %arg11[%get3A_50] {strides = array<i32>} : memref<6144xi32, #tpu.memory_space<vmem>>, vector<16xi32>,
        %shift_right_logical3A_52 = arith.constant 1 : i32
        %shift_right_logical3A_53 = vector.broadcast %shift_right_logical3A_52 : i32 to vector<16xi32>
        %shift_right_logical3A_54 = arith.shrui %get3A_51, %shift_right_logical3A_53 : vector<16xi32>
        %swap3A_55 = arith.constant 16 : index
        %swap3A_56 = tpu.vector_load %arg16[%swap3A_55] {strides = array<i32>} : memref<32xi32, #tpu.memory_space<vmem>>, vector<16xi32>,
        tpu.vector_store %arg16[%swap3A_55], %shift_right_logical3A_54 {strides = array<i32>} : memref<32xi32, #tpu.memory_space<vmem>>, vector<16xi32>,
        %gather3A_57 = tpu.vector_load_idx %arg10[%get3A_51] : memref<4096xf32, #tpu.memory_space<vmem>>[vector<16xi32>], vector<16xf32>,
        %swap3A_58 = arith.constant 16 : index
        %swap3A_59 = tpu.vector_load %arg20[%swap3A_58] {strides = array<i32>} : memref<192xf32, #tpu.memory_space<vmem>>, vector<16xf32>,
        tpu.vector_store %arg20[%swap3A_58], %gather3A_57 {strides = array<i32>} : memref<192xf32, #tpu.memory_space<vmem>>, vector<16xf32>,
        %dma_start3A = arith.constant 0 : i32
        %dma_start3A_60 = arith.constant 0 : i32
        %dma_start3A_61 = tpu.memref_slice %arg4[%dma_start3A, %dma_start3A_60] : memref<2048x1024xf32, #tpu.memory_space<hbm>> -> memref<2048x1024xf32, #tpu.memory_space<hbm>>
        tpu.enqueue_indirect_dma source(%dma_start3A_61 : memref<2048x1024xf32, #tpu.memory_space<hbm>>) target(%arg18 : memref<32x1024xf32, #tpu.memory_space<vmem>>) offsets(%arg16 : memref<32xi32, #tpu.memory_space<vmem>>) semaphore(%arg23 : memref<!tpu.dma_semaphore, #tpu.memory_space<semaphore_mem>>)
        %dma_wait3A = arith.constant 0 : i32
        %dma_wait3A_62 = arith.constant 0 : i32
        %dma_wait3A_63 = tpu.memref_slice %arg4[%dma_wait3A, %dma_wait3A_62] : memref<2048x1024xf32, #tpu.memory_space<hbm>> -> memref<2048x1024xf32, #tpu.memory_space<hbm>>
        tpu.wait_indirect_dma semaphore(%arg23 : memref<!tpu.dma_semaphore, #tpu.memory_space<semaphore_mem>>) src(%dma_wait3A_63 : memref<2048x1024xf32, #tpu.memory_space<hbm>>) dst(%arg18 : memref<32x1024xf32, #tpu.memory_space<vmem>>)
        "tpu.region"() ({
          %run_scoped3A = tpu.sem_alloc : memref<!tpu.dma_semaphore, #tpu.memory_space<semaphore_mem>>
          %dma_start3A_64 = arith.constant 0 : i32
          %dma_start3A_65 = tpu.memref_slice %arg5[%mul3A_39, %dma_start3A_64] : memref<6144x1024xf32, #tpu.memory_space<hbm>> -> memref<32x1024xf32, #tpu.memory_space<hbm>>
          %dma_start3A_66 = arith.constant 0 : i32
          %dma_start3A_67 = tpu.memref_slice %arg5[%mul3A_39, %dma_start3A_66] : memref<6144x1024xf32, #tpu.memory_space<hbm>> -> memref<32x1024xf32, #tpu.memory_space<hbm>>
          tpu.enqueue_dma source(%arg18 : memref<32x1024xf32, #tpu.memory_space<vmem>>) target(%dma_start3A_67 : memref<32x1024xf32, #tpu.memory_space<hbm>>) target_semaphore(%run_scoped3A : memref<!tpu.dma_semaphore, #tpu.memory_space<semaphore_mem>>)
          %dma_wait3A_68 = arith.constant 0 : i32
          %dma_wait3A_69 = tpu.memref_slice %arg5[%mul3A_39, %dma_wait3A_68] : memref<6144x1024xf32, #tpu.memory_space<hbm>> -> memref<32x1024xf32, #tpu.memory_space<hbm>>
          %dma_wait3A_70 = arith.constant 0 : i32
          %dma_wait3A_71 = tpu.memref_slice %arg5[%mul3A_39, %dma_wait3A_70] : memref<6144x1024xf32, #tpu.memory_space<hbm>> -> memref<32x1024xf32, #tpu.memory_space<hbm>>
          tpu.wait_dma2 semaphore(%run_scoped3A : memref<!tpu.dma_semaphore, #tpu.memory_space<semaphore_mem>>) src(%arg18 : memref<32x1024xf32, #tpu.memory_space<vmem>>) dst(%dma_wait3A_71 : memref<32x1024xf32, #tpu.memory_space<hbm>>)
          tpu.yield
        }) : () -> ()
        "tpu.region"() ({
          %run_scoped3A = tpu.sem_alloc : memref<!tpu.dma_semaphore, #tpu.memory_space<semaphore_mem>>
          %dma_start3A_64 = arith.constant 0 : i32
          %dma_start3A_65 = tpu.memref_slice %arg20[%dma_start3A_64] : memref<192xf32, #tpu.memory_space<vmem>> -> memref<32xf32, #tpu.memory_space<vmem>>
          %dma_start3A_66 = tpu.memref_slice %arg6[%mul3A_39] : memref<6144xf32, #tpu.memory_space<hbm>> -> memref<32xf32, #tpu.memory_space<hbm>>
          %dma_start3A_67 = tpu.memref_slice %arg6[%mul3A_39] : memref<6144xf32, #tpu.memory_space<hbm>> -> memref<32xf32, #tpu.memory_space<hbm>>
          %dma_start3A_68 = arith.constant 0 : i32
          %dma_start3A_69 = tpu.memref_slice %arg20[%dma_start3A_68] : memref<192xf32, #tpu.memory_space<vmem>> -> memref<32xf32, #tpu.memory_space<vmem>>
          tpu.enqueue_dma source(%dma_start3A_69 : memref<32xf32, #tpu.memory_space<vmem>>) target(%dma_start3A_67 : memref<32xf32, #tpu.memory_space<hbm>>) target_semaphore(%run_scoped3A : memref<!tpu.dma_semaphore, #tpu.memory_space<semaphore_mem>>)
          %dma_wait3A_70 = arith.constant 0 : i32
          %dma_wait3A_71 = tpu.memref_slice %arg20[%dma_wait3A_70] : memref<192xf32, #tpu.memory_space<vmem>> -> memref<32xf32, #tpu.memory_space<vmem>>
          %dma_wait3A_72 = tpu.memref_slice %arg6[%mul3A_39] : memref<6144xf32, #tpu.memory_space<hbm>> -> memref<32xf32, #tpu.memory_space<hbm>>
          %dma_wait3A_73 = tpu.memref_slice %arg6[%mul3A_39] : memref<6144xf32, #tpu.memory_space<hbm>> -> memref<32xf32, #tpu.memory_space<hbm>>
          %dma_wait3A_74 = arith.constant 0 : i32
          %dma_wait3A_75 = tpu.memref_slice %arg20[%dma_wait3A_74] : memref<192xf32, #tpu.memory_space<vmem>> -> memref<32xf32, #tpu.memory_space<vmem>>
          tpu.wait_dma2 semaphore(%run_scoped3A : memref<!tpu.dma_semaphore, #tpu.memory_space<semaphore_mem>>) src(%dma_wait3A_75 : memref<32xf32, #tpu.memory_space<vmem>>) dst(%dma_wait3A_73 : memref<32xf32, #tpu.memory_space<hbm>>)
          tpu.yield
        }) : () -> ()
      }
    } else {
    }
    return
  }
}

module attributes {stable_mosaic.version = 14 : i64} {
  func.func @_router_body(%arg0: i32, %arg1: memref<256x8xf32, #tpu.memory_space<vmem>>, %arg2: memref<256x4xf32, #tpu.memory_space<vmem>>) attributes {dimension_semantics = [#tpu.dimension_semantics<arbitrary>], iteration_bounds = array<i64: 8>, scalar_prefetch = 0 : i64, scratch_operands = 0 : i64, tpu.core_type = #tpu.core_type<tc>, window_params = [{transform_indices = @transform_0, window_bounds = array<i64: 256, 8>}, {transform_indices = @transform_1, window_bounds = array<i64: 256, 4>}]} {
    %get3A = arith.constant 0 : index
    %get3A_0 = arith.constant 0 : index
    %get3A_1 = vector.load %arg1[%get3A, %get3A_0] : memref<256x8xf32, #tpu.memory_space<vmem>>, vector<256x8xf32>
    %iota3A = tpu.iota {dimensions = array<i32: 1>} : vector<256x8xi32>
    %reduce_max3A = arith.constant dense<0xFF800000> : vector<256xf32>
    %reduce_max3A_2 = vector.multi_reduction <maximumf>, %get3A_1, %reduce_max3A [1] : vector<256x8xf32> to vector<256xf32>
    %broadcast_in_dim3A = vector.shape_cast %reduce_max3A_2 : vector<256xf32> to vector<256x1xf32>
    %ge3A = vector.broadcast %broadcast_in_dim3A : vector<256x1xf32> to vector<256x8xf32>
    %ge3A_3 = arith.cmpf oge, %get3A_1, %ge3A : vector<256x8xf32>
    %jit3A = arith.constant 127 : i32
    %broadcast_in_dim3A_4 = vector.broadcast %jit3A : i32 to vector<256x8xi32>
    %select_n3A = arith.select %ge3A_3, %iota3A, %broadcast_in_dim3A_4 : vector<256x8xi1>, vector<256x8xi32>
    %reduce_min3A = arith.constant dense<2147483647> : vector<256xi32>
    %reduce_min3A_5 = vector.multi_reduction <minsi>, %select_n3A, %reduce_min3A [1] : vector<256x8xi32> to vector<256xi32>
    %broadcast_in_dim3A_6 = vector.shape_cast %reduce_min3A_5 : vector<256xi32> to vector<256x1xi32>
    %eq3A = vector.broadcast %broadcast_in_dim3A_6 : vector<256x1xi32> to vector<256x8xi32>
    %eq3A_7 = arith.cmpi eq, %iota3A, %eq3A : vector<256x8xi32>
    %jit3A_8 = arith.constant -1.000000e+30 : f32
    %broadcast_in_dim3A_9 = vector.broadcast %jit3A_8 : f32 to vector<256x8xf32>
    %select_n3A_10 = arith.select %eq3A_7, %broadcast_in_dim3A_9, %get3A_1 : vector<256x8xi1>, vector<256x8xf32>
    %reduce_max3A_11 = arith.constant dense<0xFF800000> : vector<256xf32>
    %reduce_max3A_12 = vector.multi_reduction <maximumf>, %select_n3A_10, %reduce_max3A_11 [1] : vector<256x8xf32> to vector<256xf32>
    %broadcast_in_dim3A_13 = vector.shape_cast %reduce_max3A_12 : vector<256xf32> to vector<256x1xf32>
    %ge3A_14 = vector.broadcast %broadcast_in_dim3A_13 : vector<256x1xf32> to vector<256x8xf32>
    %ge3A_15 = arith.cmpf oge, %select_n3A_10, %ge3A_14 : vector<256x8xf32>
    %jit3A_16 = arith.constant 127 : i32
    %broadcast_in_dim3A_17 = vector.broadcast %jit3A_16 : i32 to vector<256x8xi32>
    %select_n3A_18 = arith.select %ge3A_15, %iota3A, %broadcast_in_dim3A_17 : vector<256x8xi1>, vector<256x8xi32>
    %reduce_min3A_19 = arith.constant dense<2147483647> : vector<256xi32>
    %reduce_min3A_20 = vector.multi_reduction <minsi>, %select_n3A_18, %reduce_min3A_19 [1] : vector<256x8xi32> to vector<256xi32>
    %broadcast_in_dim3A_21 = vector.shape_cast %reduce_min3A_20 : vector<256xi32> to vector<256x1xi32>
    %sub3A = arith.subf %broadcast_in_dim3A_13, %broadcast_in_dim3A : vector<256x1xf32>
    %exp3A = math.exp %sub3A : vector<256x1xf32>
    %add3A = arith.constant 1.000000e+00 : f32
    %add3A_22 = vector.broadcast %add3A : f32 to vector<256x1xf32>
    %add3A_23 = arith.addf %add3A_22, %exp3A : vector<256x1xf32>
    %div3A = arith.constant 1.000000e+00 : f32
    %div3A_24 = vector.broadcast %div3A : f32 to vector<256x1xf32>
    %div3A_25 = arith.divf %div3A_24, %add3A_23 : vector<256x1xf32>
    %add3A_26 = arith.constant 1.000000e+00 : f32
    %add3A_27 = vector.broadcast %add3A_26 : f32 to vector<256x1xf32>
    %add3A_28 = arith.addf %add3A_27, %exp3A : vector<256x1xf32>
    %div3A_29 = arith.divf %exp3A, %add3A_28 : vector<256x1xf32>
    %convert_element_type3A = arith.sitofp %broadcast_in_dim3A_6 : vector<256x1xi32> to vector<256x1xf32>
    %swap3A = arith.constant 0 : index
    %swap3A_30 = arith.constant 0 : index
    %swap3A_31 = vector.load %arg2[%swap3A, %swap3A_30] : memref<256x4xf32, #tpu.memory_space<vmem>>, vector<256x1xf32>
    tpu.vector_store %arg2[%swap3A, %swap3A_30], %convert_element_type3A {strides = array<i32>} : memref<256x4xf32, #tpu.memory_space<vmem>>, vector<256x1xf32>,
    %convert_element_type3A_32 = arith.sitofp %broadcast_in_dim3A_21 : vector<256x1xi32> to vector<256x1xf32>
    %swap3A_33 = arith.constant 0 : index
    %swap3A_34 = arith.constant 1 : index
    %swap3A_35 = vector.load %arg2[%swap3A_33, %swap3A_34] : memref<256x4xf32, #tpu.memory_space<vmem>>, vector<256x1xf32>
    tpu.vector_store %arg2[%swap3A_33, %swap3A_34], %convert_element_type3A_32 {strides = array<i32>} : memref<256x4xf32, #tpu.memory_space<vmem>>, vector<256x1xf32>,
    %swap3A_36 = arith.constant 0 : index
    %swap3A_37 = arith.constant 2 : index
    %swap3A_38 = vector.load %arg2[%swap3A_36, %swap3A_37] : memref<256x4xf32, #tpu.memory_space<vmem>>, vector<256x1xf32>
    tpu.vector_store %arg2[%swap3A_36, %swap3A_37], %div3A_25 {strides = array<i32>} : memref<256x4xf32, #tpu.memory_space<vmem>>, vector<256x1xf32>,
    %swap3A_39 = arith.constant 0 : index
    %swap3A_40 = arith.constant 3 : index
    %swap3A_41 = vector.load %arg2[%swap3A_39, %swap3A_40] : memref<256x4xf32, #tpu.memory_space<vmem>>, vector<256x1xf32>
    tpu.vector_store %arg2[%swap3A_39, %swap3A_40], %div3A_29 {strides = array<i32>} : memref<256x4xf32, #tpu.memory_space<vmem>>, vector<256x1xf32>,
    return
  }
  func.func @transform_0(%arg0: i32) -> (i32, i32) {
    %c0_i32 = arith.constant 0 : i32
    %c0_i32_0 = arith.constant 0 : i32
    return %arg0, %c0_i32 : i32, i32
  }
  func.func @transform_1(%arg0: i32) -> (i32, i32) {
    %c0_i32 = arith.constant 0 : i32
    %c0_i32_0 = arith.constant 0 : i32
    return %arg0, %c0_i32 : i32, i32
  }
}

module attributes {stable_mosaic.version = 14 : i64} {
  func.func @_ffn_body(%arg0: i32, %arg1: memref<2x32xi32, #tpu.memory_space<smem>>, %arg2: memref<256x1024xf32, #tpu.memory_space<vmem>>, %arg3: memref<1x512x1024xf32, #tpu.memory_space<vmem>>, %arg4: memref<1x512x1024xf32, #tpu.memory_space<vmem>>, %arg5: memref<1x1024x512xf32, #tpu.memory_space<vmem>>, %arg6: memref<256x1xf32, #tpu.memory_space<vmem>>, %arg7: memref<256x1024xf32, #tpu.memory_space<vmem>>) attributes {dimension_semantics = [#tpu.dimension_semantics<arbitrary>], iteration_bounds = array<i64: 24>, scalar_prefetch = 1 : i64, scratch_operands = 0 : i64, tpu.core_type = #tpu.core_type<tc>, window_params = [{transform_indices = @transform_0, window_bounds = array<i64: 256, 1024>}, {transform_indices = @transform_1, window_bounds = array<i64: 1, 512, 1024>}, {transform_indices = @transform_2, window_bounds = array<i64: 1, 512, 1024>}, {transform_indices = @transform_3, window_bounds = array<i64: 1, 1024, 512>}, {transform_indices = @transform_4, window_bounds = array<i64: 256, 1>}, {transform_indices = @transform_5, window_bounds = array<i64: 256, 1024>}]} {
    %get3A = arith.constant 1 : index
    %get3A_0 = arith.index_cast %arg0 : i32 to index
    %get3A_1 = memref.load %arg1[%get3A, %get3A_0] : memref<2x32xi32, #tpu.memory_space<smem>>
    %eq3A = arith.constant 1 : i32
    %eq3A_2 = arith.cmpi eq, %get3A_1, %eq3A : i32
    %convert_element_type3A = arith.extui %eq3A_2 : i1 to i32
    %cond3A = arith.constant 0 : i32
    %cond3A_3 = arith.cmpi ne, %convert_element_type3A, %cond3A : i32
    scf.if %cond3A_3 {
      %get3A_4 = arith.constant 0 : index
      %get3A_5 = arith.constant 0 : index
      %get3A_6 = vector.load %arg2[%get3A_4, %get3A_5] : memref<256x1024xf32, #tpu.memory_space<vmem>>, vector<256x1024xf32>
      %get3A_7 = arith.constant 0 : index
      %get3A_8 = arith.constant 0 : index
      %get3A_9 = arith.constant 0 : index
      %get3A_10 = vector.load %arg3[%get3A_7, %get3A_8, %get3A_9] : memref<1x512x1024xf32, #tpu.memory_space<vmem>>, vector<1x512x1024xf32>
      %get3A_11 = vector.shape_cast %get3A_10 : vector<1x512x1024xf32> to vector<512x1024xf32>
      %dot_general3A = arith.constant dense<0.000000e+00> : vector<256x512xf32>
      %dot_general3A_12 = tpu.matmul %get3A_6, %get3A_11, %dot_general3A {dimension_numbers = #tpu.dot_dimension_numbers<[1], [1], [0], [0], [0, 0, 1, 0], [], []>, transpose_lhs_hint = false} : vector<256x1024xf32>, vector<512x1024xf32>, vector<256x512xf32> -> vector<256x512xf32>
      %get3A_13 = arith.constant 0 : index
      %get3A_14 = arith.constant 0 : index
      %get3A_15 = arith.constant 0 : index
      %get3A_16 = vector.load %arg4[%get3A_13, %get3A_14, %get3A_15] : memref<1x512x1024xf32, #tpu.memory_space<vmem>>, vector<1x512x1024xf32>
      %get3A_17 = vector.shape_cast %get3A_16 : vector<1x512x1024xf32> to vector<512x1024xf32>
      %dot_general3A_18 = arith.constant dense<0.000000e+00> : vector<256x512xf32>
      %dot_general3A_19 = tpu.matmul %get3A_6, %get3A_17, %dot_general3A_18 {dimension_numbers = #tpu.dot_dimension_numbers<[1], [1], [0], [0], [0, 0, 1, 0], [], []>, transpose_lhs_hint = false} : vector<256x1024xf32>, vector<512x1024xf32>, vector<256x512xf32> -> vector<256x512xf32>
      %logistic3A = arith.negf %dot_general3A_12 : vector<256x512xf32>
      %logistic3A_20 = math.exp %logistic3A : vector<256x512xf32>
      %logistic3A_21 = arith.constant 1.000000e+00 : f32
      %logistic3A_22 = vector.broadcast %logistic3A_21 : f32 to vector<256x512xf32>
      %logistic3A_23 = arith.addf %logistic3A_22, %logistic3A_20 : vector<256x512xf32>
      %logistic3A_24 = arith.divf %logistic3A_22, %logistic3A_23 : vector<256x512xf32>
      %mul3A = arith.mulf %dot_general3A_12, %logistic3A_24 : vector<256x512xf32>
      %mul3A_25 = arith.mulf %mul3A, %dot_general3A_19 : vector<256x512xf32>
      %get3A_26 = arith.constant 0 : index
      %get3A_27 = arith.constant 0 : index
      %get3A_28 = arith.constant 0 : index
      %get3A_29 = vector.load %arg5[%get3A_26, %get3A_27, %get3A_28] : memref<1x1024x512xf32, #tpu.memory_space<vmem>>, vector<1x1024x512xf32>
      %get3A_30 = vector.shape_cast %get3A_29 : vector<1x1024x512xf32> to vector<1024x512xf32>
      %dot_general3A_31 = arith.constant dense<0.000000e+00> : vector<256x1024xf32>
      %dot_general3A_32 = tpu.matmul %mul3A_25, %get3A_30, %dot_general3A_31 {dimension_numbers = #tpu.dot_dimension_numbers<[1], [1], [0], [0], [0, 0, 1, 0], [], []>, transpose_lhs_hint = false} : vector<256x512xf32>, vector<1024x512xf32>, vector<256x1024xf32> -> vector<256x1024xf32>
      %get3A_33 = arith.constant 0 : index
      %get3A_34 = arith.constant 0 : index
      %get3A_35 = vector.load %arg6[%get3A_33, %get3A_34] : memref<256x1xf32, #tpu.memory_space<vmem>>, vector<256x1xf32>
      %mul3A_36 = vector.broadcast %get3A_35 : vector<256x1xf32> to vector<256x1024xf32>
      %mul3A_37 = arith.mulf %dot_general3A_32, %mul3A_36 : vector<256x1024xf32>
      %swap3A = arith.constant 0 : index
      %swap3A_38 = arith.constant 0 : index
      %swap3A_39 = vector.load %arg7[%swap3A, %swap3A_38] : memref<256x1024xf32, #tpu.memory_space<vmem>>, vector<256x1024xf32>
      tpu.vector_store %arg7[%swap3A, %swap3A_38], %mul3A_37 {strides = array<i32>} : memref<256x1024xf32, #tpu.memory_space<vmem>>, vector<256x1024xf32>,
    } else {
    }
    return
  }
  func.func @transform_0(%arg0: i32, %arg1: memref<2x32xi32, #tpu.memory_space<smem>>) -> (i32, i32) {
    %c0_i32 = arith.constant 0 : i32
    %c0_i32_0 = arith.constant 0 : i32
    return %arg0, %c0_i32 : i32, i32
  }
  func.func @transform_1(%arg0: i32, %arg1: memref<2x32xi32, #tpu.memory_space<smem>>) -> (i32, i32, i32) {
    %get3A = arith.constant 0 : index
    %get3A_0 = arith.index_cast %arg0 : i32 to index
    %get3A_1 = memref.load %arg1[%get3A, %get3A_0] : memref<2x32xi32, #tpu.memory_space<smem>>
    %c0_i32 = arith.constant 0 : i32
    %c0_i32_2 = arith.constant 0 : i32
    %c0_i32_3 = arith.constant 0 : i32
    return %get3A_1, %c0_i32, %c0_i32_2 : i32, i32, i32
  }
  func.func @transform_2(%arg0: i32, %arg1: memref<2x32xi32, #tpu.memory_space<smem>>) -> (i32, i32, i32) {
    %get3A = arith.constant 0 : index
    %get3A_0 = arith.index_cast %arg0 : i32 to index
    %get3A_1 = memref.load %arg1[%get3A, %get3A_0] : memref<2x32xi32, #tpu.memory_space<smem>>
    %c0_i32 = arith.constant 0 : i32
    %c0_i32_2 = arith.constant 0 : i32
    %c0_i32_3 = arith.constant 0 : i32
    return %get3A_1, %c0_i32, %c0_i32_2 : i32, i32, i32
  }
  func.func @transform_3(%arg0: i32, %arg1: memref<2x32xi32, #tpu.memory_space<smem>>) -> (i32, i32, i32) {
    %get3A = arith.constant 0 : index
    %get3A_0 = arith.index_cast %arg0 : i32 to index
    %get3A_1 = memref.load %arg1[%get3A, %get3A_0] : memref<2x32xi32, #tpu.memory_space<smem>>
    %c0_i32 = arith.constant 0 : i32
    %c0_i32_2 = arith.constant 0 : i32
    %c0_i32_3 = arith.constant 0 : i32
    return %get3A_1, %c0_i32, %c0_i32_2 : i32, i32, i32
  }
  func.func @transform_4(%arg0: i32, %arg1: memref<2x32xi32, #tpu.memory_space<smem>>) -> (i32, i32) {
    %c0_i32 = arith.constant 0 : i32
    %c0_i32_0 = arith.constant 0 : i32
    return %arg0, %c0_i32 : i32, i32
  }
  func.func @transform_5(%arg0: i32, %arg1: memref<2x32xi32, #tpu.memory_space<smem>>) -> (i32, i32) {
    %c0_i32 = arith.constant 0 : i32
    %c0_i32_0 = arith.constant 0 : i32
    return %arg0, %c0_i32 : i32, i32
  }
}

</mosaic_0001>

<sc_bundles>
// kernel: kernel.6.cloned.1.call-start
scs
__scs_entry_jumppad:
0x0: {  	(pc) =	sbr.rel $0x88, $3  }
0x1: {  	(tag) =	ssettag $0x0;
	lr =	simm.s32 $0x1  }
0x2: {  	[smem:$0x3F9C] =	sst lr;
	_ =	strace $0xD0000000  }
0x3: {  	_ = 	snop  }
0x4: {  	_ = 	snop  }
0x5: {  	_ = 	snop  }
0x6: {  	_ = 	snop  }
0x7: {  	_ = 	snop  }
__scs_overlays_trampoline_lowered:
0x8: {  	[smem:$0x3FAB] =	sst s0  }
0x9: {  	[smem:$0x3FAC] =	sst s1  }
0xa: {  	[smem:$0x3FAD] =	sst s2  }
0xb: {  	[smem:$0x3FAE] =	sst s3  }
0xc: {  	[smem:$0x3FAF] =	sst s4  }
0xd: {  	[smem:$0x3FB0] =	sst s5  }
0xe: {  	[smem:$0x3FB1] =	sst s6  }
0xf: {  	[smem:$0x3FB2] =	sst s7  }
0x10: {  	[smem:$0x3FB3] =	sst s8  }
0x11: {  	[smem:$0x3FB4] =	sst s9;
	s0 =	simm.s32 @!p0 $0x0  }
0x12: {  	s1 =	sld [smem:$0x3F9A];
	s0 =	simm.s32 @p0 $0x1  }
0x13: {  	[smem:$0x3FB5] =	sst s0;
	s0 =	simm.s32 @!p1 $0x0  }
0x14: {  	s2 =	sld [smem:$0x3F99];
	s0 =	simm.s32 @p1 $0x1  }
0x15: {  	[smem:$0x3FB6] =	sst s0;
	s0 =	simm.s32 @!p2 $0x0  }
0x16: {  	s3 =	sld [smem:$0x3FDB];
	s0 =	simm.s32 @p2 $0x1  }
0x17: {  	s4 =	simm.s32 $0x1BF5;
	[smem:$0x3FB8] =	sst s0  }
0x18: {  	s0 =	sld [smem:$0x3F9B];
	_ =	swait.ge [sflag:s4], $0x0  }
0x19: {  	s7 =	sld [smem:$0x3F9C]  }
0x1a: {  	s8 =	sadd.s32 $0xFFFFE003, lr  }
0x1b: {  	s9 =	sadd.s32 $0xFFFFFEF7, lr;
	s5 =	simm.s32 $0xFFFFFFFF;
	p2 =	slt.u32 s8, $0xFFFFF086  }
0x1c: {  	p1 =	slt.u32 s9, $0xF7A;
	s5 =	simm.s32 @!p2 $0x0  }
0x1d: {  	s5 =	simm.s32 @p1 $0x1;
	p0 =	seq.s32 s7, s2  }
0x1e: {  	s7 =	smul.u32 @!p0 $0xF7A, s2;
	p2 =	seq.s32 @!p0 s5, $0x0  }
0x1f: {  	s9 =	smul.u32 $0xF7A, s1;
	s8 =	simm.s32 @!p0 $0x1BF5;
	p2 =	por !p2, p0  }
0x20: {  	[sflag:s8] =	ssyncset.s32 @!p0 $0xFFFFF086;
	s6 =	sadd.s32 @!p0 s3, s7;
	s7 =	simm.s32 @!p0 $0x108  }
0x21: {  	s3 =	sadd.s32 s3, s9;
	s6 =	sadd.s32 @!p0 $0x88, s6;
	s7 =	simm.s32 @p2 $0x1082  }
0x22: {  	[simem:s7], [sflag:s8] =	dma.local @!p0 [hbm:s6], $0xF7A  }
0x23: {  	s9 =	sor.u32 $0xD0000000, s2;
	s6 =	simm.s32 $0x108;
	_ =	swait.ge @!p0 [sflag:s8], $0x0  }
0x24: {  	s3 =	sadd.s32 $0x88, s3;
	s6 =	simm.s32 @!p1 $0x1082;
	[sflag:s4] =	ssyncset.s32 $0xFFFFF086  }
0x25: {  	[simem:s6], [sflag:s4] =	dma.local [hbm:s3], $0xF7A  }
0x26: {  	[smem:$0x3F9C] =	sst s1;
	(tag) =	ssettag s2;
	_ =	strace s9  }
0x27: {  	s1 =	sld [smem:$0x3FAC]  }
0x28: {  	s2 =	sld [smem:$0x3FAD]  }
0x29: {  	s4 =	sld [smem:$0x3FAF]  }
0x2a: {  	p0 =	seq.s32 s5, $0x0;
	s5 =	sld [smem:$0x3FB0]  }
0x2b: {  	s6 =	sld [smem:$0x3FB1]  }
0x2c: {  	s7 =	sld [smem:$0x3FB2]  }
0x2d: {  	s3 =	simm.s32 $0x108;
	s8 =	sld [smem:$0x3FB3]  }
0x2e: {  	s3 =	simm.s32 @!p0 $0x1082;
	s9 =	sld [smem:$0x3FB4]  }
0x2f: {  	lr =	sadd.s32 s0, s3;
	s0 =	sld [smem:$0x3FAB]  }
0x30: {  	s3 =	sld [smem:$0x3FAE]  }
0x31: {  	[smem:$0x3FB7] =	sst s10  }
0x32: {  	s10 =	sld [smem:$0x3FB5];
	_ =	sdelay $0x3  }
0x33: {  	p0 =	seq.s32 s10, $0x1;
	s10 =	sld [smem:$0x3FB7];
	_ =	sdelay $0x3  }
0x34: {  	[smem:$0x3FB7] =	sst s10  }
0x35: {  	s10 =	sld [smem:$0x3FB6];
	_ =	sdelay $0x3  }
0x36: {  	p1 =	seq.s32 s10, $0x1;
	s10 =	sld [smem:$0x3FB7];
	_ =	sdelay $0x3  }
0x37: {  	[smem:$0x3FB7] =	sst s10  }
0x38: {  	s10 =	sld [smem:$0x3FB8]  }
0x39: {  	_ = 	snop;
	(pc) =	sbr.ind lr, $3  }
0x3a: {  	_ = 	snop  }
0x3b: {  	_ = 	snop  }
0x3c: {  	p2 =	seq.s32 s10, $0x1;
	s10 =	sld [smem:$0x3FB7]  }
0x3d: {  	_ =	shalt  }
0x3e: {  	_ =	shalt  }
0x3f: {  	_ =	shalt  }
0x40: {  	_ =	shalt  }
0x41: {  	_ =	shalt  }
0x42: {  	_ =	shalt  }
0x43: {  	_ =	shalt  }
0x44: {  	_ =	shalt  }
0x45: {  	_ =	shalt  }
0x46: {  	_ =	shalt  }
0x47: {  	_ =	shalt  }
0x48: {  	_ =	shalt  }
0x49: {  	_ =	shalt  }
0x4a: {  	_ =	shalt  }
0x4b: {  	_ =	shalt  }
0x4c: {  	_ =	shalt  }
0x4d: {  	_ =	shalt  }
0x4e: {  	_ =	shalt  }
0x4f: {  	_ =	shalt  }
0x50: {  	_ =	shalt  }
0x51: {  	_ =	shalt  }
0x52: {  	_ =	shalt  }
0x53: {  	_ =	shalt  }
0x54: {  	_ =	shalt  }
0x55: {  	_ =	shalt  }
0x56: {  	_ =	shalt  }
0x57: {  	_ =	shalt  }
0x58: {  	_ =	shalt  }
0x59: {  	_ =	shalt  }
0x5a: {  	_ =	shalt  }
0x5b: {  	_ =	shalt  }
0x5c: {  	_ =	shalt  }
0x5d: {  	_ =	shalt  }
0x5e: {  	_ =	shalt  }
0x5f: {  	_ =	shalt  }
0x60: {  	_ =	shalt  }
0x61: {  	_ =	shalt  }
0x62: {  	_ =	shalt  }
0x63: {  	_ =	shalt  }
0x64: {  	_ =	shalt  }
0x65: {  	_ =	shalt  }
0x66: {  	_ =	shalt  }
0x67: {  	_ =	shalt  }
0x68: {  	_ =	shalt  }
0x69: {  	_ =	shalt  }
0x6a: {  	_ =	shalt  }
0x6b: {  	_ =	shalt  }
0x6c: {  	_ =	shalt  }
0x6d: {  	_ =	shalt  }
0x6e: {  	_ =	shalt  }
0x6f: {  	_ =	shalt  }
0x70: {  	_ =	shalt  }
0x71: {  	_ =	shalt  }
0x72: {  	_ =	shalt  }
0x73: {  	_ =	shalt  }
0x74: {  	_ =	shalt  }
0x75: {  	_ =	shalt  }
0x76: {  	_ =	shalt  }
0x77: {  	_ =	shalt  }
0x78: {  	_ =	shalt  }
0x79: {  	_ =	shalt  }
0x7a: {  	_ =	shalt  }
0x7b: {  	_ =	shalt  }
0x7c: {  	_ =	shalt  }
0x7d: {  	_ =	shalt  }
0x7e: {  	_ =	shalt  }
0x7f: {  	_ =	shalt  }
0x80: {  	_ =	shalt  }
0x81: {  	_ =	shalt  }
0x82: {  	_ =	shalt  }
0x83: {  	_ =	shalt  }
0x84: {  	_ =	shalt  }
0x85: {  	_ =	shalt  }
0x86: {  	_ =	shalt  }
0x87: {  	_ =	shalt  }
.Lfunc_end0:
.L_simem_size_0:
called_computation_lowered:
.L_overlay_start_0:
0x88: {  	s2 =	sld [smem:$0x3FD9]  }
0x89: {  	s3 =	sld [smem:$0x3FFE];
	_ =	sdelay $0x1  }
0x8a: {  	s1 =	srdreg.scid  }
0x8b: {  	s0 =	sand.u32 $0x1, s1  }
0x8c: {  	s17 =	sshll.u32 s0, $0xA;
	s2 =	sadd.s32 s3, s2  }
0x8d: {  	s2 =	sadd.s32 s2, s17  }
0x8e: {  	[smem:$0x3FC3] =	sst s2  }
0x8f: {  	_ = 	snop  }
0x90: {  	s2 =	sld [smem:$0x3FC9]  }
0x91: {  	s18 =	sld [smem:$0x3FD0];
	(tm) =	ssettm $0x1  }
0x92: {  	s4 =	sld [smem:$0x3FFB];
	_ =	sdelay $0x3  }
0x93: {  	_ =	strace s4  }
0x94: {  	s4 =	sld [smem:$0x3FFC];
	_ =	sdelay $0x3  }
0x95: {  	_ =	strace s4  }
0x96: {  	s4 =	sld [smem:$0x3FFD];
	_ =	sdelay $0x3  }
0x97: {  	_ =	strace s4  }
0x98: {  	_ =	strace $0x8FFFFFFF  }
0x99: {  	s19 =	sld [smem:$0x3FDB];
	_ =	sdelay $0x1  }
0x9a: {  	s5 =	simm.s32 $_scs_section_size  }
0x9b: {  	s6 =	simm.s32 $_size__tile_overlayer_lowered;
	s7 =	simm.s32 $_tile_overlayer_lowered  }
0x9c: {  	s22 =	simm.s32 $0x1BFF;
	s21 =	sshll.u32 s7, $0x1;
	s4 =	sadd.s32 s5, s19  }
0x9d: {  	s8 =	simm.s32 $0x0;
	s20 =	sshll.u32 s6, $0x1;
	s6 =	sadd.s32 s21, s4  }
0x9e: {  	[timem:s8], [sflag:s22] =	dma.local [hbm:s6], s20  }
0x9f: {  	_ =	swait.ge [sflag:s22], s20  }
0xa0: {  	s5 =	ssub.s32 $0x0, s20;
	[sflag:s22] =	ssyncset.done $0x0  }
0xa1: {  	[sflag:s22] =	ssyncadd.s32 s5;
	_ =	sdelay $0x1  }
0xa2: {  	s23 =	simm.s32 $0x1B8B  }
0xa3: {  	_ =	swait.ge [sflag:s23], $0x1  }
0xa4: {  	[sflag:s23] =	ssyncset.done $0x0  }
0xa5: {  	s25 =	simm.s32 $0x1B8E;
	s24 =	sld [smem:$0x3FFE];
	[sflag:s23] =	ssyncadd.s32 $0xFFFFFFFF  }
0xa6: {  	s26 =	simm.s32 $execute0_lowered;
	[smem:$0x3FD2] =	sst s25  }
0xa7: {  	s6 =	sshll.u32 s26, $0x1;
	_ =	strace $0x80000046;
	[dreg:$0x1] =	wrdreg $0xFFFFFFFF  }
0xa8: {  	s28 =	simm.s32 $_size_execute0_lowered;
	s4 =	sadd.s32 s4, s6;
	[dreg:$0x0] =	wrdreg $0x0  }
0xa9: {  	s6 =	sshll.u32 s28, $0x1;
	[dreg:$0x2] =	wrdreg s4  }
0xaa: {  	[dreg:$0x3] =	wrdreg s6  }
0xab: {  	[dreg:$0x4] =	wrdreg $0xC0  }
0xac: {  	_ =	task [dreg:s8], $0x5FFFF  }
0xad: {  	[dreg:$0x1] =	wrdreg $0xFFFFFFFF  }
0xae: {  	[dreg:$0x0] =	wrdreg $0x60  }
0xaf: {  	[dreg:$0x2] =	wrdreg s24  }
0xb0: {  	[dreg:$0x3] =	wrdreg s2  }
0xb1: {  	[dreg:$0x4] =	wrdreg s18  }
0xb2: {  	[dreg:$0x5] =	wrdreg $0x38000  }
0xb3: {  	[dreg:$0x6] =	wrdreg $0x9  }
0xb4: {  	_ =	task.clear_ibuf [dreg:s8], $0x7FFFF;
	_ =	strace $0x90000046  }
0xb5: {  	s29 =	simm.s32 $0x9;
	_ =	strace $0x80000048  }
0xb6: {  	_ =	swait.ge [sflag:s29], $0x1  }
0xb7: {  	[sflag:s29] =	ssyncadd.s32 $0xFFFFFFFF  }
0xb8: {  	_ =	strace $0x90000048  }
0xb9: {  	_ =	sfence  }
0xba: {  	s30 =	sld [smem:$0x0];
	_ =	sdelay $0x2  }
0xbb: {  	s31 =	sshll.u32 s1, $0xD;
	s1 =	sshrl.u32 s1, $0x2  }
0xbc: {  	s3 =	sand.u32 $0x4000, s31;
	s1 =	sadd.s32 s1, s30  }
0xbd: {  	s0 =	sor.u32 s3, s0;
	s1 =	sshll.u32 s1, $0x11  }
0xbe: {  	s0 =	sor.u32 s1, s0  }
0xbf: {  	s0 =	sadd.s32 $0x8F2B, s0  }
0xc0: {  	[sflag:s0] =	ssyncadd.remote.s32 $0x1  }
0xc1: {  	_ =	sfence.sel $0xFFFF  }
0xc2: {  	[dreg:$0x0] =	wrdreg $0xFFFFFFFF;
	(pc) =	sbr.abs _section_cstart, $3  }
0xc3: {  	[dreg:$0x1] =	wrdreg $0xFFFFFFFF  }
0xc4: {  	_ =	task.clear_ibuf [dreg:s8], $0x2FFFF;
	_ =	strace $0x9FFFFFFF  }
0xc5: {  	(tm) =	ssettm $0x7FFFFFFF  }
tec
execute0_lowered:
.L_overlay_start_1:
0x0: {  	(tag) =	ssettag $0x1  }
0x1: {  	s0 =	rddreg [dreg:$0x0]  }
0x2: {  	s1 =	rddreg [dreg:$0x1]  }
0x3: {  	s2 =	rddreg [dreg:$0x2];
	s3 =	simm.s32 $0x0;
	s8 =	srdreg.scid  }
0x4: {  	s7 =	stileid.u32;
	s16 =	simm.s32 $0x1000;
	s17 =	simm.s32 $0x2  }
0x5: {  	s18 =	simm.s32 $0xCC00;
	s22 =	simm.s32 $0x5300;
	s23 =	simm.s32 $0x5B00  }
0x6: {  	s24 =	simm.s32 $0x6300;
	s25 =	simm.s32 $0x6B00;
	[dreg:$0x6] =	wrdreg s2  }
0x7: {  	s26 =	simm.s32 $0x7300;
	[smem:$0x7FF] =	sst s3;
	s4 =	sadd.s32 $0x2600, s0  }
0x8: {  	s5 =	sadd.s32 $0x2400, s0;
	_ =	strace $0x80000047;
	[dreg:$0xc] =	wrdreg s4  }
0x9: {  	s28 =	simm.s32 $0x9300;
	s6 =	sadd.s32 $0x2A00, s0;
	[dreg:$0xd] =	wrdreg s5  }
0xa: {  	s29 =	simm.s32 $0x9B00;
	s11 =	sadd.s32 $0xC2A00, s0;
	[dreg:$0x5] =	wrdreg s6  }
0xb: {  	s30 =	simm.s32 $0xA300;
	s0 =	sadd.s32 $0x2800, s0;
	[dreg:$0xe] =	wrdreg s11  }
0xc: {  	s31 =	simm.s32 $0xAB00;
	s2 =	sand.u32 $0x1, s8;
	[dreg:$0xf] =	wrdreg s0  }
0xd: {  	s13 =	ssub.s32 $0x0, s7;
	p2 =	seq.s32 s7, $0x0;
	[dreg:$0x7] =	wrdreg s22  }
0xe: {  	s9 =	smul.u32 $0xF, s2;
	s10 =	ssub.s32 $0x2, s2;
	[dreg:$0x8] =	wrdreg s23  }
0xf: {  	s15 =	sshll.u32 s2, $0x4;
	s2 =	smul.u32 $0x2D00, s2;
	[dreg:$0x9] =	wrdreg s24  }
0x10: {  	s5 =	simm.s32 $0x7;
	s11 =	sadd.s32 $0x300, s1;
	[dreg:$0xa] =	wrdreg s25  }
0x11: {  	s23 =	simm.s32 $0x4B00;
	[dreg:$0xb] =	wrdreg s26;
	s24 =	simm.s32 $0x7B00  }
0x12: {  	s25 =	simm.s32 $0x8300;
	s26 =	simm.s32 $0x8B00;
	s8 =	sshrl.u32 s10, $0x1  }
0x13: {  	s4 =	sadd.s32 s7, s9;
	s12 =	ssub.s32 s10, s8;
	s10 =	smul.u32 $0x300, s7  }
0x14: {  	s22 =	simm.s32 $0xBB00;
	p1 =	sne.s32 s15, s13;
	s9 =	smul.u32 $0x7, s4  }
0x15: {  	s14 =	smul.u32 $0x6, s4;
	p0 =	slt.u32 s4, $0xD;
	s4 =	smin.u32 s4, $0xD  }
0x16: {  	s0 =	smax.u32 s12, $0x1;
	s2 =	sadd.s32 s10, s2;
	s4 =	sshll.u32 s4, $0x7  }
0x17: {  	s5 =	simm.s32 @!p0 $0x6;
	s10 =	sadd.s32 $0x200, s1;
	[dreg:$0x11] =	wrdreg s0  }
0x18: {  	s9 =	sadd.s32 $0xFFFFFFF9, s9;
	s6 =	sadd.s32 $0x6, s14;
	[dreg:$0x10] =	wrdreg s5  }
0x19: {  	s2 =	sadd.s32 s4, s2;
	s4 =	simm.s32 $0xC300;
	s6 =	smov.u32 @p0 s9  }
0x1a: {  	v14 =	vlaneseq.u32;
	v1 =	vimm.s32 $0x0;
	v2 =	vimm.s32 $0x11;
	s9 =	sadd.s32 $0x100, s1;
	s2 =	sadd.s32 $0xFFFFFC80, s2;
	p0 =	sne.s32 s7, $0x0  }
.Ltmp0:
0x1b: {  	v4 =	vimm.s32 $0x12;
	v5 =	vimm.s32 $0x13;
	v6 =	vimm.s32 $0x14;
	s7 =	simm.s32 $0x0;
	s19 =	sshll.u32 s6, $0xC;
	(pc) =	sbr.rel .LBB2_1-.Ltmp0, $4  }
0x1c: {  	v7 =	vimm.s32 $0x15;
	v8 =	vimm.s32 $0x16;
	v9 =	vimm.s32 $0x17;
	s20 =	sshra.s32 s2, $0x2;
	s21 =	sshll.u32 s6, $0x5;
	[dreg:$0x12] =	wrdreg s19  }
0x1d: {  	vm0 =	vmmov $0xffff;
	v0 =	vmul.u32 $0x100, v14;
	v13 =	vshrl.u32 v14, $0x3;
	s2 =	simm.s32 $0x1;
	s6 =	simm.s32 $0xCB00;
	[dreg:$0x13] =	wrdreg s21  }
0x1e: {  	v12 =	vand.u32 $0x7, v14;
	v14 =	vor.u32 $0x8, v14;
	v13 =	vmul.u32 $0x8, v13;
	s0 =	sadd.s32 $0x2000, s20;
	s19 =	simm.s32 $0xCC80;
	s20 =	simm.s32 $0x2000  }
0x1f: {  	v3 =	vor.u32 $0x1, v0;
	v10 =	vor.u32 $0x1001, v0;
	v11 =	vor.u32 $0x1000, v0;
	s21 =	simm.s32 $0x3980;
	[dreg:$0x14] =	wrdreg s0;
	s0 =	simm.s32 $0xB300  }
.LBB2_20:
0x20: {  	s7 =	sadd.s32 $0x1, s7;
	s5 =	rddreg [dreg:$0x11]  }
0x21: {  	p3 =	sne.s32 s7, s5  }
.Ltmp1:
0x22: {  	_ = 	snop;
	(pc) =	sbr.rel @!p3 .LBB2_21-.Ltmp1, $1  }
0x23: {  	_ =	sdelay $0x3  }
.LBB2_1:
.Ltmp2:
0x24: {  	s5 =	rddreg [dreg:$0xd];
	(pc) =	sbr.rel @p0 .LBB2_15-.Ltmp2, $4  }
0x25: {  	[tilespmem:s16], [sflag:$0x2] =	stream.linear.gather [hbm4b:s5+s3], $0x1000, $0x38;
	[tilespmem:$0xCD00] =	vst v63  }
0x26: {  	_ =	swait.ge [sflag:s17], $0x1000  }
0x27: {  	[sflag:s17] =	ssyncset.done $0x0  }
0x28: {  	[sflag:s17] =	ssyncadd.s32 $0xFFFFF000  }
0x29: {  	s8 =	simm.s32 $0x0;
	s5 =	rddreg [dreg:$0xc]  }
0x2a: {  	[tilespmem:s8], [sflag:$0x2] =	stream.linear.gather [hbm4b:s5+s8], $0x1000, $0x38;
	[tilespmem:$0xCD00] =	vst v63  }
0x2b: {  	_ =	swait.ge [sflag:s17], $0x1000  }
0x2c: {  	[sflag:s17] =	ssyncset.done $0x0  }
0x2d: {  	s13 =	simm.s32 $0x0;
	s8 =	simm.s32 $0x40;
	[sflag:s17] =	ssyncadd.s32 $0xFFFFF000  }
.LBB2_3:
0x2e: {  	p3 =	sne.s32 s8, $0x5FC0;
	[tilespmem:s13+$0x2000] =	vst v1;
	s13 =	smov.u32 s8;
	s8 =	sadd.s32 $0x40, s8  }
.Ltmp3:
0x2f: {  	(pc) =	sbr.rel @p3 .LBB2_3-.Ltmp3, $2  }
0x30: {  	_ =	sdelay $0x2  }
0x31: {  	s13 =	sshra.s32 s13, $0x2  }
0x32: {  	[tilespmem:s13+$0x2000] =	vst v1  }
0x33: {  	s13 =	simm.s32 $0x0;
	s8 =	simm.s32 $0x40;
	[tilespmem:$0xCC00] =	vst v1  }
.LBB2_5:
0x34: {  	p3 =	sne.s32 s8, $0xFC0;
	v15 =	vld [tilespmem:s13+$0x0];
	_ =	sdelay $0x4  }
0x35: {  	(xrf1) =	vunique.msk.u32 $0xffff, v15;
	_ =	sdelay $0xc  }
0x36: {  	v16 =	vld.idx.msk [tilespmem:v15+s18+$0x0], $0xffff  }
0x37: {  	_, v17, vm1 =	vpop (xrf1);
	_ =	sdelay $0x1  }
.Ltmp4:
0x38: {  	(pc) =	sbr.rel @p3 .LBB2_5-.Ltmp4, $3  }
0x39: {  	_ =	sdelay $0x1  }
0x3a: {  	v16 =	vadd.s32 v16, v17  }
0x3b: {  	s13 =	sshra.s32 s8, $0x2;
	s8 =	sadd.s32 $0x40, s8;
	[tilespmem:v15+s18+$0x0] =	vst.idx.msk vm1, v16  }
0x3c: {  	v15 =	vld [tilespmem:s13+$0x0];
	_ =	sdelay $0x4  }
0x3d: {  	(xrf1) =	vunique.msk.u32 $0xffff, v15;
	_ =	sdelay $0xd  }
0x3e: {  	v16 =	vld.idx.msk [tilespmem:v15+s18+$0x0], $0xffff;
	_, v17, vm1 =	vpop (xrf1);
	_ =	sdelay $0x4  }
0x3f: {  	v16 =	vadd.s32 v16, v17  }
0x40: {  	[tilespmem:v15+s18+$0x0] =	vst.idx.msk vm1, v16  }
0x41: {  	s13 =	simm.s32 $0x0;
	s8 =	simm.s32 $0x40;
	v15 =	vld [tilespmem:$0xCC00]  }
.LBB2_7:
0x42: {  	p3 =	sne.s32 s8, $0xFC0;
	v16 =	vld [tilespmem:s13+$0x400];
	_ =	sdelay $0x4  }
0x43: {  	(xrf1) =	vunique.msk.u32 $0xffff, v16;
	_ =	sdelay $0xc  }
0x44: {  	v17 =	vld.idx.msk [tilespmem:v16+s18+$0x0], $0xffff  }
0x45: {  	_, v18, vm1 =	vpop (xrf1);
	_ =	sdelay $0x1  }
.Ltmp5:
0x46: {  	(pc) =	sbr.rel @p3 .LBB2_7-.Ltmp5, $3  }
0x47: {  	_ =	sdelay $0x1  }
0x48: {  	v17 =	vadd.s32 v17, v18  }
0x49: {  	s13 =	sshra.s32 s8, $0x2;
	s8 =	sadd.s32 $0x40, s8;
	[tilespmem:v16+s18+$0x0] =	vst.idx.msk vm1, v17  }
0x4a: {  	v16 =	vld [tilespmem:s13+$0x400];
	_ =	sdelay $0x4  }
0x4b: {  	(xrf1) =	vunique.msk.u32 $0xffff, v16;
	_ =	sdelay $0xd  }
0x4c: {  	v17 =	vld.idx.msk [tilespmem:v16+s18+$0x0], $0xffff;
	_, v18, vm1 =	vpop (xrf1);
	_ =	sdelay $0x4  }
0x4d: {  	v17 =	vadd.s32 v17, v18  }
0x4e: {  	[tilespmem:v16+s18+$0x0] =	vst.idx.msk vm1, v17  }
0x4f: {  	s13 =	simm.s32 $0x0;
	s8 =	simm.s32 $0x40;
	v16 =	vld [tilespmem:$0xCC00]  }
.LBB2_9:
0x50: {  	p3 =	sne.s32 s8, $0xFC0;
	v17 =	vld [tilespmem:s13+$0x800];
	_ =	sdelay $0x4  }
0x51: {  	(xrf1) =	vunique.msk.u32 $0xffff, v17;
	_ =	sdelay $0xc  }
0x52: {  	v18 =	vld.idx.msk [tilespmem:v17+s18+$0x0], $0xffff  }
0x53: {  	_, v19, vm1 =	vpop (xrf1);
	_ =	sdelay $0x1  }
.Ltmp6:
0x54: {  	(pc) =	sbr.rel @p3 .LBB2_9-.Ltmp6, $3  }
0x55: {  	_ =	sdelay $0x1  }
0x56: {  	v18 =	vadd.s32 v18, v19  }
0x57: {  	s13 =	sshra.s32 s8, $0x2;
	s8 =	sadd.s32 $0x40, s8;
	[tilespmem:v17+s18+$0x0] =	vst.idx.msk vm1, v18  }
0x58: {  	v17 =	vld [tilespmem:s13+$0x800];
	_ =	sdelay $0x4  }
0x59: {  	(xrf1) =	vunique.msk.u32 $0xffff, v17;
	_ =	sdelay $0xd  }
0x5a: {  	v18 =	vld.idx.msk [tilespmem:v17+s18+$0x0], $0xffff;
	_, v19, vm1 =	vpop (xrf1);
	_ =	sdelay $0x4  }
0x5b: {  	v18 =	vadd.s32 v18, v19  }
0x5c: {  	[tilespmem:v17+s18+$0x0] =	vst.idx.msk vm1, v18  }
0x5d: {  	s13 =	simm.s32 $0x0;
	s8 =	simm.s32 $0x40;
	v17 =	vld [tilespmem:$0xCC00]  }
.LBB2_11:
0x5e: {  	p3 =	sne.s32 s8, $0xFC0;
	v18 =	vld [tilespmem:s13+$0xC00];
	_ =	sdelay $0x4  }
0x5f: {  	(xrf1) =	vunique.msk.u32 $0xffff, v18;
	_ =	sdelay $0xc  }
0x60: {  	v19 =	vld.idx.msk [tilespmem:v18+s18+$0x0], $0xffff  }
0x61: {  	_, v20, vm1 =	vpop (xrf1);
	_ =	sdelay $0x1  }
.Ltmp7:
0x62: {  	(pc) =	sbr.rel @p3 .LBB2_11-.Ltmp7, $3  }
0x63: {  	_ =	sdelay $0x1  }
0x64: {  	v19 =	vadd.s32 v19, v20  }
0x65: {  	s13 =	sshra.s32 s8, $0x2;
	s8 =	sadd.s32 $0x40, s8;
	[tilespmem:v18+s18+$0x0] =	vst.idx.msk vm1, v19  }
0x66: {  	v18 =	vld [tilespmem:s13+$0xC00];
	_ =	sdelay $0x4  }
0x67: {  	(xrf1) =	vunique.msk.u32 $0xffff, v18;
	_ =	sdelay $0xd  }
0x68: {  	v19 =	vld.idx.msk [tilespmem:v18+s18+$0x0], $0xffff;
	_, v20, vm1 =	vpop (xrf1);
	_ =	sdelay $0x4  }
0x69: {  	v19 =	vadd.s32 v19, v20  }
0x6a: {  	[tilespmem:v18+s18+$0x0] =	vst.idx.msk vm1, v19  }
0x6b: {  	v18 =	vld [tilespmem:$0xCC00];
	_ =	sdelay $0x4  }
0x6c: {  	v18 =	vadd.s32 $0xFF, v18  }
0x6d: {  	v18 =	vand.u32 $0xFFFFFF00, v18  }
0x6e: {  	(xrf0) =	vadd.scan.msk.s32 $0xffff, v18;
	_ =	sdelay $0x5  }
0x6f: {  	v19, _, _ =	vpop (xrf0)  }
0x70: {  	v18 =	vsub.s32 v19, v18  }
0x71: {  	[tilespmem:$0xCC10] =	vst v18  }
0x72: {  	[tilespmem:$0xCC80] =	vst v18;
	v15 =	vadd.s32 v15, v18  }
0x73: {  	[tilespmem:$0xCC90] =	vst v15;
	v15 =	vadd.s32 v16, v18  }
0x74: {  	v16 =	vadd.s32 v17, v18;
	[tilespmem:$0xCCA0] =	vst v15;
	v15 =	vlaneseq.u32  }
0x75: {  	s8 =	simm.s32 $0x0;
	s13 =	simm.s32 $0x0;
	[tilespmem:$0xCCB0] =	vst v16;
	v16 =	vor.u32 $0x400, v15;
	v17 =	vor.u32 $0x800, v15;
	v18 =	vor.u32 $0xC00, v15  }
.LBB2_13:
0x76: {  	v19 =	vld [tilespmem:s8+$0x0];
	_ =	sdelay $0x4  }
0x77: {  	(xrf1) =	vunique.msk.u32 $0xffff, v19;
	_ =	sdelay $0x9  }
0x78: {  	v20 =	vld.idx.msk [tilespmem:v19+s19+$0x0], $0xffff;
	_ =	sdelay $0x3  }
0x79: {  	_, v21, vm1 =	vpop (xrf1)  }
0x7a: {  	v20 =	vadd.s32 v20, v21  }
0x7b: {  	v21 =	vadd.s32 $0xFFFFFFFF, v20;
	_ =	sdelay $0x4  }
0x7c: {  	[tilespmem:v21+s20+$0x0] =	vst.idx.msk $0xffff, v15  }
0x7d: {  	[tilespmem:v15+s21+$0x0] =	vst.idx.msk $0xffff, v21  }
0x7e: {  	s14 =	sand.u32 $0x3F0, s13;
	[tilespmem:v19+s19+$0x0] =	vst.idx.msk vm1, v20  }
0x7f: {  	v19 =	vld [tilespmem:s14+$0x400];
	_ =	sdelay $0x4  }
0x80: {  	(xrf1) =	vunique.msk.u32 $0xffff, v19;
	_ =	sdelay $0x4  }
0x81: {  	v19 =	vadd.s32 $0x10, v19;
	_ =	sdelay $0x4  }
0x82: {  	v20 =	vld.idx.msk [tilespmem:v19+s19+$0x0], $0xffff;
	_ =	sdelay $0x3  }
0x83: {  	_, v61, vm1 =	vpop (xrf1)  }
0x84: {  	v20 =	vadd.s32 v20, v61  }
0x85: {  	v21 =	vadd.s32 $0xFFFFFFFF, v20;
	_ =	sdelay $0x4  }
0x86: {  	[tilespmem:v21+s20+$0x0] =	vst.idx.msk $0xffff, v16  }
0x87: {  	[tilespmem:v16+s21+$0x0] =	vst.idx.msk $0xffff, v21  }
0x88: {  	[tilespmem:v19+s19+$0x0] =	vst.idx.msk vm1, v20  }
0x89: {  	v19 =	vld [tilespmem:s14+$0x800];
	_ =	sdelay $0x4  }
0x8a: {  	(xrf1) =	vunique.msk.u32 $0xffff, v19;
	_ =	sdelay $0x4  }
0x8b: {  	v19 =	vadd.s32 $0x20, v19;
	_ =	sdelay $0x4  }
0x8c: {  	v20 =	vld.idx.msk [tilespmem:v19+s19+$0x0], $0xffff;
	_ =	sdelay $0x3  }
0x8d: {  	_, v62, vm1 =	vpop (xrf1)  }
0x8e: {  	v20 =	vadd.s32 v20, v62  }
0x8f: {  	v21 =	vadd.s32 $0xFFFFFFFF, v20;
	_ =	sdelay $0x4  }
0x90: {  	[tilespmem:v21+s20+$0x0] =	vst.idx.msk $0xffff, v17  }
0x91: {  	[tilespmem:v17+s21+$0x0] =	vst.idx.msk $0xffff, v21  }
0x92: {  	[tilespmem:v19+s19+$0x0] =	vst.idx.msk vm1, v20  }
0x93: {  	v19 =	vld [tilespmem:s14+$0xC00];
	_ =	sdelay $0x4  }
0x94: {  	(xrf1) =	vunique.msk.u32 $0xffff, v19;
	_ =	sdelay $0x4  }
0x95: {  	v19 =	vadd.s32 $0x30, v19;
	_ =	sdelay $0x4  }
0x96: {  	v20 =	vld.idx.msk [tilespmem:v19+s19+$0x0], $0xffff;
	_ =	sdelay $0x3  }
0x97: {  	_, v63, vm1 =	vpop (xrf1)  }
0x98: {  	v20 =	vadd.s32 v20, v63  }
0x99: {  	v21 =	vadd.s32 $0xFFFFFFFF, v20;
	_ =	sdelay $0x1  }
0x9a: {  	p3 =	sne.s32 s13, $0x3F0  }
.Ltmp8:
0x9b: {  	_ = 	snop;
	(pc) =	sbr.rel @p3 .LBB2_13-.Ltmp8, $4  }
0x9c: {  	_ = 	snop  }
0x9d: {  	[tilespmem:v21+s20+$0x0] =	vst.idx.msk $0xffff, v18  }
0x9e: {  	v15 =	vadd.s32 $0x10, v15;
	[tilespmem:v18+s21+$0x0] =	vst.idx.msk $0xffff, v21  }
0x9f: {  	s8 =	sadd.s32 $0x10, s8;
	s13 =	sadd.s32 $0x10, s13;
	v16 =	vadd.s32 $0x10, v16;
	v17 =	vadd.s32 $0x10, v17;
	v18 =	vadd.s32 $0x10, v18;
	[tilespmem:v19+s19+$0x0] =	vst.idx.msk vm1, v20  }
0xa0: {  	s5 =	rddreg [dreg:$0x3]  }
0xa1: {  	[spmem:s5] =	stream.linear.scatter [tilespmem:s20], [sflag:$0x2], $0x1800, $0x38;
	[tilespmem:$0xCD00] =	vst v63  }
0xa2: {  	_ =	swait.ge [sflag:s17], $0x1800  }
0xa3: {  	[sflag:s17] =	ssyncset.done $0x0  }
0xa4: {  	[sflag:s17] =	ssyncadd.s32 $0xFFFFE800  }
.LBB2_15:
.Ltmp9:
0xa5: {  	(pc) =	sbr.rel @p1 .LBB2_17-.Ltmp9, $2  }
0xa6: {  	_ =	sdelay $0x1  }
0xa7: {  	[bflag:$0x0] =	sbarrier.arrive $0xFFFF;
	_ =	sdelay $0x1  }
0xa8: {  	_ =	sdelay $0x3  }
0xa9: {  	v15 =	vld.idx.msk [tilespmem:v2+s18+$0x0], $0xffff  }
0xaa: {  	v16 =	vld.idx.msk [tilespmem:v4+s18+$0x0], $0xffff  }
0xab: {  	v17 =	vld.idx.msk [tilespmem:v5+s18+$0x0], $0xffff  }
0xac: {  	v18 =	vld.idx.msk [tilespmem:v6+s18+$0x0], $0xffff  }
0xad: {  	v19 =	vld.idx.msk [tilespmem:v7+s18+$0x0], $0xffff  }
0xae: {  	v20 =	vld.idx.msk [tilespmem:v8+s18+$0x0], $0xffff  }
0xaf: {  	vm1 =	vlt.s32 v15, v3;
	vm2 =	vlt.s32 v16, v3;
	v15 =	vld.idx.msk [tilespmem:v9+s18+$0x0], $0xffff  }
0xb0: {  	v46 =	vsel vm1, $0x1, v1;
	v21 =	vsel vm2, $0x1, v1;
	vm1 =	vlt.s32 v17, v3  }
0xb1: {  	v16 =	vadd.s32 v46, v21;
	v17 =	vsel vm1, $0x1, v1;
	vm1 =	vlt.s32 v18, v3  }
0xb2: {  	v16 =	vadd.s32 v17, v16;
	v47 =	vsel vm1, $0x1, v1;
	vm1 =	vlt.s32 v19, v3  }
0xb3: {  	v16 =	vadd.s32 v47, v16;
	v48 =	vsel vm1, $0x1, v1;
	vm1 =	vlt.s32 v20, v3  }
0xb4: {  	v16 =	vadd.s32 v48, v16;
	v49 =	vsel vm1, $0x1, v1;
	vm1 =	vlt.s32 v15, v3  }
0xb5: {  	v15 =	vadd.s32 v49, v16;
	v50 =	vsel vm1, $0x1, v1  }
0xb6: {  	v15 =	vadd.s32 v50, v15  }
0xb7: {  	v16 =	vadd.s32 $0x10, v15;
	_ =	sdelay $0x4  }
0xb8: {  	v16 =	vld.idx.msk [tilespmem:v16+s18+$0x0], $0xffff  }
0xb9: {  	v51 =	vld.idx.msk [tilespmem:v15+s18+$0x0], $0xffff;
	_ =	sdelay $0x3  }
0xba: {  	v16 =	vsub.s32 v0, v16  }
0xbb: {  	vm1 =	vlt.s32 v16, v51  }
0xbc: {  	[tilespmem:$0x4980] =	vst v15;
	v15 =	vsel vm1, $0x1, v1  }
0xbd: {  	[tilespmem:$0x4A00] =	vst v15  }
0xbe: {  	v15 =	vld.idx.msk [tilespmem:v2+s18+$0x0], $0xffff  }
0xbf: {  	v52 =	vld.idx.msk [tilespmem:v4+s18+$0x0], $0xffff  }
0xc0: {  	v53 =	vld.idx.msk [tilespmem:v5+s18+$0x0], $0xffff  }
0xc1: {  	v54 =	vld.idx.msk [tilespmem:v6+s18+$0x0], $0xffff  }
0xc2: {  	v55 =	vld.idx.msk [tilespmem:v7+s18+$0x0], $0xffff  }
0xc3: {  	v56 =	vld.idx.msk [tilespmem:v8+s18+$0x0], $0xffff  }
0xc4: {  	vm1 =	vlt.s32 v15, v10;
	vm2 =	vlt.s32 v52, v10;
	v15 =	vld.idx.msk [tilespmem:v9+s18+$0x0], $0xffff  }
0xc5: {  	v57 =	vsel vm1, $0x1, v1;
	v58 =	vsel vm2, $0x1, v1;
	vm1 =	vlt.s32 v53, v10  }
0xc6: {  	v16 =	vadd.s32 v57, v58;
	v17 =	vsel vm1, $0x1, v1;
	vm1 =	vlt.s32 v54, v10  }
0xc7: {  	v16 =	vadd.s32 v17, v16;
	v59 =	vsel vm1, $0x1, v1;
	vm1 =	vlt.s32 v55, v10  }
0xc8: {  	v16 =	vadd.s32 v59, v16;
	v60 =	vsel vm1, $0x1, v1;
	vm1 =	vlt.s32 v56, v10  }
0xc9: {  	v16 =	vadd.s32 v60, v16;
	v61 =	vsel vm1, $0x1, v1;
	vm1 =	vlt.s32 v15, v10  }
0xca: {  	v15 =	vadd.s32 v61, v16;
	v62 =	vsel vm1, $0x1, v1  }
0xcb: {  	v15 =	vadd.s32 v62, v15  }
0xcc: {  	v16 =	vadd.s32 $0x10, v15;
	_ =	sdelay $0x4  }
0xcd: {  	v16 =	vld.idx.msk [tilespmem:v16+s18+$0x0], $0xffff  }
0xce: {  	v63 =	vld.idx.msk [tilespmem:v15+s18+$0x0], $0xffff;
	_ =	sdelay $0x3  }
0xcf: {  	v16 =	vsub.s32 v11, v16  }
0xd0: {  	vm1 =	vlt.s32 v16, v63  }
0xd1: {  	[tilespmem:$0x4990] =	vst v15;
	v15 =	vsel vm1, $0x1, v1  }
0xd2: {  	s5 =	rddreg [dreg:$0xf];
	s8 =	simm.s32 $0x4980;
	[tilespmem:$0x4A10] =	vst v15  }
0xd3: {  	[hbm4b:s5+s3] =	stream.linear.scatter [tilespmem:s8], [sflag:$0x2], $0x100, $0x38;
	[tilespmem:$0xCD00] =	vst v63  }
0xd4: {  	_ =	swait.ge [sflag:s17], $0x100  }
0xd5: {  	[sflag:s17] =	ssyncset.done $0x0  }
0xd6: {  	s15 =	rddreg [dreg:$0xe];
	[sflag:s17] =	ssyncadd.s32 $0xFFFFFF00  }
0xd7: {  	[hbm4b:s15+s3] =	stream.linear.scatter [tilespmem:s21], [sflag:$0x2], $0x1000, $0x38;
	[tilespmem:$0xCD00] =	vst v63  }
0xd8: {  	_ =	swait.ge [sflag:s17], $0x1000  }
0xd9: {  	[sflag:s17] =	ssyncset.done $0x0  }
0xda: {  	[sflag:s17] =	ssyncadd.s32 $0xFFFFF000  }
.LBB2_17:
.Ltmp10:
0xdb: {  	(pc) =	sbr.rel @p2 .LBB2_20-.Ltmp10, $1  }
0xdc: {  	_ =	sdelay $0x3  }
0xdd: {  	s5 =	rddreg [dreg:$0x3]  }
0xde: {  	[tilespmem:s20], [sflag:$0x2] =	stream.linear.gather [spmem:s5], $0x1800, $0x38;
	[tilespmem:$0xCD00] =	vst v63  }
0xdf: {  	_ =	swait.ge [sflag:s17], $0x1800  }
0xe0: {  	s15 =	rddreg [dreg:$0x14]  }
0xe1: {  	s14 =	rddreg [dreg:$0x13]  }
0xe2: {  	[sflag:s17] =	ssyncset.done $0x0;
	s13 =	rddreg [dreg:$0x12]  }
0xe3: {  	s8 =	rddreg [dreg:$0x10];
	[sflag:s17] =	ssyncadd.s32 $0xFFFFE800  }
.LBB2_19:
0xe4: {  	v15 =	vld [tilespmem:s15+$0x0];
	_ =	sdelay $0x5  }
0xe5: {  	v16 =	vshrl.u32 v15, $0x1  }
0xe6: {  	[tilespmem:$0x4A80] =	vst v16  }
0xe7: {  	v15 =	vld.idx.msk [tilespmem:v15+s16+$0x0], $0xffff;
	_ =	sdelay $0x4  }
0xe8: {  	[tilespmem:$0xCB00] =	vst v15;
	v15 =	vld [tilespmem:$0x4A80]  }
0xe9: {  	v16 =	vld [tilespmem:s15+$0x10];
	_ =	sdelay $0x3  }
0xea: {  	v17 =	vshll.u32 v15, $0x3  }
0xeb: {  	v15 =	vand.u32 $0x7, v15;
	v17 =	vand.u32 $0xFFFFFFC0, v17  }
0xec: {  	v61 =	vshrl.u32 v16, $0x1;
	v15 =	vor.u32 v15, v17  }
0xed: {  	[tilespmem:$0x4A90] =	vst v61;
	v62 =	vperm.xlane v15, v12  }
0xee: {  	v16 =	vld.idx.msk [tilespmem:v16+s16+$0x0], $0xffff  }
0xef: {  	v17 =	vadd.s32 v13, v62;
	_ =	sdelay $0x3  }
0xf0: {  	[tilespmem:$0xCB10] =	vst v16  }
0xf1: {  	[tilespmem:s23], [sflag:$0x1] =	stream.indirect_vreg.gather [hbm4b:s1+s3], $0x80, v17, vm0, $0xb8;
	[tilespmem:$0xCD00] =	vst v63  }
0xf2: {  	s5 =	rddreg [dreg:$0x7];
	v15 =	vperm.xlane v15, v14  }
0xf3: {  	[tilespmem:s5], [sflag:$0x1] =	stream.indirect_vreg.gather [hbm4b:s9+s3], $0x80, v17, vm0, $0xb8;
	[tilespmem:$0xCD00] =	vst v63  }
0xf4: {  	s12 =	rddreg [dreg:$0x8];
	v15 =	vadd.s32 v13, v15  }
0xf5: {  	[tilespmem:s12], [sflag:$0x1] =	stream.indirect_vreg.gather [hbm4b:s10+s3], $0x80, v17, vm0, $0xb8;
	[tilespmem:$0xCD00] =	vst v63  }
0xf6: {  	s5 =	rddreg [dreg:$0x9]  }
0xf7: {  	[tilespmem:s5], [sflag:$0x1] =	stream.indirect_vreg.gather [hbm4b:s11+s3], $0x80, v17, vm0, $0xb8;
	[tilespmem:$0xCD00] =	vst v63  }
0xf8: {  	s12 =	rddreg [dreg:$0xa]  }
0xf9: {  	[tilespmem:s12], [sflag:$0x1] =	stream.indirect_vreg.gather [hbm4b:s1+s3], $0x80, v15, vm0, $0xb8;
	[tilespmem:$0xCD00] =	vst v63  }
0xfa: {  	s5 =	rddreg [dreg:$0xb]  }
0xfb: {  	[tilespmem:s5], [sflag:$0x1] =	stream.indirect_vreg.gather [hbm4b:s9+s3], $0x80, v15, vm0, $0xb8;
	[tilespmem:$0xCD00] =	vst v63  }
0xfc: {  	_ = 	snop  }
0xfd: {  	[tilespmem:s24], [sflag:$0x1] =	stream.indirect_vreg.gather [hbm4b:s10+s3], $0x80, v15, vm0, $0xb8;
	[tilespmem:$0xCD00] =	vst v63  }
0xfe: {  	_ = 	snop  }
0xff: {  	[tilespmem:s25], [sflag:$0x1] =	stream.indirect_vreg.gather [hbm4b:s11+s3], $0x80, v15, vm0, $0xb8;
	[tilespmem:$0xCD00] =	vst v63  }
0x100: {  	v15 =	vld [tilespmem:$0x4A90];
	_ =	sdelay $0x4  }
0x101: {  	v63 =	vshll.u32 v15, $0x3  }
0x102: {  	v15 =	vand.u32 $0x7, v15;
	v16 =	vand.u32 $0xFFFFFFC0, v63  }
0x103: {  	v15 =	vor.u32 v15, v16  }
0x104: {  	v16 =	vperm.xlane v15, v12;
	_ =	sdelay $0x1  }
0x105: {  	v16 =	vadd.s32 v13, v16;
	_ =	sdelay $0x4  }
0x106: {  	[tilespmem:s26], [sflag:$0x1] =	stream.indirect_vreg.gather [hbm4b:s1+s3], $0x80, v16, vm0, $0xb8;
	[tilespmem:$0xCD00] =	vst v63  }
0x107: {  	v15 =	vperm.xlane v15, v14  }
0x108: {  	[tilespmem:s28], [sflag:$0x1] =	stream.indirect_vreg.gather [hbm4b:s9+s3], $0x80, v16, vm0, $0xb8;
	[tilespmem:$0xCD00] =	vst v63  }
0x109: {  	v15 =	vadd.s32 v13, v15  }
0x10a: {  	[tilespmem:s29], [sflag:$0x1] =	stream.indirect_vreg.gather [hbm4b:s10+s3], $0x80, v16, vm0, $0xb8;
	[tilespmem:$0xCD00] =	vst v63  }
0x10b: {  	_ = 	snop  }
0x10c: {  	[tilespmem:s30], [sflag:$0x1] =	stream.indirect_vreg.gather [hbm4b:s11+s3], $0x80, v16, vm0, $0xb8;
	[tilespmem:$0xCD00] =	vst v63  }
0x10d: {  	_ = 	snop  }
0x10e: {  	[tilespmem:s31], [sflag:$0x1] =	stream.indirect_vreg.gather [hbm4b:s1+s3], $0x80, v15, vm0, $0xb8;
	[tilespmem:$0xCD00] =	vst v63  }
0x10f: {  	_ = 	snop  }
0x110: {  	[tilespmem:s0], [sflag:$0x1] =	stream.indirect_vreg.gather [hbm4b:s9+s3], $0x80, v15, vm0, $0xb8;
	[tilespmem:$0xCD00] =	vst v63  }
0x111: {  	_ = 	snop  }
0x112: {  	[tilespmem:s22], [sflag:$0x1] =	stream.indirect_vreg.gather [hbm4b:s10+s3], $0x80, v15, vm0, $0xb8;
	[tilespmem:$0xCD00] =	vst v63  }
0x113: {  	_ = 	snop  }
0x114: {  	[tilespmem:s4], [sflag:$0x1] =	stream.indirect_vreg.gather [hbm4b:s11+s3], $0x80, v15, vm0, $0xb8;
	[tilespmem:$0xCD00] =	vst v63  }
0x115: {  	_ =	swait.ge [sflag:s2], $0x8000  }
0x116: {  	s12 =	sand.u32 $0x1FFFF000, s13;
	s5 =	rddreg [dreg:$0x5];
	[sflag:s2] =	ssyncset.done $0x0  }
0x117: {  	[sflag:s2] =	ssyncadd.s32 $0xFFFF8000;
	s5 =	sadd.s32 s5, s12  }
0x118: {  	[hbm4b:s5+s3] =	stream.linear.scatter [tilespmem:s23], [sflag:$0x2], $0x8000, $0x38;
	[tilespmem:$0xCD00] =	vst v63  }
0x119: {  	p3 =	sne.s32 s8, $0x1;
	_ =	swait.ge [sflag:s17], $0x8000  }
0x11a: {  	s12 =	sshrl.u32 s14, $0x3;
	s5 =	rddreg [dreg:$0x6];
	[sflag:s17] =	ssyncset.done $0x0  }
.Ltmp11:
0x11b: {  	[sflag:s17] =	ssyncadd.s32 $0xFFFF8000;
	s5 =	sadd.s32 s5, s12;
	(pc) =	sbr.rel @p3 .LBB2_19-.Ltmp11, $4  }
0x11c: {  	[hbm4b:s5+s3] =	stream.linear.scatter [tilespmem:s6], [sflag:$0x2], $0x20, $0x38;
	[tilespmem:$0xCD00] =	vst v63  }
0x11d: {  	_ =	swait.ge [sflag:s17], $0x20  }
0x11e: {  	s8 =	sadd.s32 $0xFFFFFFFF, s8;
	s15 =	sadd.s32 $0x20, s15;
	[sflag:s17] =	ssyncset.done $0x0  }
0x11f: {  	s13 =	sadd.s32 $0x1000, s13;
	s14 =	sadd.s32 $0x20, s14;
	[sflag:s17] =	ssyncadd.s32 $0xFFFFFFE0  }
.Ltmp12:
0x120: {  	_ = 	snop;
	(pc) =	sbr.rel .LBB2_20-.Ltmp12, $1  }
0x121: {  	_ =	sdelay $0x3  }
.LBB2_21:
0x122: {  	_ =	sfence.sel $0x180000  }
0x123: {  	[bflag:$0x0] =	sbarrier.arrive $0xFFFF  }
0x124: {  	_ =	strace $0x90000047  }
0x125: {  	[bflag:$0x2] =	sbarrier.arrive $0xFFFF  }
0x126: {  	s0 =	rddreg [dreg:$0x4]  }
0x127: {  	s0 =	sadd.s32 @!p0 $0x100000, s0  }
0x128: {  	[sflag:s0] =	ssyncadd.tile.s32 @!p0 $0x1;
	_ =	shalt  }
.Lfunc_end2:
_tile_overlayer_lowered:
.L_overlay_start_2:
0x129: {  	(tag) =	ssettag $0x2  }
0x12a: {  	s0 =	rddreg [dreg:$0x0];
	s2 =	stileid.u32  }
0x12b: {  	s1 =	rddreg [dreg:$0x1];
	p0 =	sne.s32 s2, $0x0  }
0x12c: {  	s3 =	rddreg [dreg:$0x2];
	[bflag:$0x3] =	sbarrier.arrive $0xFFFF;
	s2 =	simm.s32 @!p0 $0x1C02  }
0x12d: {  	[timem:s3], [sflag:s2] =	dma.local @!p0 [hbm:s0], s1  }
0x12e: {  	s0 =	simm.s32 @!p0 $0x2  }
0x12f: {  	_ =	swait.ge @!p0 [sflag:s0], s1  }
0x130: {  	s1 =	ssub.s32 @!p0 $0x0, s1;
	[sflag:s0] =	ssyncset.done @!p0 $0x0  }
0x131: {  	[sflag:s0] =	ssyncadd.s32 @!p0 s1  }
0x132: {  	[bflag:$0x3] =	sbarrier.arrive $0xFFFF  }
0x133: {  	_ =	shalt  }

// kernel: kernel.9.cloned.1.call-start
scs
__scs_entry_jumppad:
0x0: {  	(pc) =	sbr.rel $0x88, $3  }
0x1: {  	(tag) =	ssettag $0x0;
	lr =	simm.s32 $0x1  }
0x2: {  	[smem:$0x3F9C] =	sst lr;
	_ =	strace $0xD0000000  }
0x3: {  	_ = 	snop  }
0x4: {  	_ = 	snop  }
0x5: {  	_ = 	snop  }
0x6: {  	_ = 	snop  }
0x7: {  	_ = 	snop  }
__scs_overlays_trampoline_lowered:
0x8: {  	[smem:$0x3FAB] =	sst s0  }
0x9: {  	[smem:$0x3FAC] =	sst s1  }
0xa: {  	[smem:$0x3FAD] =	sst s2  }
0xb: {  	[smem:$0x3FAE] =	sst s3  }
0xc: {  	[smem:$0x3FAF] =	sst s4  }
0xd: {  	[smem:$0x3FB0] =	sst s5  }
0xe: {  	[smem:$0x3FB1] =	sst s6  }
0xf: {  	[smem:$0x3FB2] =	sst s7  }
0x10: {  	[smem:$0x3FB3] =	sst s8  }
0x11: {  	[smem:$0x3FB4] =	sst s9;
	s0 =	simm.s32 @!p0 $0x0  }
0x12: {  	s1 =	sld [smem:$0x3F9A];
	s0 =	simm.s32 @p0 $0x1  }
0x13: {  	[smem:$0x3FB5] =	sst s0;
	s0 =	simm.s32 @!p1 $0x0  }
0x14: {  	s2 =	sld [smem:$0x3F99];
	s0 =	simm.s32 @p1 $0x1  }
0x15: {  	[smem:$0x3FB6] =	sst s0;
	s0 =	simm.s32 @!p2 $0x0  }
0x16: {  	s3 =	sld [smem:$0x3FDB];
	s0 =	simm.s32 @p2 $0x1  }
0x17: {  	s4 =	simm.s32 $0x1BF5;
	[smem:$0x3FB8] =	sst s0  }
0x18: {  	s0 =	sld [smem:$0x3F9B];
	_ =	swait.ge [sflag:s4], $0x0  }
0x19: {  	s7 =	sld [smem:$0x3F9C]  }
0x1a: {  	s8 =	sadd.s32 $0xFFFFE003, lr  }
0x1b: {  	s9 =	sadd.s32 $0xFFFFFEF7, lr;
	s5 =	simm.s32 $0xFFFFFFFF;
	p2 =	slt.u32 s8, $0xFFFFF086  }
0x1c: {  	p1 =	slt.u32 s9, $0xF7A;
	s5 =	simm.s32 @!p2 $0x0  }
0x1d: {  	s5 =	simm.s32 @p1 $0x1;
	p0 =	seq.s32 s7, s2  }
0x1e: {  	s7 =	smul.u32 @!p0 $0xF7A, s2;
	p2 =	seq.s32 @!p0 s5, $0x0  }
0x1f: {  	s9 =	smul.u32 $0xF7A, s1;
	s8 =	simm.s32 @!p0 $0x1BF5;
	p2 =	por !p2, p0  }
0x20: {  	[sflag:s8] =	ssyncset.s32 @!p0 $0xFFFFF086;
	s6 =	sadd.s32 @!p0 s3, s7;
	s7 =	simm.s32 @!p0 $0x108  }
0x21: {  	s3 =	sadd.s32 s3, s9;
	s6 =	sadd.s32 @!p0 $0x88, s6;
	s7 =	simm.s32 @p2 $0x1082  }
0x22: {  	[simem:s7], [sflag:s8] =	dma.local @!p0 [hbm:s6], $0xF7A  }
0x23: {  	s9 =	sor.u32 $0xD0000000, s2;
	s6 =	simm.s32 $0x108;
	_ =	swait.ge @!p0 [sflag:s8], $0x0  }
0x24: {  	s3 =	sadd.s32 $0x88, s3;
	s6 =	simm.s32 @!p1 $0x1082;
	[sflag:s4] =	ssyncset.s32 $0xFFFFF086  }
0x25: {  	[simem:s6], [sflag:s4] =	dma.local [hbm:s3], $0xF7A  }
0x26: {  	[smem:$0x3F9C] =	sst s1;
	(tag) =	ssettag s2;
	_ =	strace s9  }
0x27: {  	s1 =	sld [smem:$0x3FAC]  }
0x28: {  	s2 =	sld [smem:$0x3FAD]  }
0x29: {  	s4 =	sld [smem:$0x3FAF]  }
0x2a: {  	p0 =	seq.s32 s5, $0x0;
	s5 =	sld [smem:$0x3FB0]  }
0x2b: {  	s6 =	sld [smem:$0x3FB1]  }
0x2c: {  	s7 =	sld [smem:$0x3FB2]  }
0x2d: {  	s3 =	simm.s32 $0x108;
	s8 =	sld [smem:$0x3FB3]  }
0x2e: {  	s3 =	simm.s32 @!p0 $0x1082;
	s9 =	sld [smem:$0x3FB4]  }
0x2f: {  	lr =	sadd.s32 s0, s3;
	s0 =	sld [smem:$0x3FAB]  }
0x30: {  	s3 =	sld [smem:$0x3FAE]  }
0x31: {  	[smem:$0x3FB7] =	sst s10  }
0x32: {  	s10 =	sld [smem:$0x3FB5];
	_ =	sdelay $0x3  }
0x33: {  	p0 =	seq.s32 s10, $0x1;
	s10 =	sld [smem:$0x3FB7];
	_ =	sdelay $0x3  }
0x34: {  	[smem:$0x3FB7] =	sst s10  }
0x35: {  	s10 =	sld [smem:$0x3FB6];
	_ =	sdelay $0x3  }
0x36: {  	p1 =	seq.s32 s10, $0x1;
	s10 =	sld [smem:$0x3FB7];
	_ =	sdelay $0x3  }
0x37: {  	[smem:$0x3FB7] =	sst s10  }
0x38: {  	s10 =	sld [smem:$0x3FB8]  }
0x39: {  	_ = 	snop;
	(pc) =	sbr.ind lr, $3  }
0x3a: {  	_ = 	snop  }
0x3b: {  	_ = 	snop  }
0x3c: {  	p2 =	seq.s32 s10, $0x1;
	s10 =	sld [smem:$0x3FB7]  }
0x3d: {  	_ =	shalt  }
0x3e: {  	_ =	shalt  }
0x3f: {  	_ =	shalt  }
0x40: {  	_ =	shalt  }
0x41: {  	_ =	shalt  }
0x42: {  	_ =	shalt  }
0x43: {  	_ =	shalt  }
0x44: {  	_ =	shalt  }
0x45: {  	_ =	shalt  }
0x46: {  	_ =	shalt  }
0x47: {  	_ =	shalt  }
0x48: {  	_ =	shalt  }
0x49: {  	_ =	shalt  }
0x4a: {  	_ =	shalt  }
0x4b: {  	_ =	shalt  }
0x4c: {  	_ =	shalt  }
0x4d: {  	_ =	shalt  }
0x4e: {  	_ =	shalt  }
0x4f: {  	_ =	shalt  }
0x50: {  	_ =	shalt  }
0x51: {  	_ =	shalt  }
0x52: {  	_ =	shalt  }
0x53: {  	_ =	shalt  }
0x54: {  	_ =	shalt  }
0x55: {  	_ =	shalt  }
0x56: {  	_ =	shalt  }
0x57: {  	_ =	shalt  }
0x58: {  	_ =	shalt  }
0x59: {  	_ =	shalt  }
0x5a: {  	_ =	shalt  }
0x5b: {  	_ =	shalt  }
0x5c: {  	_ =	shalt  }
0x5d: {  	_ =	shalt  }
0x5e: {  	_ =	shalt  }
0x5f: {  	_ =	shalt  }
0x60: {  	_ =	shalt  }
0x61: {  	_ =	shalt  }
0x62: {  	_ =	shalt  }
0x63: {  	_ =	shalt  }
0x64: {  	_ =	shalt  }
0x65: {  	_ =	shalt  }
0x66: {  	_ =	shalt  }
0x67: {  	_ =	shalt  }
0x68: {  	_ =	shalt  }
0x69: {  	_ =	shalt  }
0x6a: {  	_ =	shalt  }
0x6b: {  	_ =	shalt  }
0x6c: {  	_ =	shalt  }
0x6d: {  	_ =	shalt  }
0x6e: {  	_ =	shalt  }
0x6f: {  	_ =	shalt  }
0x70: {  	_ =	shalt  }
0x71: {  	_ =	shalt  }
0x72: {  	_ =	shalt  }
0x73: {  	_ =	shalt  }
0x74: {  	_ =	shalt  }
0x75: {  	_ =	shalt  }
0x76: {  	_ =	shalt  }
0x77: {  	_ =	shalt  }
0x78: {  	_ =	shalt  }
0x79: {  	_ =	shalt  }
0x7a: {  	_ =	shalt  }
0x7b: {  	_ =	shalt  }
0x7c: {  	_ =	shalt  }
0x7d: {  	_ =	shalt  }
0x7e: {  	_ =	shalt  }
0x7f: {  	_ =	shalt  }
0x80: {  	_ =	shalt  }
0x81: {  	_ =	shalt  }
0x82: {  	_ =	shalt  }
0x83: {  	_ =	shalt  }
0x84: {  	_ =	shalt  }
0x85: {  	_ =	shalt  }
0x86: {  	_ =	shalt  }
0x87: {  	_ =	shalt  }
.Lfunc_end0:
.L_simem_size_0:
called_computation.1_lowered:
.L_overlay_start_0:
0x88: {  	s2 =	sld [smem:$0x3FD9]  }
0x89: {  	s3 =	sld [smem:$0x3FFE];
	_ =	sdelay $0x1  }
0x8a: {  	s1 =	srdreg.scid  }
0x8b: {  	s0 =	sand.u32 $0x1, s1  }
0x8c: {  	s17 =	sshll.u32 s0, $0xA;
	s2 =	sadd.s32 s3, s2  }
0x8d: {  	s2 =	sadd.s32 s2, s17  }
0x8e: {  	[smem:$0x3FC3] =	sst s2  }
0x8f: {  	_ = 	snop  }
0x90: {  	s2 =	sld [smem:$0x3FD0];
	(tm) =	ssettm $0x1  }
0x91: {  	s18 =	sld [smem:$0x3FFB];
	_ =	sdelay $0x3  }
0x92: {  	_ =	strace s18  }
0x93: {  	s3 =	sld [smem:$0x3FFC];
	_ =	sdelay $0x3  }
0x94: {  	_ =	strace s3  }
0x95: {  	s3 =	sld [smem:$0x3FFD];
	_ =	sdelay $0x3  }
0x96: {  	_ =	strace s3  }
0x97: {  	_ =	strace $0x8FFFFFFF  }
0x98: {  	s19 =	sld [smem:$0x3FDB];
	_ =	sdelay $0x1  }
0x99: {  	s4 =	simm.s32 $_scs_section_size  }
0x9a: {  	s5 =	simm.s32 $_size__tile_overlayer_lowered;
	s6 =	simm.s32 $_tile_overlayer_lowered  }
0x9b: {  	s22 =	simm.s32 $0x1BFF;
	s21 =	sshll.u32 s6, $0x1;
	s3 =	sadd.s32 s4, s19  }
0x9c: {  	s7 =	simm.s32 $0x0;
	s20 =	sshll.u32 s5, $0x1;
	s5 =	sadd.s32 s21, s3  }
0x9d: {  	[timem:s7], [sflag:s22] =	dma.local [hbm:s5], s20  }
0x9e: {  	_ =	swait.ge [sflag:s22], s20  }
0x9f: {  	s4 =	ssub.s32 $0x0, s20;
	[sflag:s22] =	ssyncset.done $0x0  }
0xa0: {  	[sflag:s22] =	ssyncadd.s32 s4;
	_ =	sdelay $0x1  }
0xa1: {  	s23 =	simm.s32 $0x1B8B  }
0xa2: {  	_ =	swait.ge [sflag:s23], $0x1  }
0xa3: {  	[sflag:s23] =	ssyncset.done $0x0  }
0xa4: {  	s25 =	simm.s32 $0x1B8E;
	s24 =	sld [smem:$0x3FFE];
	[sflag:s23] =	ssyncadd.s32 $0xFFFFFFFF  }
0xa5: {  	s26 =	simm.s32 $execute0_lowered;
	[smem:$0x3FD2] =	sst s25  }
0xa6: {  	s5 =	sshll.u32 s26, $0x1;
	_ =	strace $0x80000049;
	[dreg:$0x1] =	wrdreg $0xFFFFFFFF  }
0xa7: {  	s28 =	simm.s32 $_size_execute0_lowered;
	s3 =	sadd.s32 s3, s5;
	[dreg:$0x0] =	wrdreg $0x0  }
0xa8: {  	s5 =	sshll.u32 s28, $0x1;
	[dreg:$0x2] =	wrdreg s3  }
0xa9: {  	[dreg:$0x3] =	wrdreg s5  }
0xaa: {  	[dreg:$0x4] =	wrdreg $0xC0  }
0xab: {  	_ =	task [dreg:s7], $0x5FFFF  }
0xac: {  	[dreg:$0x1] =	wrdreg $0xFFFFFFFF  }
0xad: {  	[dreg:$0x0] =	wrdreg $0x60  }
0xae: {  	[dreg:$0x2] =	wrdreg s24  }
0xaf: {  	[dreg:$0x3] =	wrdreg s2  }
0xb0: {  	[dreg:$0x4] =	wrdreg $0x9  }
0xb1: {  	_ =	task.clear_ibuf [dreg:s7], $0x5FFFF;
	_ =	strace $0x90000049  }
0xb2: {  	s29 =	simm.s32 $0x9;
	_ =	strace $0x8000004B  }
0xb3: {  	_ =	swait.ge [sflag:s29], $0x1  }
0xb4: {  	[sflag:s29] =	ssyncadd.s32 $0xFFFFFFFF  }
0xb5: {  	_ =	strace $0x9000004B  }
0xb6: {  	_ =	sfence  }
0xb7: {  	s30 =	sld [smem:$0x0];
	_ =	sdelay $0x2  }
0xb8: {  	s31 =	sshll.u32 s1, $0xD;
	s1 =	sshrl.u32 s1, $0x2  }
0xb9: {  	s3 =	sand.u32 $0x4000, s31;
	s1 =	sadd.s32 s1, s30  }
0xba: {  	s0 =	sor.u32 s3, s0;
	s1 =	sshll.u32 s1, $0x11  }
0xbb: {  	s0 =	sor.u32 s1, s0  }
0xbc: {  	s0 =	sadd.s32 $0x8F2B, s0  }
0xbd: {  	[sflag:s0] =	ssyncadd.remote.s32 $0x1  }
0xbe: {  	_ =	sfence.sel $0xFFFF  }
0xbf: {  	[dreg:$0x0] =	wrdreg $0xFFFFFFFF;
	(pc) =	sbr.abs _section_cstart, $3  }
0xc0: {  	[dreg:$0x1] =	wrdreg $0xFFFFFFFF  }
0xc1: {  	_ =	task.clear_ibuf [dreg:s7], $0x2FFFF;
	_ =	strace $0x9FFFFFFF  }
0xc2: {  	(tm) =	ssettm $0x7FFFFFFF  }
0xc3: {  	_ =	shalt  }
tec
execute0_lowered:
.L_overlay_start_1:
0x0: {  	(tag) =	ssettag $0x1  }
0x1: {  	s0 =	rddreg [dreg:$0x0]  }
0x2: {  	s1 =	rddreg [dreg:$0x1]  }
0x3: {  	s2 =	srdreg.scid;
	s5 =	stileid.u32  }
0x4: {  	s13 =	simm.s32 $0x2;
	s17 =	simm.s32 $0x1900;
	s18 =	simm.s32 $0x2100  }
0x5: {  	s19 =	simm.s32 $0x2900;
	s20 =	simm.s32 $0x3100;
	s21 =	simm.s32 $0x3900  }
0x6: {  	s28 =	simm.s32 $0x6900;
	s29 =	simm.s32 $0x7100;
	s30 =	simm.s32 $0x7900  }
0x7: {  	s31 =	simm.s32 $0x1;
	s3 =	sand.u32 $0x1, s2;
	s2 =	simm.s32 $0x0  }
0x8: {  	s4 =	sshll.u32 s3, $0x4;
	[smem:$0x7FF] =	sst s2;
	s22 =	ssub.s32 $0x2, s3  }
0x9: {  	s3 =	sadd.s32 $0xC2C00, s0;
	s4 =	sor.u32 s5, s4;
	_ =	strace $0x8000004A  }
0xa: {  	s7 =	sshrl.u32 s22, $0x1;
	s6 =	sshll.u32 s4, $0x4;
	s4 =	sshll.u32 s4, $0xD  }
0xb: {  	s5 =	sadd.s32 $0xC2D00, s0;
	s8 =	ssub.s32 s22, s7;
	s24 =	sadd.s32 s1, s4  }
0xc: {  	s6 =	sadd.s32 s6, s0;
	s26 =	smax.u32 s8, $0x1;
	[dreg:$0x4] =	wrdreg s24  }
0xd: {  	s7 =	sadd.s32 $0xC2F00, s0;
	s23 =	sadd.s32 $0xC2A00, s6;
	[dreg:$0x8] =	wrdreg s26  }
0xe: {  	s22 =	simm.s32 $0x4100;
	s1 =	sadd.s32 $0x800, s24;
	[dreg:$0x3] =	wrdreg s23  }
0xf: {  	s6 =	sadd.s32 $0xC2E00, s0;
	s25 =	sadd.s32 $0x1000, s24;
	[dreg:$0x5] =	wrdreg s1  }
0x10: {  	v2 =	vlaneseq.u32;
	s0 =	sadd.s32 $0x1800, s24;
	s24 =	simm.s32 $0x5100;
	[dreg:$0x6] =	wrdreg s25  }
0x11: {  	vm0 =	vmmov $0xffff;
	v1 =	vshrl.u32 v2, $0x3;
	s26 =	simm.s32 $0x6100;
	[dreg:$0x7] =	wrdreg s0;
	s23 =	simm.s32 $0x4900  }
0x12: {  	v0 =	vand.u32 $0x7, v2;
	v2 =	vor.u32 $0x8, v2;
	v1 =	vmul.u32 $0x8, v1;
	s25 =	simm.s32 $0x5900;
	s0 =	simm.s32 $0x8100;
	s1 =	simm.s32 $0x0  }
.LBB2_1:
0x13: {  	s4 =	rddreg [dreg:$0x3]  }
0x14: {  	[tilespmem:s2], [sflag:$0x2] =	stream.linear.gather [hbm4b:s4+s2], $0x80, $0x38;
	[tilespmem:$0xC100] =	vst v63  }
0x15: {  	_ =	swait.ge [sflag:s13], $0x80  }
0x16: {  	[sflag:s13] =	ssyncset.done $0x0  }
0x17: {  	[sflag:s13] =	ssyncadd.s32 $0xFFFFFF80  }
0x18: {  	v3 =	vld [tilespmem:$0x0];
	_ =	sdelay $0x4  }
0x19: {  	v4 =	vshll.u32 v3, $0x3  }
0x1a: {  	v5 =	vand.u32 $0x7, v3;
	v4 =	vand.u32 $0xFFFFFFC0, v4  }
0x1b: {  	v4 =	vor.u32 v5, v4  }
0x1c: {  	v5 =	vperm.xlane v4, v0  }
0x1d: {  	v6 =	vld [tilespmem:$0x10]  }
0x1e: {  	v5 =	vadd.s32 v1, v5;
	_ =	sdelay $0x2  }
0x1f: {  	[tilespmem:$0x80] =	vst v3  }
0x20: {  	s10 =	simm.s32 $0x100;
	[tilespmem:$0x90] =	vst v6  }
0x21: {  	[tilespmem:s10], [sflag:$0x1] =	stream.indirect_vreg.gather [hbm4b:s3+s2], $0x80, v5, vm0, $0xb8;
	[tilespmem:$0xC100] =	vst v63  }
0x22: {  	s11 =	simm.s32 $0x900;
	v3 =	vperm.xlane v4, v2  }
0x23: {  	[tilespmem:s11], [sflag:$0x1] =	stream.indirect_vreg.gather [hbm4b:s5+s2], $0x80, v5, vm0, $0xb8;
	[tilespmem:$0xC100] =	vst v63  }
0x24: {  	s12 =	simm.s32 $0x1100;
	v3 =	vadd.s32 v1, v3  }
0x25: {  	[tilespmem:s12], [sflag:$0x1] =	stream.indirect_vreg.gather [hbm4b:s6+s2], $0x80, v5, vm0, $0xb8;
	[tilespmem:$0xC100] =	vst v63  }
0x26: {  	_ = 	snop  }
0x27: {  	[tilespmem:s17], [sflag:$0x1] =	stream.indirect_vreg.gather [hbm4b:s7+s2], $0x80, v5, vm0, $0xb8;
	[tilespmem:$0xC100] =	vst v63  }
0x28: {  	_ = 	snop  }
0x29: {  	[tilespmem:s18], [sflag:$0x1] =	stream.indirect_vreg.gather [hbm4b:s3+s2], $0x80, v3, vm0, $0xb8;
	[tilespmem:$0xC100] =	vst v63  }
0x2a: {  	_ = 	snop  }
0x2b: {  	[tilespmem:s19], [sflag:$0x1] =	stream.indirect_vreg.gather [hbm4b:s5+s2], $0x80, v3, vm0, $0xb8;
	[tilespmem:$0xC100] =	vst v63  }
0x2c: {  	_ = 	snop  }
0x2d: {  	[tilespmem:s20], [sflag:$0x1] =	stream.indirect_vreg.gather [hbm4b:s6+s2], $0x80, v3, vm0, $0xb8;
	[tilespmem:$0xC100] =	vst v63  }
0x2e: {  	_ = 	snop  }
0x2f: {  	[tilespmem:s21], [sflag:$0x1] =	stream.indirect_vreg.gather [hbm4b:s7+s2], $0x80, v3, vm0, $0xb8;
	[tilespmem:$0xC100] =	vst v63  }
0x30: {  	v3 =	vld [tilespmem:$0x90];
	_ =	sdelay $0x4  }
0x31: {  	v4 =	vshll.u32 v3, $0x3  }
0x32: {  	v3 =	vand.u32 $0x7, v3;
	v4 =	vand.u32 $0xFFFFFFC0, v4  }
0x33: {  	v3 =	vor.u32 v3, v4  }
0x34: {  	v4 =	vperm.xlane v3, v0;
	_ =	sdelay $0x1  }
0x35: {  	v4 =	vadd.s32 v1, v4;
	_ =	sdelay $0x4  }
0x36: {  	[tilespmem:s22], [sflag:$0x1] =	stream.indirect_vreg.gather [hbm4b:s3+s2], $0x80, v4, vm0, $0xb8;
	[tilespmem:$0xC100] =	vst v63  }
0x37: {  	v3 =	vperm.xlane v3, v2  }
0x38: {  	[tilespmem:s23], [sflag:$0x1] =	stream.indirect_vreg.gather [hbm4b:s5+s2], $0x80, v4, vm0, $0xb8;
	[tilespmem:$0xC100] =	vst v63  }
0x39: {  	v3 =	vadd.s32 v1, v3  }
0x3a: {  	[tilespmem:s24], [sflag:$0x1] =	stream.indirect_vreg.gather [hbm4b:s6+s2], $0x80, v4, vm0, $0xb8;
	[tilespmem:$0xC100] =	vst v63  }
0x3b: {  	_ = 	snop  }
0x3c: {  	[tilespmem:s25], [sflag:$0x1] =	stream.indirect_vreg.gather [hbm4b:s7+s2], $0x80, v4, vm0, $0xb8;
	[tilespmem:$0xC100] =	vst v63  }
0x3d: {  	_ = 	snop  }
0x3e: {  	[tilespmem:s26], [sflag:$0x1] =	stream.indirect_vreg.gather [hbm4b:s3+s2], $0x80, v3, vm0, $0xb8;
	[tilespmem:$0xC100] =	vst v63  }
0x3f: {  	_ = 	snop  }
0x40: {  	[tilespmem:s28], [sflag:$0x1] =	stream.indirect_vreg.gather [hbm4b:s5+s2], $0x80, v3, vm0, $0xb8;
	[tilespmem:$0xC100] =	vst v63  }
0x41: {  	_ = 	snop  }
0x42: {  	[tilespmem:s29], [sflag:$0x1] =	stream.indirect_vreg.gather [hbm4b:s6+s2], $0x80, v3, vm0, $0xb8;
	[tilespmem:$0xC100] =	vst v63  }
0x43: {  	_ = 	snop  }
0x44: {  	[tilespmem:s30], [sflag:$0x1] =	stream.indirect_vreg.gather [hbm4b:s7+s2], $0x80, v3, vm0, $0xb8;
	[tilespmem:$0xC100] =	vst v63  }
0x45: {  	_ =	swait.ge [sflag:s31], $0x8000  }
0x46: {  	s14 =	sand.u32 $0x70, s2;
	s8 =	sand.u32 $0x1C00, s2;
	[sflag:s31] =	ssyncset.done $0x0  }
0x47: {  	s4 =	sor.u32 s14, s8;
	[sflag:s31] =	ssyncadd.s32 $0xFFFF8000  }
0x48: {  	v3 =	vld [tilespmem:s4+$0x180]  }
0x49: {  	v4 =	vld [tilespmem:s4+$0x200]  }
0x4a: {  	v5 =	vld [tilespmem:s4+$0x280]  }
0x4b: {  	v6 =	vld [tilespmem:s4+$0x300]  }
0x4c: {  	v7 =	vld [tilespmem:s4+$0x380]  }
0x4d: {  	v8 =	vld [tilespmem:s4+$0x100]  }
0x4e: {  	v9 =	vld [tilespmem:s4+$0x2180]  }
0x4f: {  	v10 =	vld [tilespmem:s4+$0x2100]  }
0x50: {  	v11 =	vld [tilespmem:s4+$0x2280];
	v4 =	vadd.f32 v5, v4  }
0x51: {  	v5 =	vld [tilespmem:s4+$0x2380];
	v6 =	vadd.f32 v7, v6  }
0x52: {  	v3 =	vadd.f32 v3, v8;
	[tilespmem:s4+$0x8180] =	vst v4;
	v4 =	vld [tilespmem:s4+$0x2200]  }
0x53: {  	s15 =	sor.u32 s2, s2;
	[tilespmem:s4+$0x8200] =	vst v6;
	v6 =	vld [tilespmem:s4+$0x2300]  }
0x54: {  	s9 =	sor.u32 $0x380, s15;
	[tilespmem:s4+$0x8100] =	vst v3;
	v3 =	vld [tilespmem:s4+$0x400]  }
0x55: {  	v7 =	vld [tilespmem:s9+$0x100];
	_ =	sdelay $0x1  }
0x56: {  	v4 =	vadd.f32 v11, v4  }
0x57: {  	v5 =	vadd.f32 v5, v6  }
0x58: {  	v6 =	vadd.f32 v9, v10;
	[tilespmem:s4+$0x8380] =	vst v4  }
0x59: {  	v3 =	vadd.f32 v7, v3;
	[tilespmem:s4+$0x8400] =	vst v5  }
0x5a: {  	[tilespmem:s4+$0x8300] =	vst v6  }
0x5b: {  	s8 =	sor.u32 $0x2380, s15;
	[tilespmem:s4+$0x8280] =	vst v3;
	v3 =	vld [tilespmem:s4+$0x2400]  }
0x5c: {  	v4 =	vld [tilespmem:s8+$0x100];
	_ =	sdelay $0x4  }
0x5d: {  	v3 =	vadd.f32 v4, v3;
	_ =	sdelay $0x1  }
0x5e: {  	[tilespmem:s9+$0x8100] =	vst v3  }
0x5f: {  	v3 =	vld [tilespmem:s4+$0x4100]  }
0x60: {  	v4 =	vld [tilespmem:s4+$0x4180]  }
0x61: {  	v5 =	vld [tilespmem:s4+$0x4200]  }
0x62: {  	v6 =	vld [tilespmem:s4+$0x4280]  }
0x63: {  	v7 =	vld [tilespmem:s4+$0x4300]  }
0x64: {  	v8 =	vld [tilespmem:s4+$0x6280]  }
0x65: {  	v3 =	vadd.f32 v4, v3;
	v4 =	vld [tilespmem:s4+$0x6200]  }
0x66: {  	v60 =	vld [tilespmem:s4+$0x6180]  }
0x67: {  	[tilespmem:s4+$0xA100] =	vst v3;
	v3 =	vadd.f32 v6, v5;
	v5 =	vld [tilespmem:s4+$0x6100]  }
0x68: {  	v6 =	vld [tilespmem:s4+$0x4380]  }
0x69: {  	v61 =	vld [tilespmem:s4+$0x6300]  }
0x6a: {  	v62 =	vld [tilespmem:s4+$0x6380];
	v8 =	vadd.f32 v8, v4  }
0x6b: {  	[tilespmem:s4+$0xA180] =	vst v3;
	v3 =	vld [tilespmem:s4+$0x6400]  }
0x6c: {  	v4 =	vld [tilespmem:s4+$0x4480];
	[tilespmem:s4+$0xA380] =	vst v8;
	v8 =	vadd.f32 v60, v5  }
0x6d: {  	s16 =	simm.s32 $0x10;
	s11 =	simm.s32 $0x80;
	v5 =	vld [tilespmem:s4+$0x4400];
	v63 =	vadd.f32 v6, v7  }
0x6e: {  	s10 =	sand.u32 $0x70, s16;
	s12 =	sand.u32 $0x1C00, s11;
	v6 =	vld [tilespmem:s4+$0x6480];
	[tilespmem:s4+$0xA300] =	vst v8  }
0x6f: {  	s10 =	sor.u32 s10, s12;
	s12 =	simm.s32 $0x20;
	s9 =	sor.u32 s16, s11;
	v7 =	vadd.f32 v62, v61;
	[tilespmem:s4+$0xA200] =	vst v63  }
.LBB2_2:
0x70: {  	p0 =	sne.s32 s12, $0x3F0  }
0x71: {  	s11 =	sadd.s32 $0x80, s11;
	[tilespmem:s4+$0xA400] =	vst v7;
	s15 =	smov.u32 s12;
	s12 =	sadd.s32 $0x10, s12  }
0x72: {  	s14 =	sor.u32 s15, s11;
	v4 =	vadd.f32 v4, v5  }
0x73: {  	v3 =	vadd.f32 v6, v3  }
0x74: {  	[tilespmem:s4+$0xA280] =	vst v4;
	s4 =	smov.u32 s10  }
0x75: {  	[tilespmem:s8+$0x8100] =	vst v3  }
0x76: {  	v3 =	vld [tilespmem:s4+$0x180]  }
0x77: {  	v4 =	vld [tilespmem:s4+$0x200]  }
0x78: {  	v5 =	vld [tilespmem:s4+$0x280]  }
0x79: {  	v6 =	vld [tilespmem:s4+$0x300]  }
0x7a: {  	v7 =	vld [tilespmem:s4+$0x380]  }
0x7b: {  	v8 =	vld [tilespmem:s4+$0x100]  }
0x7c: {  	v9 =	vld [tilespmem:s4+$0x2180]  }
0x7d: {  	v10 =	vld [tilespmem:s4+$0x2100]  }
0x7e: {  	v4 =	vadd.f32 v5, v4;
	v5 =	vld [tilespmem:s4+$0x2380]  }
0x7f: {  	v6 =	vadd.f32 v7, v6;
	v7 =	vld [tilespmem:s4+$0x2280]  }
0x80: {  	v3 =	vadd.f32 v3, v8;
	[tilespmem:s4+$0x8180] =	vst v4;
	v4 =	vld [tilespmem:s4+$0x2200]  }
0x81: {  	[tilespmem:s4+$0x8200] =	vst v6;
	v6 =	vld [tilespmem:s4+$0x2300]  }
0x82: {  	s16 =	sor.u32 $0x380, s9;
	[tilespmem:s4+$0x8100] =	vst v3;
	v3 =	vld [tilespmem:s4+$0x400]  }
0x83: {  	s10 =	sand.u32 $0x1C00, s11;
	s8 =	sand.u32 $0x70, s15;
	v8 =	vld [tilespmem:s16+$0x100]  }
0x84: {  	s10 =	sor.u32 s8, s10  }
0x85: {  	v4 =	vadd.f32 v7, v4  }
0x86: {  	v5 =	vadd.f32 v5, v6  }
0x87: {  	v6 =	vadd.f32 v9, v10;
	[tilespmem:s4+$0x8380] =	vst v4  }
0x88: {  	v3 =	vadd.f32 v8, v3;
	[tilespmem:s4+$0x8400] =	vst v5  }
0x89: {  	[tilespmem:s4+$0x8300] =	vst v6  }
0x8a: {  	s8 =	sor.u32 $0x2380, s9;
	s9 =	smov.u32 s14;
	[tilespmem:s4+$0x8280] =	vst v3;
	v3 =	vld [tilespmem:s4+$0x2400]  }
0x8b: {  	v4 =	vld [tilespmem:s8+$0x100];
	_ =	sdelay $0x4  }
0x8c: {  	v3 =	vadd.f32 v4, v3;
	_ =	sdelay $0x1  }
0x8d: {  	[tilespmem:s16+$0x8100] =	vst v3  }
0x8e: {  	v3 =	vld [tilespmem:s4+$0x4100]  }
0x8f: {  	v4 =	vld [tilespmem:s4+$0x4180]  }
0x90: {  	v5 =	vld [tilespmem:s4+$0x4200]  }
0x91: {  	v6 =	vld [tilespmem:s4+$0x4280]  }
0x92: {  	v7 =	vld [tilespmem:s4+$0x4300]  }
0x93: {  	v8 =	vld [tilespmem:s4+$0x6280]  }
0x94: {  	v3 =	vadd.f32 v4, v3;
	v4 =	vld [tilespmem:s4+$0x6200]  }
0x95: {  	v9 =	vld [tilespmem:s4+$0x6180]  }
0x96: {  	[tilespmem:s4+$0xA100] =	vst v3;
	v3 =	vadd.f32 v6, v5;
	v5 =	vld [tilespmem:s4+$0x6100]  }
0x97: {  	v6 =	vld [tilespmem:s4+$0x4380]  }
0x98: {  	[tilespmem:s4+$0xA180] =	vst v3;
	v10 =	vld [tilespmem:s4+$0x6300]  }
0x99: {  	v8 =	vadd.f32 v8, v4;
	v11 =	vld [tilespmem:s4+$0x6380]  }
0x9a: {  	v3 =	vld [tilespmem:s4+$0x6400]  }
.Ltmp0:
0x9b: {  	v4 =	vld [tilespmem:s4+$0x4480];
	v9 =	vadd.f32 v9, v5;
	[tilespmem:s4+$0xA380] =	vst v8;
	(pc) =	sbr.rel @p0 .LBB2_2-.Ltmp0, $4  }
0x9c: {  	v8 =	vadd.f32 v6, v7;
	v5 =	vld [tilespmem:s4+$0x4400]  }
0x9d: {  	v6 =	vld [tilespmem:s4+$0x6480]  }
0x9e: {  	[tilespmem:s4+$0xA300] =	vst v9;
	v7 =	vadd.f32 v11, v10  }
0x9f: {  	[tilespmem:s4+$0xA200] =	vst v8  }
0xa0: {  	_ = 	snop  }
0xa1: {  	v4 =	vadd.f32 v4, v5  }
0xa2: {  	[tilespmem:s4+$0xA400] =	vst v7;
	v3 =	vadd.f32 v6, v3  }
0xa3: {  	[tilespmem:s4+$0xA280] =	vst v4  }
0xa4: {  	[tilespmem:s8+$0x8100] =	vst v3  }
0xa5: {  	v3 =	vld [tilespmem:s10+$0x180]  }
0xa6: {  	v4 =	vld [tilespmem:s10+$0x200]  }
0xa7: {  	v5 =	vld [tilespmem:s10+$0x280]  }
0xa8: {  	v6 =	vld [tilespmem:s10+$0x300]  }
0xa9: {  	v7 =	vld [tilespmem:s10+$0x380]  }
0xaa: {  	v8 =	vld [tilespmem:s10+$0x100]  }
0xab: {  	v9 =	vld [tilespmem:s10+$0x2180]  }
0xac: {  	v10 =	vld [tilespmem:s10+$0x2100]  }
0xad: {  	v11 =	vld [tilespmem:s10+$0x2280];
	v4 =	vadd.f32 v5, v4  }
0xae: {  	v5 =	vld [tilespmem:s10+$0x2380];
	v6 =	vadd.f32 v7, v6  }
0xaf: {  	v3 =	vadd.f32 v3, v8;
	[tilespmem:s10+$0x8180] =	vst v4;
	v4 =	vld [tilespmem:s10+$0x2200]  }
0xb0: {  	[tilespmem:s10+$0x8200] =	vst v6;
	v6 =	vld [tilespmem:s10+$0x2300]  }
0xb1: {  	s11 =	sor.u32 $0x380, s9;
	[tilespmem:s10+$0x8100] =	vst v3;
	v3 =	vld [tilespmem:s10+$0x400]  }
0xb2: {  	v7 =	vld [tilespmem:s11+$0x100];
	_ =	sdelay $0x1  }
0xb3: {  	v4 =	vadd.f32 v11, v4  }
0xb4: {  	v5 =	vadd.f32 v5, v6  }
0xb5: {  	v6 =	vadd.f32 v9, v10;
	[tilespmem:s10+$0x8380] =	vst v4  }
0xb6: {  	v3 =	vadd.f32 v7, v3;
	[tilespmem:s10+$0x8400] =	vst v5  }
0xb7: {  	[tilespmem:s10+$0x8300] =	vst v6  }
0xb8: {  	s12 =	sor.u32 $0x2380, s9;
	[tilespmem:s10+$0x8280] =	vst v3;
	v3 =	vld [tilespmem:s10+$0x2400]  }
0xb9: {  	v4 =	vld [tilespmem:s12+$0x100];
	_ =	sdelay $0x4  }
0xba: {  	v3 =	vadd.f32 v4, v3;
	_ =	sdelay $0x1  }
0xbb: {  	[tilespmem:s11+$0x8100] =	vst v3  }
0xbc: {  	v3 =	vld [tilespmem:s10+$0x4100]  }
0xbd: {  	v4 =	vld [tilespmem:s10+$0x4180]  }
0xbe: {  	v5 =	vld [tilespmem:s10+$0x4200]  }
0xbf: {  	v6 =	vld [tilespmem:s10+$0x4280]  }
0xc0: {  	v7 =	vld [tilespmem:s10+$0x4300]  }
0xc1: {  	v8 =	vld [tilespmem:s10+$0x6280]  }
0xc2: {  	v54 =	vld [tilespmem:s10+$0x6180]  }
0xc3: {  	v3 =	vadd.f32 v4, v3;
	v4 =	vld [tilespmem:s10+$0x6200]  }
0xc4: {  	v55 =	vld [tilespmem:s10+$0x6380]  }
0xc5: {  	v56 =	vld [tilespmem:s10+$0x4480]  }
0xc6: {  	v12 =	vld [tilespmem:s10+$0x6480]  }
0xc7: {  	[tilespmem:s10+$0xA100] =	vst v3;
	v3 =	vadd.f32 v6, v5;
	v5 =	vld [tilespmem:s10+$0x6100]  }
0xc8: {  	v6 =	vld [tilespmem:s10+$0x4380];
	v4 =	vadd.f32 v8, v4  }
0xc9: {  	[tilespmem:s10+$0xA180] =	vst v3;
	v3 =	vld [tilespmem:s10+$0x6300]  }
0xca: {  	[tilespmem:s10+$0xA380] =	vst v4;
	v4 =	vld [tilespmem:s10+$0x4400]  }
0xcb: {  	v8 =	vld [tilespmem:s10+$0x6400]  }
0xcc: {  	v5 =	vadd.f32 v54, v5  }
0xcd: {  	v6 =	vadd.f32 v6, v7  }
0xce: {  	[tilespmem:s10+$0xA300] =	vst v5;
	v3 =	vadd.f32 v55, v3  }
0xcf: {  	[tilespmem:s10+$0xA200] =	vst v6;
	v4 =	vadd.f32 v56, v4  }
0xd0: {  	[tilespmem:s10+$0xA400] =	vst v3;
	v3 =	vadd.f32 v12, v8  }
0xd1: {  	[tilespmem:s10+$0xA280] =	vst v4  }
0xd2: {  	s14 =	simm.s32 $0x0;
	s15 =	rddreg [dreg:$0x4];
	[tilespmem:s12+$0x8100] =	vst v3  }
0xd3: {  	[hbm4b:s15+s14] =	stream.linear.scatter [tilespmem:s0], [sflag:$0x2], $0x4000, $0x38;
	[tilespmem:$0xC100] =	vst v63  }
0xd4: {  	_ =	swait.ge [sflag:s13], $0x4000  }
0xd5: {  	[sflag:s13] =	ssyncset.done $0x0  }
0xd6: {  	[sflag:s13] =	ssyncadd.s32 $0xFFFFC000  }
0xd7: {  	v3 =	vld [tilespmem:$0x20];
	_ =	sdelay $0x4  }
0xd8: {  	v4 =	vshll.u32 v3, $0x3  }
0xd9: {  	v5 =	vand.u32 $0x7, v3;
	v4 =	vand.u32 $0xFFFFFFC0, v4  }
0xda: {  	v4 =	vor.u32 v5, v4  }
0xdb: {  	v5 =	vperm.xlane v4, v0  }
0xdc: {  	v6 =	vld [tilespmem:$0x30]  }
0xdd: {  	v5 =	vadd.s32 v1, v5;
	_ =	sdelay $0x2  }
0xde: {  	[tilespmem:$0x80] =	vst v3  }
0xdf: {  	s16 =	simm.s32 $0x100;
	[tilespmem:$0x90] =	vst v6  }
0xe0: {  	[tilespmem:s16], [sflag:$0x1] =	stream.indirect_vreg.gather [hbm4b:s3+s14], $0x80, v5, vm0, $0xb8;
	[tilespmem:$0xC100] =	vst v63  }
0xe1: {  	s9 =	simm.s32 $0x900;
	v3 =	vperm.xlane v4, v2  }
0xe2: {  	[tilespmem:s9], [sflag:$0x1] =	stream.indirect_vreg.gather [hbm4b:s5+s14], $0x80, v5, vm0, $0xb8;
	[tilespmem:$0xC100] =	vst v63  }
0xe3: {  	s10 =	simm.s32 $0x1100;
	v3 =	vadd.s32 v1, v3  }
0xe4: {  	[tilespmem:s10], [sflag:$0x1] =	stream.indirect_vreg.gather [hbm4b:s6+s14], $0x80, v5, vm0, $0xb8;
	[tilespmem:$0xC100] =	vst v63  }
0xe5: {  	_ = 	snop  }
0xe6: {  	[tilespmem:s17], [sflag:$0x1] =	stream.indirect_vreg.gather [hbm4b:s7+s14], $0x80, v5, vm0, $0xb8;
	[tilespmem:$0xC100] =	vst v63  }
0xe7: {  	_ = 	snop  }
0xe8: {  	[tilespmem:s18], [sflag:$0x1] =	stream.indirect_vreg.gather [hbm4b:s3+s14], $0x80, v3, vm0, $0xb8;
	[tilespmem:$0xC100] =	vst v63  }
0xe9: {  	_ = 	snop  }
0xea: {  	[tilespmem:s19], [sflag:$0x1] =	stream.indirect_vreg.gather [hbm4b:s5+s14], $0x80, v3, vm0, $0xb8;
	[tilespmem:$0xC100] =	vst v63  }
0xeb: {  	_ = 	snop  }
0xec: {  	[tilespmem:s20], [sflag:$0x1] =	stream.indirect_vreg.gather [hbm4b:s6+s14], $0x80, v3, vm0, $0xb8;
	[tilespmem:$0xC100] =	vst v63  }
0xed: {  	_ = 	snop  }
0xee: {  	[tilespmem:s21], [sflag:$0x1] =	stream.indirect_vreg.gather [hbm4b:s7+s14], $0x80, v3, vm0, $0xb8;
	[tilespmem:$0xC100] =	vst v63  }
0xef: {  	v3 =	vld [tilespmem:$0x90];
	_ =	sdelay $0x4  }
0xf0: {  	v4 =	vshll.u32 v3, $0x3  }
0xf1: {  	v3 =	vand.u32 $0x7, v3;
	v4 =	vand.u32 $0xFFFFFFC0, v4  }
0xf2: {  	v3 =	vor.u32 v3, v4  }
0xf3: {  	v4 =	vperm.xlane v3, v0;
	_ =	sdelay $0x1  }
0xf4: {  	v4 =	vadd.s32 v1, v4;
	_ =	sdelay $0x4  }
0xf5: {  	[tilespmem:s22], [sflag:$0x1] =	stream.indirect_vreg.gather [hbm4b:s3+s14], $0x80, v4, vm0, $0xb8;
	[tilespmem:$0xC100] =	vst v63  }
0xf6: {  	v3 =	vperm.xlane v3, v2  }
0xf7: {  	[tilespmem:s23], [sflag:$0x1] =	stream.indirect_vreg.gather [hbm4b:s5+s14], $0x80, v4, vm0, $0xb8;
	[tilespmem:$0xC100] =	vst v63  }
0xf8: {  	v3 =	vadd.s32 v1, v3  }
0xf9: {  	[tilespmem:s24], [sflag:$0x1] =	stream.indirect_vreg.gather [hbm4b:s6+s14], $0x80, v4, vm0, $0xb8;
	[tilespmem:$0xC100] =	vst v63  }
0xfa: {  	_ = 	snop  }
0xfb: {  	[tilespmem:s25], [sflag:$0x1] =	stream.indirect_vreg.gather [hbm4b:s7+s14], $0x80, v4, vm0, $0xb8;
	[tilespmem:$0xC100] =	vst v63  }
0xfc: {  	_ = 	snop  }
0xfd: {  	[tilespmem:s26], [sflag:$0x1] =	stream.indirect_vreg.gather [hbm4b:s3+s14], $0x80, v3, vm0, $0xb8;
	[tilespmem:$0xC100] =	vst v63  }
0xfe: {  	_ = 	snop  }
0xff: {  	[tilespmem:s28], [sflag:$0x1] =	stream.indirect_vreg.gather [hbm4b:s5+s14], $0x80, v3, vm0, $0xb8;
	[tilespmem:$0xC100] =	vst v63  }
0x100: {  	_ = 	snop  }
0x101: {  	[tilespmem:s29], [sflag:$0x1] =	stream.indirect_vreg.gather [hbm4b:s6+s14], $0x80, v3, vm0, $0xb8;
	[tilespmem:$0xC100] =	vst v63  }
0x102: {  	_ = 	snop  }
0x103: {  	[tilespmem:s30], [sflag:$0x1] =	stream.indirect_vreg.gather [hbm4b:s7+s14], $0x80, v3, vm0, $0xb8;
	[tilespmem:$0xC100] =	vst v63  }
0x104: {  	_ =	swait.ge [sflag:s31], $0x8000  }
0x105: {  	s11 =	sand.u32 $0x70, s14;
	s12 =	sand.u32 $0x1C00, s14;
	[sflag:s31] =	ssyncset.done $0x0  }
0x106: {  	s4 =	sor.u32 s11, s12;
	[sflag:s31] =	ssyncadd.s32 $0xFFFF8000  }
0x107: {  	v3 =	vld [tilespmem:s4+$0x180]  }
0x108: {  	v4 =	vld [tilespmem:s4+$0x200]  }
0x109: {  	v5 =	vld [tilespmem:s4+$0x280]  }
0x10a: {  	v6 =	vld [tilespmem:s4+$0x300]  }
0x10b: {  	v7 =	vld [tilespmem:s4+$0x380]  }
0x10c: {  	v8 =	vld [tilespmem:s4+$0x100]  }
0x10d: {  	v57 =	vld [tilespmem:s4+$0x2180]  }
0x10e: {  	v58 =	vld [tilespmem:s4+$0x2100]  }
0x10f: {  	v59 =	vld [tilespmem:s4+$0x2280];
	v4 =	vadd.f32 v5, v4  }
0x110: {  	v5 =	vld [tilespmem:s4+$0x2380];
	v6 =	vadd.f32 v7, v6  }
0x111: {  	v3 =	vadd.f32 v3, v8;
	[tilespmem:s4+$0x8180] =	vst v4;
	v4 =	vld [tilespmem:s4+$0x2200]  }
0x112: {  	s8 =	sor.u32 s14, s14;
	[tilespmem:s4+$0x8200] =	vst v6;
	v6 =	vld [tilespmem:s4+$0x2300]  }
0x113: {  	s14 =	sor.u32 $0x380, s8;
	[tilespmem:s4+$0x8100] =	vst v3;
	v3 =	vld [tilespmem:s4+$0x400]  }
0x114: {  	v7 =	vld [tilespmem:s14+$0x100];
	_ =	sdelay $0x1  }
0x115: {  	v4 =	vadd.f32 v59, v4  }
0x116: {  	v5 =	vadd.f32 v5, v6  }
0x117: {  	v6 =	vadd.f32 v57, v58;
	[tilespmem:s4+$0x8380] =	vst v4  }
0x118: {  	v3 =	vadd.f32 v7, v3;
	[tilespmem:s4+$0x8400] =	vst v5  }
0x119: {  	[tilespmem:s4+$0x8300] =	vst v6  }
0x11a: {  	s8 =	sor.u32 $0x2380, s8;
	[tilespmem:s4+$0x8280] =	vst v3;
	v3 =	vld [tilespmem:s4+$0x2400]  }
0x11b: {  	v4 =	vld [tilespmem:s8+$0x100];
	_ =	sdelay $0x4  }
0x11c: {  	v3 =	vadd.f32 v4, v3;
	_ =	sdelay $0x1  }
0x11d: {  	[tilespmem:s14+$0x8100] =	vst v3  }
0x11e: {  	v3 =	vld [tilespmem:s4+$0x4100]  }
0x11f: {  	v4 =	vld [tilespmem:s4+$0x4180]  }
0x120: {  	v5 =	vld [tilespmem:s4+$0x4200]  }
0x121: {  	v6 =	vld [tilespmem:s4+$0x4280]  }
0x122: {  	v7 =	vld [tilespmem:s4+$0x4300]  }
0x123: {  	v8 =	vld [tilespmem:s4+$0x6280]  }
0x124: {  	v3 =	vadd.f32 v4, v3;
	v4 =	vld [tilespmem:s4+$0x6200]  }
0x125: {  	v60 =	vld [tilespmem:s4+$0x6180]  }
0x126: {  	[tilespmem:s4+$0xA100] =	vst v3;
	v3 =	vadd.f32 v6, v5;
	v5 =	vld [tilespmem:s4+$0x6100]  }
0x127: {  	v6 =	vld [tilespmem:s4+$0x4380]  }
0x128: {  	v61 =	vld [tilespmem:s4+$0x6300]  }
0x129: {  	v62 =	vld [tilespmem:s4+$0x6380];
	v8 =	vadd.f32 v8, v4  }
0x12a: {  	[tilespmem:s4+$0xA180] =	vst v3;
	v3 =	vld [tilespmem:s4+$0x6400]  }
0x12b: {  	v4 =	vld [tilespmem:s4+$0x4480];
	[tilespmem:s4+$0xA380] =	vst v8;
	v8 =	vadd.f32 v60, v5  }
0x12c: {  	s15 =	simm.s32 $0x10;
	s11 =	simm.s32 $0x80;
	v5 =	vld [tilespmem:s4+$0x4400];
	v63 =	vadd.f32 v6, v7  }
0x12d: {  	s12 =	sand.u32 $0x1C00, s11;
	s16 =	sand.u32 $0x70, s15;
	v6 =	vld [tilespmem:s4+$0x6480];
	[tilespmem:s4+$0xA300] =	vst v8  }
0x12e: {  	s9 =	sor.u32 s15, s11;
	s10 =	sor.u32 s16, s12;
	s12 =	simm.s32 $0x20;
	v7 =	vadd.f32 v62, v61;
	[tilespmem:s4+$0xA200] =	vst v63  }
.LBB2_4:
0x12f: {  	p0 =	sne.s32 s12, $0x3F0  }
0x130: {  	s11 =	sadd.s32 $0x80, s11;
	[tilespmem:s4+$0xA400] =	vst v7;
	s15 =	smov.u32 s12;
	s12 =	sadd.s32 $0x10, s12  }
0x131: {  	s14 =	sor.u32 s15, s11;
	v4 =	vadd.f32 v4, v5  }
0x132: {  	v3 =	vadd.f32 v6, v3  }
0x133: {  	[tilespmem:s4+$0xA280] =	vst v4;
	s4 =	smov.u32 s10  }
0x134: {  	[tilespmem:s8+$0x8100] =	vst v3  }
0x135: {  	v3 =	vld [tilespmem:s4+$0x180]  }
0x136: {  	v4 =	vld [tilespmem:s4+$0x200]  }
0x137: {  	v5 =	vld [tilespmem:s4+$0x280]  }
0x138: {  	v6 =	vld [tilespmem:s4+$0x300]  }
0x139: {  	v7 =	vld [tilespmem:s4+$0x380]  }
0x13a: {  	v8 =	vld [tilespmem:s4+$0x100]  }
0x13b: {  	v9 =	vld [tilespmem:s4+$0x2180]  }
0x13c: {  	v10 =	vld [tilespmem:s4+$0x2100]  }
0x13d: {  	v4 =	vadd.f32 v5, v4;
	v5 =	vld [tilespmem:s4+$0x2380]  }
0x13e: {  	v6 =	vadd.f32 v7, v6;
	v7 =	vld [tilespmem:s4+$0x2280]  }
0x13f: {  	v3 =	vadd.f32 v3, v8;
	[tilespmem:s4+$0x8180] =	vst v4;
	v4 =	vld [tilespmem:s4+$0x2200]  }
0x140: {  	[tilespmem:s4+$0x8200] =	vst v6;
	v6 =	vld [tilespmem:s4+$0x2300]  }
0x141: {  	s16 =	sor.u32 $0x380, s9;
	[tilespmem:s4+$0x8100] =	vst v3;
	v3 =	vld [tilespmem:s4+$0x400]  }
0x142: {  	s10 =	sand.u32 $0x1C00, s11;
	s8 =	sand.u32 $0x70, s15;
	v8 =	vld [tilespmem:s16+$0x100]  }
0x143: {  	s10 =	sor.u32 s8, s10  }
0x144: {  	v4 =	vadd.f32 v7, v4  }
0x145: {  	v5 =	vadd.f32 v5, v6  }
0x146: {  	v6 =	vadd.f32 v9, v10;
	[tilespmem:s4+$0x8380] =	vst v4  }
0x147: {  	v3 =	vadd.f32 v8, v3;
	[tilespmem:s4+$0x8400] =	vst v5  }
0x148: {  	[tilespmem:s4+$0x8300] =	vst v6  }
0x149: {  	s8 =	sor.u32 $0x2380, s9;
	s9 =	smov.u32 s14;
	[tilespmem:s4+$0x8280] =	vst v3;
	v3 =	vld [tilespmem:s4+$0x2400]  }
0x14a: {  	v4 =	vld [tilespmem:s8+$0x100];
	_ =	sdelay $0x4  }
0x14b: {  	v3 =	vadd.f32 v4, v3;
	_ =	sdelay $0x1  }
0x14c: {  	[tilespmem:s16+$0x8100] =	vst v3  }
0x14d: {  	v3 =	vld [tilespmem:s4+$0x4100]  }
0x14e: {  	v4 =	vld [tilespmem:s4+$0x4180]  }
0x14f: {  	v5 =	vld [tilespmem:s4+$0x4200]  }
0x150: {  	v6 =	vld [tilespmem:s4+$0x4280]  }
0x151: {  	v7 =	vld [tilespmem:s4+$0x4300]  }
0x152: {  	v8 =	vld [tilespmem:s4+$0x6280]  }
0x153: {  	v3 =	vadd.f32 v4, v3;
	v4 =	vld [tilespmem:s4+$0x6200]  }
0x154: {  	v9 =	vld [tilespmem:s4+$0x6180]  }
0x155: {  	[tilespmem:s4+$0xA100] =	vst v3;
	v3 =	vadd.f32 v6, v5;
	v5 =	vld [tilespmem:s4+$0x6100]  }
0x156: {  	v6 =	vld [tilespmem:s4+$0x4380]  }
0x157: {  	[tilespmem:s4+$0xA180] =	vst v3;
	v10 =	vld [tilespmem:s4+$0x6300]  }
0x158: {  	v8 =	vadd.f32 v8, v4;
	v11 =	vld [tilespmem:s4+$0x6380]  }
0x159: {  	v3 =	vld [tilespmem:s4+$0x6400]  }
.Ltmp1:
0x15a: {  	v4 =	vld [tilespmem:s4+$0x4480];
	v9 =	vadd.f32 v9, v5;
	[tilespmem:s4+$0xA380] =	vst v8;
	(pc) =	sbr.rel @p0 .LBB2_4-.Ltmp1, $4  }
0x15b: {  	v8 =	vadd.f32 v6, v7;
	v5 =	vld [tilespmem:s4+$0x4400]  }
0x15c: {  	v6 =	vld [tilespmem:s4+$0x6480]  }
0x15d: {  	[tilespmem:s4+$0xA300] =	vst v9;
	v7 =	vadd.f32 v11, v10  }
0x15e: {  	[tilespmem:s4+$0xA200] =	vst v8  }
0x15f: {  	_ = 	snop  }
0x160: {  	v4 =	vadd.f32 v4, v5  }
0x161: {  	[tilespmem:s4+$0xA400] =	vst v7;
	v3 =	vadd.f32 v6, v3  }
0x162: {  	[tilespmem:s4+$0xA280] =	vst v4  }
0x163: {  	[tilespmem:s8+$0x8100] =	vst v3  }
0x164: {  	v3 =	vld [tilespmem:s10+$0x180]  }
0x165: {  	v4 =	vld [tilespmem:s10+$0x200]  }
0x166: {  	v5 =	vld [tilespmem:s10+$0x280]  }
0x167: {  	v6 =	vld [tilespmem:s10+$0x300]  }
0x168: {  	v7 =	vld [tilespmem:s10+$0x380]  }
0x169: {  	v8 =	vld [tilespmem:s10+$0x100]  }
0x16a: {  	v9 =	vld [tilespmem:s10+$0x2180]  }
0x16b: {  	v10 =	vld [tilespmem:s10+$0x2100]  }
0x16c: {  	v11 =	vld [tilespmem:s10+$0x2280];
	v4 =	vadd.f32 v5, v4  }
0x16d: {  	v5 =	vld [tilespmem:s10+$0x2380];
	v6 =	vadd.f32 v7, v6  }
0x16e: {  	v3 =	vadd.f32 v3, v8;
	[tilespmem:s10+$0x8180] =	vst v4;
	v4 =	vld [tilespmem:s10+$0x2200]  }
0x16f: {  	[tilespmem:s10+$0x8200] =	vst v6;
	v6 =	vld [tilespmem:s10+$0x2300]  }
0x170: {  	s11 =	sor.u32 $0x380, s9;
	[tilespmem:s10+$0x8100] =	vst v3;
	v3 =	vld [tilespmem:s10+$0x400]  }
0x171: {  	v7 =	vld [tilespmem:s11+$0x100];
	_ =	sdelay $0x1  }
0x172: {  	v4 =	vadd.f32 v11, v4  }
0x173: {  	v5 =	vadd.f32 v5, v6  }
0x174: {  	v6 =	vadd.f32 v9, v10;
	[tilespmem:s10+$0x8380] =	vst v4  }
0x175: {  	v3 =	vadd.f32 v7, v3;
	[tilespmem:s10+$0x8400] =	vst v5  }
0x176: {  	[tilespmem:s10+$0x8300] =	vst v6  }
0x177: {  	s12 =	sor.u32 $0x2380, s9;
	[tilespmem:s10+$0x8280] =	vst v3;
	v3 =	vld [tilespmem:s10+$0x2400]  }
0x178: {  	v4 =	vld [tilespmem:s12+$0x100];
	_ =	sdelay $0x4  }
0x179: {  	v3 =	vadd.f32 v4, v3;
	_ =	sdelay $0x1  }
0x17a: {  	[tilespmem:s11+$0x8100] =	vst v3  }
0x17b: {  	v3 =	vld [tilespmem:s10+$0x4100]  }
0x17c: {  	v4 =	vld [tilespmem:s10+$0x4180]  }
0x17d: {  	v5 =	vld [tilespmem:s10+$0x4200]  }
0x17e: {  	v6 =	vld [tilespmem:s10+$0x4280]  }
0x17f: {  	v7 =	vld [tilespmem:s10+$0x4300]  }
0x180: {  	v8 =	vld [tilespmem:s10+$0x6280]  }
0x181: {  	v54 =	vld [tilespmem:s10+$0x6180]  }
0x182: {  	v3 =	vadd.f32 v4, v3;
	v4 =	vld [tilespmem:s10+$0x6200]  }
0x183: {  	v55 =	vld [tilespmem:s10+$0x6380]  }
0x184: {  	v56 =	vld [tilespmem:s10+$0x4480]  }
0x185: {  	v12 =	vld [tilespmem:s10+$0x6480]  }
0x186: {  	[tilespmem:s10+$0xA100] =	vst v3;
	v3 =	vadd.f32 v6, v5;
	v5 =	vld [tilespmem:s10+$0x6100]  }
0x187: {  	v6 =	vld [tilespmem:s10+$0x4380];
	v4 =	vadd.f32 v8, v4  }
0x188: {  	[tilespmem:s10+$0xA180] =	vst v3;
	v3 =	vld [tilespmem:s10+$0x6300]  }
0x189: {  	[tilespmem:s10+$0xA380] =	vst v4;
	v4 =	vld [tilespmem:s10+$0x4400]  }
0x18a: {  	v8 =	vld [tilespmem:s10+$0x6400]  }
0x18b: {  	v5 =	vadd.f32 v54, v5  }
0x18c: {  	v6 =	vadd.f32 v6, v7  }
0x18d: {  	[tilespmem:s10+$0xA300] =	vst v5;
	v3 =	vadd.f32 v55, v3  }
0x18e: {  	[tilespmem:s10+$0xA200] =	vst v6;
	v4 =	vadd.f32 v56, v4  }
0x18f: {  	[tilespmem:s10+$0xA400] =	vst v3;
	v3 =	vadd.f32 v12, v8  }
0x190: {  	[tilespmem:s10+$0xA280] =	vst v4  }
0x191: {  	s14 =	simm.s32 $0x0;
	s15 =	rddreg [dreg:$0x5];
	[tilespmem:s12+$0x8100] =	vst v3  }
0x192: {  	[hbm4b:s15+s14] =	stream.linear.scatter [tilespmem:s0], [sflag:$0x2], $0x4000, $0x38;
	[tilespmem:$0xC100] =	vst v63  }
0x193: {  	_ =	swait.ge [sflag:s13], $0x4000  }
0x194: {  	[sflag:s13] =	ssyncset.done $0x0  }
0x195: {  	[sflag:s13] =	ssyncadd.s32 $0xFFFFC000  }
0x196: {  	v3 =	vld [tilespmem:$0x40];
	_ =	sdelay $0x4  }
0x197: {  	v4 =	vshll.u32 v3, $0x3  }
0x198: {  	v5 =	vand.u32 $0x7, v3;
	v4 =	vand.u32 $0xFFFFFFC0, v4  }
0x199: {  	v4 =	vor.u32 v5, v4  }
0x19a: {  	v5 =	vperm.xlane v4, v0  }
0x19b: {  	v6 =	vld [tilespmem:$0x50]  }
0x19c: {  	v5 =	vadd.s32 v1, v5;
	_ =	sdelay $0x2  }
0x19d: {  	[tilespmem:$0x80] =	vst v3  }
0x19e: {  	s16 =	simm.s32 $0x100;
	[tilespmem:$0x90] =	vst v6  }
0x19f: {  	[tilespmem:s16], [sflag:$0x1] =	stream.indirect_vreg.gather [hbm4b:s3+s14], $0x80, v5, vm0, $0xb8;
	[tilespmem:$0xC100] =	vst v63  }
0x1a0: {  	s9 =	simm.s32 $0x900;
	v3 =	vperm.xlane v4, v2  }
0x1a1: {  	[tilespmem:s9], [sflag:$0x1] =	stream.indirect_vreg.gather [hbm4b:s5+s14], $0x80, v5, vm0, $0xb8;
	[tilespmem:$0xC100] =	vst v63  }
0x1a2: {  	s10 =	simm.s32 $0x1100;
	v3 =	vadd.s32 v1, v3  }
0x1a3: {  	[tilespmem:s10], [sflag:$0x1] =	stream.indirect_vreg.gather [hbm4b:s6+s14], $0x80, v5, vm0, $0xb8;
	[tilespmem:$0xC100] =	vst v63  }
0x1a4: {  	_ = 	snop  }
0x1a5: {  	[tilespmem:s17], [sflag:$0x1] =	stream.indirect_vreg.gather [hbm4b:s7+s14], $0x80, v5, vm0, $0xb8;
	[tilespmem:$0xC100] =	vst v63  }
0x1a6: {  	_ = 	snop  }
0x1a7: {  	[tilespmem:s18], [sflag:$0x1] =	stream.indirect_vreg.gather [hbm4b:s3+s14], $0x80, v3, vm0, $0xb8;
	[tilespmem:$0xC100] =	vst v63  }
0x1a8: {  	_ = 	snop  }
0x1a9: {  	[tilespmem:s19], [sflag:$0x1] =	stream.indirect_vreg.gather [hbm4b:s5+s14], $0x80, v3, vm0, $0xb8;
	[tilespmem:$0xC100] =	vst v63  }
0x1aa: {  	_ = 	snop  }
0x1ab: {  	[tilespmem:s20], [sflag:$0x1] =	stream.indirect_vreg.gather [hbm4b:s6+s14], $0x80, v3, vm0, $0xb8;
	[tilespmem:$0xC100] =	vst v63  }
0x1ac: {  	_ = 	snop  }
0x1ad: {  	[tilespmem:s21], [sflag:$0x1] =	stream.indirect_vreg.gather [hbm4b:s7+s14], $0x80, v3, vm0, $0xb8;
	[tilespmem:$0xC100] =	vst v63  }
0x1ae: {  	v3 =	vld [tilespmem:$0x90];
	_ =	sdelay $0x4  }
0x1af: {  	v4 =	vshll.u32 v3, $0x3  }
0x1b0: {  	v3 =	vand.u32 $0x7, v3;
	v4 =	vand.u32 $0xFFFFFFC0, v4  }
0x1b1: {  	v3 =	vor.u32 v3, v4  }
0x1b2: {  	v4 =	vperm.xlane v3, v0;
	_ =	sdelay $0x1  }
0x1b3: {  	v4 =	vadd.s32 v1, v4;
	_ =	sdelay $0x4  }
0x1b4: {  	[tilespmem:s22], [sflag:$0x1] =	stream.indirect_vreg.gather [hbm4b:s3+s14], $0x80, v4, vm0, $0xb8;
	[tilespmem:$0xC100] =	vst v63  }
0x1b5: {  	v3 =	vperm.xlane v3, v2  }
0x1b6: {  	[tilespmem:s23], [sflag:$0x1] =	stream.indirect_vreg.gather [hbm4b:s5+s14], $0x80, v4, vm0, $0xb8;
	[tilespmem:$0xC100] =	vst v63  }
0x1b7: {  	v3 =	vadd.s32 v1, v3  }
0x1b8: {  	[tilespmem:s24], [sflag:$0x1] =	stream.indirect_vreg.gather [hbm4b:s6+s14], $0x80, v4, vm0, $0xb8;
	[tilespmem:$0xC100] =	vst v63  }
0x1b9: {  	_ = 	snop  }
0x1ba: {  	[tilespmem:s25], [sflag:$0x1] =	stream.indirect_vreg.gather [hbm4b:s7+s14], $0x80, v4, vm0, $0xb8;
	[tilespmem:$0xC100] =	vst v63  }
0x1bb: {  	_ = 	snop  }
0x1bc: {  	[tilespmem:s26], [sflag:$0x1] =	stream.indirect_vreg.gather [hbm4b:s3+s14], $0x80, v3, vm0, $0xb8;
	[tilespmem:$0xC100] =	vst v63  }
0x1bd: {  	_ = 	snop  }
0x1be: {  	[tilespmem:s28], [sflag:$0x1] =	stream.indirect_vreg.gather [hbm4b:s5+s14], $0x80, v3, vm0, $0xb8;
	[tilespmem:$0xC100] =	vst v63  }
0x1bf: {  	_ = 	snop  }
0x1c0: {  	[tilespmem:s29], [sflag:$0x1] =	stream.indirect_vreg.gather [hbm4b:s6+s14], $0x80, v3, vm0, $0xb8;
	[tilespmem:$0xC100] =	vst v63  }
0x1c1: {  	_ = 	snop  }
0x1c2: {  	[tilespmem:s30], [sflag:$0x1] =	stream.indirect_vreg.gather [hbm4b:s7+s14], $0x80, v3, vm0, $0xb8;
	[tilespmem:$0xC100] =	vst v63  }
0x1c3: {  	_ =	swait.ge [sflag:s31], $0x8000  }
0x1c4: {  	s11 =	sand.u32 $0x70, s14;
	s12 =	sand.u32 $0x1C00, s14;
	[sflag:s31] =	ssyncset.done $0x0  }
0x1c5: {  	s4 =	sor.u32 s11, s12;
	[sflag:s31] =	ssyncadd.s32 $0xFFFF8000  }
0x1c6: {  	v3 =	vld [tilespmem:s4+$0x180]  }
0x1c7: {  	v4 =	vld [tilespmem:s4+$0x200]  }
0x1c8: {  	v5 =	vld [tilespmem:s4+$0x280]  }
0x1c9: {  	v6 =	vld [tilespmem:s4+$0x300]  }
0x1ca: {  	v7 =	vld [tilespmem:s4+$0x380]  }
0x1cb: {  	v8 =	vld [tilespmem:s4+$0x100]  }
0x1cc: {  	v57 =	vld [tilespmem:s4+$0x2180]  }
0x1cd: {  	v58 =	vld [tilespmem:s4+$0x2100]  }
0x1ce: {  	v59 =	vld [tilespmem:s4+$0x2280];
	v4 =	vadd.f32 v5, v4  }
0x1cf: {  	v5 =	vld [tilespmem:s4+$0x2380];
	v6 =	vadd.f32 v7, v6  }
0x1d0: {  	v3 =	vadd.f32 v3, v8;
	[tilespmem:s4+$0x8180] =	vst v4;
	v4 =	vld [tilespmem:s4+$0x2200]  }
0x1d1: {  	s8 =	sor.u32 s14, s14;
	[tilespmem:s4+$0x8200] =	vst v6;
	v6 =	vld [tilespmem:s4+$0x2300]  }
0x1d2: {  	s14 =	sor.u32 $0x380, s8;
	[tilespmem:s4+$0x8100] =	vst v3;
	v3 =	vld [tilespmem:s4+$0x400]  }
0x1d3: {  	v7 =	vld [tilespmem:s14+$0x100];
	_ =	sdelay $0x1  }
0x1d4: {  	v4 =	vadd.f32 v59, v4  }
0x1d5: {  	v5 =	vadd.f32 v5, v6  }
0x1d6: {  	v6 =	vadd.f32 v57, v58;
	[tilespmem:s4+$0x8380] =	vst v4  }
0x1d7: {  	v3 =	vadd.f32 v7, v3;
	[tilespmem:s4+$0x8400] =	vst v5  }
0x1d8: {  	[tilespmem:s4+$0x8300] =	vst v6  }
0x1d9: {  	s8 =	sor.u32 $0x2380, s8;
	[tilespmem:s4+$0x8280] =	vst v3;
	v3 =	vld [tilespmem:s4+$0x2400]  }
0x1da: {  	v4 =	vld [tilespmem:s8+$0x100];
	_ =	sdelay $0x4  }
0x1db: {  	v3 =	vadd.f32 v4, v3;
	_ =	sdelay $0x1  }
0x1dc: {  	[tilespmem:s14+$0x8100] =	vst v3  }
0x1dd: {  	v3 =	vld [tilespmem:s4+$0x4100]  }
0x1de: {  	v4 =	vld [tilespmem:s4+$0x4180]  }
0x1df: {  	v5 =	vld [tilespmem:s4+$0x4200]  }
0x1e0: {  	v6 =	vld [tilespmem:s4+$0x4280]  }
0x1e1: {  	v7 =	vld [tilespmem:s4+$0x4300]  }
0x1e2: {  	v8 =	vld [tilespmem:s4+$0x6280]  }
0x1e3: {  	v3 =	vadd.f32 v4, v3;
	v4 =	vld [tilespmem:s4+$0x6200]  }
0x1e4: {  	v60 =	vld [tilespmem:s4+$0x6180]  }
0x1e5: {  	[tilespmem:s4+$0xA100] =	vst v3;
	v3 =	vadd.f32 v6, v5;
	v5 =	vld [tilespmem:s4+$0x6100]  }
0x1e6: {  	v6 =	vld [tilespmem:s4+$0x4380]  }
0x1e7: {  	v61 =	vld [tilespmem:s4+$0x6300]  }
0x1e8: {  	v62 =	vld [tilespmem:s4+$0x6380];
	v8 =	vadd.f32 v8, v4  }
0x1e9: {  	[tilespmem:s4+$0xA180] =	vst v3;
	v3 =	vld [tilespmem:s4+$0x6400]  }
0x1ea: {  	v4 =	vld [tilespmem:s4+$0x4480];
	[tilespmem:s4+$0xA380] =	vst v8;
	v8 =	vadd.f32 v60, v5  }
0x1eb: {  	s15 =	simm.s32 $0x10;
	s11 =	simm.s32 $0x80;
	v5 =	vld [tilespmem:s4+$0x4400];
	v63 =	vadd.f32 v6, v7  }
0x1ec: {  	s12 =	sand.u32 $0x1C00, s11;
	s16 =	sand.u32 $0x70, s15;
	v6 =	vld [tilespmem:s4+$0x6480];
	[tilespmem:s4+$0xA300] =	vst v8  }
0x1ed: {  	s9 =	sor.u32 s15, s11;
	s10 =	sor.u32 s16, s12;
	s12 =	simm.s32 $0x20;
	v7 =	vadd.f32 v62, v61;
	[tilespmem:s4+$0xA200] =	vst v63  }
.LBB2_6:
0x1ee: {  	p0 =	sne.s32 s12, $0x3F0  }
0x1ef: {  	s11 =	sadd.s32 $0x80, s11;
	[tilespmem:s4+$0xA400] =	vst v7;
	s15 =	smov.u32 s12;
	s12 =	sadd.s32 $0x10, s12  }
0x1f0: {  	s14 =	sor.u32 s15, s11;
	v4 =	vadd.f32 v4, v5  }
0x1f1: {  	v3 =	vadd.f32 v6, v3  }
0x1f2: {  	[tilespmem:s4+$0xA280] =	vst v4;
	s4 =	smov.u32 s10  }
0x1f3: {  	[tilespmem:s8+$0x8100] =	vst v3  }
0x1f4: {  	v3 =	vld [tilespmem:s4+$0x180]  }
0x1f5: {  	v4 =	vld [tilespmem:s4+$0x200]  }
0x1f6: {  	v5 =	vld [tilespmem:s4+$0x280]  }
0x1f7: {  	v6 =	vld [tilespmem:s4+$0x300]  }
0x1f8: {  	v7 =	vld [tilespmem:s4+$0x380]  }
0x1f9: {  	v8 =	vld [tilespmem:s4+$0x100]  }
0x1fa: {  	v9 =	vld [tilespmem:s4+$0x2180]  }
0x1fb: {  	v10 =	vld [tilespmem:s4+$0x2100]  }
0x1fc: {  	v4 =	vadd.f32 v5, v4;
	v5 =	vld [tilespmem:s4+$0x2380]  }
0x1fd: {  	v6 =	vadd.f32 v7, v6;
	v7 =	vld [tilespmem:s4+$0x2280]  }
0x1fe: {  	v3 =	vadd.f32 v3, v8;
	[tilespmem:s4+$0x8180] =	vst v4;
	v4 =	vld [tilespmem:s4+$0x2200]  }
0x1ff: {  	[tilespmem:s4+$0x8200] =	vst v6;
	v6 =	vld [tilespmem:s4+$0x2300]  }
0x200: {  	s16 =	sor.u32 $0x380, s9;
	[tilespmem:s4+$0x8100] =	vst v3;
	v3 =	vld [tilespmem:s4+$0x400]  }
0x201: {  	s10 =	sand.u32 $0x1C00, s11;
	s8 =	sand.u32 $0x70, s15;
	v8 =	vld [tilespmem:s16+$0x100]  }
0x202: {  	s10 =	sor.u32 s8, s10  }
0x203: {  	v4 =	vadd.f32 v7, v4  }
0x204: {  	v5 =	vadd.f32 v5, v6  }
0x205: {  	v6 =	vadd.f32 v9, v10;
	[tilespmem:s4+$0x8380] =	vst v4  }
0x206: {  	v3 =	vadd.f32 v8, v3;
	[tilespmem:s4+$0x8400] =	vst v5  }
0x207: {  	[tilespmem:s4+$0x8300] =	vst v6  }
0x208: {  	s8 =	sor.u32 $0x2380, s9;
	s9 =	smov.u32 s14;
	[tilespmem:s4+$0x8280] =	vst v3;
	v3 =	vld [tilespmem:s4+$0x2400]  }
0x209: {  	v4 =	vld [tilespmem:s8+$0x100];
	_ =	sdelay $0x4  }
0x20a: {  	v3 =	vadd.f32 v4, v3;
	_ =	sdelay $0x1  }
0x20b: {  	[tilespmem:s16+$0x8100] =	vst v3  }
0x20c: {  	v3 =	vld [tilespmem:s4+$0x4100]  }
0x20d: {  	v4 =	vld [tilespmem:s4+$0x4180]  }
0x20e: {  	v5 =	vld [tilespmem:s4+$0x4200]  }
0x20f: {  	v6 =	vld [tilespmem:s4+$0x4280]  }
0x210: {  	v7 =	vld [tilespmem:s4+$0x4300]  }
0x211: {  	v8 =	vld [tilespmem:s4+$0x6280]  }
0x212: {  	v3 =	vadd.f32 v4, v3;
	v4 =	vld [tilespmem:s4+$0x6200]  }
0x213: {  	v9 =	vld [tilespmem:s4+$0x6180]  }
0x214: {  	[tilespmem:s4+$0xA100] =	vst v3;
	v3 =	vadd.f32 v6, v5;
	v5 =	vld [tilespmem:s4+$0x6100]  }
0x215: {  	v6 =	vld [tilespmem:s4+$0x4380]  }
0x216: {  	[tilespmem:s4+$0xA180] =	vst v3;
	v10 =	vld [tilespmem:s4+$0x6300]  }
0x217: {  	v8 =	vadd.f32 v8, v4;
	v11 =	vld [tilespmem:s4+$0x6380]  }
0x218: {  	v3 =	vld [tilespmem:s4+$0x6400]  }
.Ltmp2:
0x219: {  	v4 =	vld [tilespmem:s4+$0x4480];
	v9 =	vadd.f32 v9, v5;
	[tilespmem:s4+$0xA380] =	vst v8;
	(pc) =	sbr.rel @p0 .LBB2_6-.Ltmp2, $4  }
0x21a: {  	v8 =	vadd.f32 v6, v7;
	v5 =	vld [tilespmem:s4+$0x4400]  }
0x21b: {  	v6 =	vld [tilespmem:s4+$0x6480]  }
0x21c: {  	[tilespmem:s4+$0xA300] =	vst v9;
	v7 =	vadd.f32 v11, v10  }
0x21d: {  	[tilespmem:s4+$0xA200] =	vst v8  }
0x21e: {  	_ = 	snop  }
0x21f: {  	v4 =	vadd.f32 v4, v5  }
0x220: {  	[tilespmem:s4+$0xA400] =	vst v7;
	v3 =	vadd.f32 v6, v3  }
0x221: {  	[tilespmem:s4+$0xA280] =	vst v4  }
0x222: {  	[tilespmem:s8+$0x8100] =	vst v3  }
0x223: {  	v3 =	vld [tilespmem:s10+$0x180]  }
0x224: {  	v4 =	vld [tilespmem:s10+$0x200]  }
0x225: {  	v5 =	vld [tilespmem:s10+$0x280]  }
0x226: {  	v6 =	vld [tilespmem:s10+$0x300]  }
0x227: {  	v7 =	vld [tilespmem:s10+$0x380]  }
0x228: {  	v8 =	vld [tilespmem:s10+$0x100]  }
0x229: {  	v9 =	vld [tilespmem:s10+$0x2180]  }
0x22a: {  	v10 =	vld [tilespmem:s10+$0x2100]  }
0x22b: {  	v11 =	vld [tilespmem:s10+$0x2280];
	v4 =	vadd.f32 v5, v4  }
0x22c: {  	v5 =	vld [tilespmem:s10+$0x2380];
	v6 =	vadd.f32 v7, v6  }
0x22d: {  	v3 =	vadd.f32 v3, v8;
	[tilespmem:s10+$0x8180] =	vst v4;
	v4 =	vld [tilespmem:s10+$0x2200]  }
0x22e: {  	[tilespmem:s10+$0x8200] =	vst v6;
	v6 =	vld [tilespmem:s10+$0x2300]  }
0x22f: {  	s11 =	sor.u32 $0x380, s9;
	[tilespmem:s10+$0x8100] =	vst v3;
	v3 =	vld [tilespmem:s10+$0x400]  }
0x230: {  	v7 =	vld [tilespmem:s11+$0x100];
	_ =	sdelay $0x1  }
0x231: {  	v4 =	vadd.f32 v11, v4  }
0x232: {  	v5 =	vadd.f32 v5, v6  }
0x233: {  	v6 =	vadd.f32 v9, v10;
	[tilespmem:s10+$0x8380] =	vst v4  }
0x234: {  	v3 =	vadd.f32 v7, v3;
	[tilespmem:s10+$0x8400] =	vst v5  }
0x235: {  	[tilespmem:s10+$0x8300] =	vst v6  }
0x236: {  	s12 =	sor.u32 $0x2380, s9;
	[tilespmem:s10+$0x8280] =	vst v3;
	v3 =	vld [tilespmem:s10+$0x2400]  }
0x237: {  	v4 =	vld [tilespmem:s12+$0x100];
	_ =	sdelay $0x4  }
0x238: {  	v3 =	vadd.f32 v4, v3;
	_ =	sdelay $0x1  }
0x239: {  	[tilespmem:s11+$0x8100] =	vst v3  }
0x23a: {  	v3 =	vld [tilespmem:s10+$0x4100]  }
0x23b: {  	v4 =	vld [tilespmem:s10+$0x4180]  }
0x23c: {  	v5 =	vld [tilespmem:s10+$0x4200]  }
0x23d: {  	v6 =	vld [tilespmem:s10+$0x4280]  }
0x23e: {  	v7 =	vld [tilespmem:s10+$0x4300]  }
0x23f: {  	v8 =	vld [tilespmem:s10+$0x6280]  }
0x240: {  	v54 =	vld [tilespmem:s10+$0x6180]  }
0x241: {  	v3 =	vadd.f32 v4, v3;
	v4 =	vld [tilespmem:s10+$0x6200]  }
0x242: {  	v55 =	vld [tilespmem:s10+$0x6380]  }
0x243: {  	v56 =	vld [tilespmem:s10+$0x4480]  }
0x244: {  	v12 =	vld [tilespmem:s10+$0x6480]  }
0x245: {  	[tilespmem:s10+$0xA100] =	vst v3;
	v3 =	vadd.f32 v6, v5;
	v5 =	vld [tilespmem:s10+$0x6100]  }
0x246: {  	v6 =	vld [tilespmem:s10+$0x4380];
	v4 =	vadd.f32 v8, v4  }
0x247: {  	[tilespmem:s10+$0xA180] =	vst v3;
	v3 =	vld [tilespmem:s10+$0x6300]  }
0x248: {  	[tilespmem:s10+$0xA380] =	vst v4;
	v4 =	vld [tilespmem:s10+$0x4400]  }
0x249: {  	v8 =	vld [tilespmem:s10+$0x6400]  }
0x24a: {  	v5 =	vadd.f32 v54, v5  }
0x24b: {  	v6 =	vadd.f32 v6, v7  }
0x24c: {  	[tilespmem:s10+$0xA300] =	vst v5;
	v3 =	vadd.f32 v55, v3  }
0x24d: {  	[tilespmem:s10+$0xA200] =	vst v6;
	v4 =	vadd.f32 v56, v4  }
0x24e: {  	[tilespmem:s10+$0xA400] =	vst v3;
	v3 =	vadd.f32 v12, v8  }
0x24f: {  	[tilespmem:s10+$0xA280] =	vst v4  }
0x250: {  	s14 =	simm.s32 $0x0;
	s15 =	rddreg [dreg:$0x6];
	[tilespmem:s12+$0x8100] =	vst v3  }
0x251: {  	[hbm4b:s15+s14] =	stream.linear.scatter [tilespmem:s0], [sflag:$0x2], $0x4000, $0x38;
	[tilespmem:$0xC100] =	vst v63  }
0x252: {  	_ =	swait.ge [sflag:s13], $0x4000  }
0x253: {  	[sflag:s13] =	ssyncset.done $0x0  }
0x254: {  	[sflag:s13] =	ssyncadd.s32 $0xFFFFC000  }
0x255: {  	v3 =	vld [tilespmem:$0x60];
	_ =	sdelay $0x4  }
0x256: {  	v4 =	vshll.u32 v3, $0x3  }
0x257: {  	v5 =	vand.u32 $0x7, v3;
	v4 =	vand.u32 $0xFFFFFFC0, v4  }
0x258: {  	v4 =	vor.u32 v5, v4  }
0x259: {  	v5 =	vperm.xlane v4, v0  }
0x25a: {  	v6 =	vld [tilespmem:$0x70]  }
0x25b: {  	v5 =	vadd.s32 v1, v5;
	_ =	sdelay $0x2  }
0x25c: {  	[tilespmem:$0x80] =	vst v3  }
0x25d: {  	s16 =	simm.s32 $0x100;
	[tilespmem:$0x90] =	vst v6  }
0x25e: {  	[tilespmem:s16], [sflag:$0x1] =	stream.indirect_vreg.gather [hbm4b:s3+s14], $0x80, v5, vm0, $0xb8;
	[tilespmem:$0xC100] =	vst v63  }
0x25f: {  	s9 =	simm.s32 $0x900;
	v3 =	vperm.xlane v4, v2  }
0x260: {  	[tilespmem:s9], [sflag:$0x1] =	stream.indirect_vreg.gather [hbm4b:s5+s14], $0x80, v5, vm0, $0xb8;
	[tilespmem:$0xC100] =	vst v63  }
0x261: {  	s10 =	simm.s32 $0x1100;
	v3 =	vadd.s32 v1, v3  }
0x262: {  	[tilespmem:s10], [sflag:$0x1] =	stream.indirect_vreg.gather [hbm4b:s6+s14], $0x80, v5, vm0, $0xb8;
	[tilespmem:$0xC100] =	vst v63  }
0x263: {  	_ = 	snop  }
0x264: {  	[tilespmem:s17], [sflag:$0x1] =	stream.indirect_vreg.gather [hbm4b:s7+s14], $0x80, v5, vm0, $0xb8;
	[tilespmem:$0xC100] =	vst v63  }
0x265: {  	_ = 	snop  }
0x266: {  	[tilespmem:s18], [sflag:$0x1] =	stream.indirect_vreg.gather [hbm4b:s3+s14], $0x80, v3, vm0, $0xb8;
	[tilespmem:$0xC100] =	vst v63  }
0x267: {  	_ = 	snop  }
0x268: {  	[tilespmem:s19], [sflag:$0x1] =	stream.indirect_vreg.gather [hbm4b:s5+s14], $0x80, v3, vm0, $0xb8;
	[tilespmem:$0xC100] =	vst v63  }
0x269: {  	_ = 	snop  }
0x26a: {  	[tilespmem:s20], [sflag:$0x1] =	stream.indirect_vreg.gather [hbm4b:s6+s14], $0x80, v3, vm0, $0xb8;
	[tilespmem:$0xC100] =	vst v63  }
0x26b: {  	_ = 	snop  }
0x26c: {  	[tilespmem:s21], [sflag:$0x1] =	stream.indirect_vreg.gather [hbm4b:s7+s14], $0x80, v3, vm0, $0xb8;
	[tilespmem:$0xC100] =	vst v63  }
0x26d: {  	v3 =	vld [tilespmem:$0x90];
	_ =	sdelay $0x4  }
0x26e: {  	v4 =	vshll.u32 v3, $0x3  }
0x26f: {  	v3 =	vand.u32 $0x7, v3;
	v4 =	vand.u32 $0xFFFFFFC0, v4  }
0x270: {  	v3 =	vor.u32 v3, v4  }
0x271: {  	v4 =	vperm.xlane v3, v0;
	_ =	sdelay $0x1  }
0x272: {  	v4 =	vadd.s32 v1, v4;
	_ =	sdelay $0x4  }
0x273: {  	[tilespmem:s22], [sflag:$0x1] =	stream.indirect_vreg.gather [hbm4b:s3+s14], $0x80, v4, vm0, $0xb8;
	[tilespmem:$0xC100] =	vst v63  }
0x274: {  	v3 =	vperm.xlane v3, v2  }
0x275: {  	[tilespmem:s23], [sflag:$0x1] =	stream.indirect_vreg.gather [hbm4b:s5+s14], $0x80, v4, vm0, $0xb8;
	[tilespmem:$0xC100] =	vst v63  }
0x276: {  	v3 =	vadd.s32 v1, v3  }
0x277: {  	[tilespmem:s24], [sflag:$0x1] =	stream.indirect_vreg.gather [hbm4b:s6+s14], $0x80, v4, vm0, $0xb8;
	[tilespmem:$0xC100] =	vst v63  }
0x278: {  	_ = 	snop  }
0x279: {  	[tilespmem:s25], [sflag:$0x1] =	stream.indirect_vreg.gather [hbm4b:s7+s14], $0x80, v4, vm0, $0xb8;
	[tilespmem:$0xC100] =	vst v63  }
0x27a: {  	_ = 	snop  }
0x27b: {  	[tilespmem:s26], [sflag:$0x1] =	stream.indirect_vreg.gather [hbm4b:s3+s14], $0x80, v3, vm0, $0xb8;
	[tilespmem:$0xC100] =	vst v63  }
0x27c: {  	_ = 	snop  }
0x27d: {  	[tilespmem:s28], [sflag:$0x1] =	stream.indirect_vreg.gather [hbm4b:s5+s14], $0x80, v3, vm0, $0xb8;
	[tilespmem:$0xC100] =	vst v63  }
0x27e: {  	_ = 	snop  }
0x27f: {  	[tilespmem:s29], [sflag:$0x1] =	stream.indirect_vreg.gather [hbm4b:s6+s14], $0x80, v3, vm0, $0xb8;
	[tilespmem:$0xC100] =	vst v63  }
0x280: {  	_ = 	snop  }
0x281: {  	[tilespmem:s30], [sflag:$0x1] =	stream.indirect_vreg.gather [hbm4b:s7+s14], $0x80, v3, vm0, $0xb8;
	[tilespmem:$0xC100] =	vst v63  }
0x282: {  	_ =	swait.ge [sflag:s31], $0x8000  }
0x283: {  	s11 =	sand.u32 $0x70, s14;
	s12 =	sand.u32 $0x1C00, s14;
	[sflag:s31] =	ssyncset.done $0x0  }
0x284: {  	s4 =	sor.u32 s11, s12;
	[sflag:s31] =	ssyncadd.s32 $0xFFFF8000  }
0x285: {  	v3 =	vld [tilespmem:s4+$0x180]  }
0x286: {  	v4 =	vld [tilespmem:s4+$0x200]  }
0x287: {  	v5 =	vld [tilespmem:s4+$0x280]  }
0x288: {  	v6 =	vld [tilespmem:s4+$0x300]  }
0x289: {  	v7 =	vld [tilespmem:s4+$0x380]  }
0x28a: {  	v8 =	vld [tilespmem:s4+$0x100]  }
0x28b: {  	v57 =	vld [tilespmem:s4+$0x2180]  }
0x28c: {  	v58 =	vld [tilespmem:s4+$0x2100]  }
0x28d: {  	v59 =	vld [tilespmem:s4+$0x2280];
	v4 =	vadd.f32 v5, v4  }
0x28e: {  	v5 =	vld [tilespmem:s4+$0x2380];
	v6 =	vadd.f32 v7, v6  }
0x28f: {  	v3 =	vadd.f32 v3, v8;
	[tilespmem:s4+$0x8180] =	vst v4;
	v4 =	vld [tilespmem:s4+$0x2200]  }
0x290: {  	s8 =	sor.u32 s14, s14;
	[tilespmem:s4+$0x8200] =	vst v6;
	v6 =	vld [tilespmem:s4+$0x2300]  }
0x291: {  	s14 =	sor.u32 $0x380, s8;
	[tilespmem:s4+$0x8100] =	vst v3;
	v3 =	vld [tilespmem:s4+$0x400]  }
0x292: {  	v7 =	vld [tilespmem:s14+$0x100];
	_ =	sdelay $0x1  }
0x293: {  	v4 =	vadd.f32 v59, v4  }
0x294: {  	v5 =	vadd.f32 v5, v6  }
0x295: {  	v6 =	vadd.f32 v57, v58;
	[tilespmem:s4+$0x8380] =	vst v4  }
0x296: {  	v3 =	vadd.f32 v7, v3;
	[tilespmem:s4+$0x8400] =	vst v5  }
0x297: {  	[tilespmem:s4+$0x8300] =	vst v6  }
0x298: {  	s8 =	sor.u32 $0x2380, s8;
	[tilespmem:s4+$0x8280] =	vst v3;
	v3 =	vld [tilespmem:s4+$0x2400]  }
0x299: {  	v4 =	vld [tilespmem:s8+$0x100];
	_ =	sdelay $0x4  }
0x29a: {  	v3 =	vadd.f32 v4, v3;
	_ =	sdelay $0x1  }
0x29b: {  	[tilespmem:s14+$0x8100] =	vst v3  }
0x29c: {  	v3 =	vld [tilespmem:s4+$0x4100]  }
0x29d: {  	v4 =	vld [tilespmem:s4+$0x4180]  }
0x29e: {  	v5 =	vld [tilespmem:s4+$0x4200]  }
0x29f: {  	v6 =	vld [tilespmem:s4+$0x4280]  }
0x2a0: {  	v7 =	vld [tilespmem:s4+$0x4300]  }
0x2a1: {  	v8 =	vld [tilespmem:s4+$0x6280]  }
0x2a2: {  	v3 =	vadd.f32 v4, v3;
	v4 =	vld [tilespmem:s4+$0x6200]  }
0x2a3: {  	v60 =	vld [tilespmem:s4+$0x6180]  }
0x2a4: {  	[tilespmem:s4+$0xA100] =	vst v3;
	v3 =	vadd.f32 v6, v5;
	v5 =	vld [tilespmem:s4+$0x6100]  }
0x2a5: {  	v6 =	vld [tilespmem:s4+$0x4380]  }
0x2a6: {  	v61 =	vld [tilespmem:s4+$0x6300]  }
0x2a7: {  	v62 =	vld [tilespmem:s4+$0x6380];
	v8 =	vadd.f32 v8, v4  }
0x2a8: {  	[tilespmem:s4+$0xA180] =	vst v3;
	v3 =	vld [tilespmem:s4+$0x6400]  }
0x2a9: {  	v4 =	vld [tilespmem:s4+$0x4480];
	[tilespmem:s4+$0xA380] =	vst v8;
	v8 =	vadd.f32 v60, v5  }
0x2aa: {  	s15 =	simm.s32 $0x10;
	s11 =	simm.s32 $0x80;
	v5 =	vld [tilespmem:s4+$0x4400];
	v63 =	vadd.f32 v6, v7  }
0x2ab: {  	s12 =	sand.u32 $0x1C00, s11;
	s16 =	sand.u32 $0x70, s15;
	v6 =	vld [tilespmem:s4+$0x6480];
	[tilespmem:s4+$0xA300] =	vst v8  }
0x2ac: {  	s9 =	sor.u32 s15, s11;
	s10 =	sor.u32 s16, s12;
	s12 =	simm.s32 $0x20;
	v7 =	vadd.f32 v62, v61;
	[tilespmem:s4+$0xA200] =	vst v63  }
.LBB2_8:
0x2ad: {  	p0 =	sne.s32 s12, $0x3F0  }
0x2ae: {  	s11 =	sadd.s32 $0x80, s11;
	[tilespmem:s4+$0xA400] =	vst v7;
	s15 =	smov.u32 s12;
	s12 =	sadd.s32 $0x10, s12  }
0x2af: {  	s14 =	sor.u32 s15, s11;
	v4 =	vadd.f32 v4, v5  }
0x2b0: {  	v3 =	vadd.f32 v6, v3  }
0x2b1: {  	[tilespmem:s4+$0xA280] =	vst v4;
	s4 =	smov.u32 s10  }
0x2b2: {  	[tilespmem:s8+$0x8100] =	vst v3  }
0x2b3: {  	v3 =	vld [tilespmem:s4+$0x180]  }
0x2b4: {  	v4 =	vld [tilespmem:s4+$0x200]  }
0x2b5: {  	v5 =	vld [tilespmem:s4+$0x280]  }
0x2b6: {  	v6 =	vld [tilespmem:s4+$0x300]  }
0x2b7: {  	v7 =	vld [tilespmem:s4+$0x380]  }
0x2b8: {  	v8 =	vld [tilespmem:s4+$0x100]  }
0x2b9: {  	v9 =	vld [tilespmem:s4+$0x2180]  }
0x2ba: {  	v10 =	vld [tilespmem:s4+$0x2100]  }
0x2bb: {  	v4 =	vadd.f32 v5, v4;
	v5 =	vld [tilespmem:s4+$0x2380]  }
0x2bc: {  	v6 =	vadd.f32 v7, v6;
	v7 =	vld [tilespmem:s4+$0x2280]  }
0x2bd: {  	v3 =	vadd.f32 v3, v8;
	[tilespmem:s4+$0x8180] =	vst v4;
	v4 =	vld [tilespmem:s4+$0x2200]  }
0x2be: {  	[tilespmem:s4+$0x8200] =	vst v6;
	v6 =	vld [tilespmem:s4+$0x2300]  }
0x2bf: {  	s16 =	sor.u32 $0x380, s9;
	[tilespmem:s4+$0x8100] =	vst v3;
	v3 =	vld [tilespmem:s4+$0x400]  }
0x2c0: {  	s10 =	sand.u32 $0x1C00, s11;
	s8 =	sand.u32 $0x70, s15;
	v8 =	vld [tilespmem:s16+$0x100]  }
0x2c1: {  	s10 =	sor.u32 s8, s10  }
0x2c2: {  	v4 =	vadd.f32 v7, v4  }
0x2c3: {  	v5 =	vadd.f32 v5, v6  }
0x2c4: {  	v6 =	vadd.f32 v9, v10;
	[tilespmem:s4+$0x8380] =	vst v4  }
0x2c5: {  	v3 =	vadd.f32 v8, v3;
	[tilespmem:s4+$0x8400] =	vst v5  }
0x2c6: {  	[tilespmem:s4+$0x8300] =	vst v6  }
0x2c7: {  	s8 =	sor.u32 $0x2380, s9;
	s9 =	smov.u32 s14;
	[tilespmem:s4+$0x8280] =	vst v3;
	v3 =	vld [tilespmem:s4+$0x2400]  }
0x2c8: {  	v4 =	vld [tilespmem:s8+$0x100];
	_ =	sdelay $0x4  }
0x2c9: {  	v3 =	vadd.f32 v4, v3;
	_ =	sdelay $0x1  }
0x2ca: {  	[tilespmem:s16+$0x8100] =	vst v3  }
0x2cb: {  	v3 =	vld [tilespmem:s4+$0x4100]  }
0x2cc: {  	v4 =	vld [tilespmem:s4+$0x4180]  }
0x2cd: {  	v5 =	vld [tilespmem:s4+$0x4200]  }
0x2ce: {  	v6 =	vld [tilespmem:s4+$0x4280]  }
0x2cf: {  	v7 =	vld [tilespmem:s4+$0x4300]  }
0x2d0: {  	v8 =	vld [tilespmem:s4+$0x6280]  }
0x2d1: {  	v3 =	vadd.f32 v4, v3;
	v4 =	vld [tilespmem:s4+$0x6200]  }
0x2d2: {  	v9 =	vld [tilespmem:s4+$0x6180]  }
0x2d3: {  	[tilespmem:s4+$0xA100] =	vst v3;
	v3 =	vadd.f32 v6, v5;
	v5 =	vld [tilespmem:s4+$0x6100]  }
0x2d4: {  	v6 =	vld [tilespmem:s4+$0x4380]  }
0x2d5: {  	[tilespmem:s4+$0xA180] =	vst v3;
	v10 =	vld [tilespmem:s4+$0x6300]  }
0x2d6: {  	v8 =	vadd.f32 v8, v4;
	v11 =	vld [tilespmem:s4+$0x6380]  }
0x2d7: {  	v3 =	vld [tilespmem:s4+$0x6400]  }
.Ltmp3:
0x2d8: {  	v4 =	vld [tilespmem:s4+$0x4480];
	v9 =	vadd.f32 v9, v5;
	[tilespmem:s4+$0xA380] =	vst v8;
	(pc) =	sbr.rel @p0 .LBB2_8-.Ltmp3, $4  }
0x2d9: {  	v8 =	vadd.f32 v6, v7;
	v5 =	vld [tilespmem:s4+$0x4400]  }
0x2da: {  	v6 =	vld [tilespmem:s4+$0x6480]  }
0x2db: {  	[tilespmem:s4+$0xA300] =	vst v9;
	v7 =	vadd.f32 v11, v10  }
0x2dc: {  	[tilespmem:s4+$0xA200] =	vst v8  }
0x2dd: {  	_ = 	snop  }
0x2de: {  	v4 =	vadd.f32 v4, v5  }
0x2df: {  	[tilespmem:s4+$0xA400] =	vst v7;
	v3 =	vadd.f32 v6, v3  }
0x2e0: {  	[tilespmem:s4+$0xA280] =	vst v4  }
0x2e1: {  	[tilespmem:s8+$0x8100] =	vst v3  }
0x2e2: {  	v3 =	vld [tilespmem:s10+$0x180]  }
0x2e3: {  	v4 =	vld [tilespmem:s10+$0x200]  }
0x2e4: {  	v44 =	vld [tilespmem:s10+$0x280]  }
0x2e5: {  	v45 =	vld [tilespmem:s10+$0x300]  }
0x2e6: {  	v7 =	vld [tilespmem:s10+$0x380]  }
0x2e7: {  	v8 =	vld [tilespmem:s10+$0x100]  }
0x2e8: {  	v9 =	vld [tilespmem:s10+$0x2180]  }
0x2e9: {  	v10 =	vld [tilespmem:s10+$0x2100]  }
0x2ea: {  	v46 =	vld [tilespmem:s10+$0x2380];
	v4 =	vadd.f32 v44, v4  }
0x2eb: {  	v11 =	vld [tilespmem:s10+$0x2280];
	v6 =	vadd.f32 v7, v45  }
0x2ec: {  	v48 =	vld [tilespmem:s10+$0x2300];
	v3 =	vadd.f32 v3, v8;
	[tilespmem:s10+$0x8180] =	vst v4  }
0x2ed: {  	v47 =	vld [tilespmem:s10+$0x2200];
	[tilespmem:s10+$0x8200] =	vst v6  }
0x2ee: {  	s12 =	sor.u32 $0x380, s9;
	[tilespmem:s10+$0x8100] =	vst v3;
	v3 =	vld [tilespmem:s10+$0x400]  }
0x2ef: {  	v49 =	vld [tilespmem:s12+$0x100];
	_ =	sdelay $0x1  }
0x2f0: {  	v5 =	vadd.f32 v46, v48  }
0x2f1: {  	v50 =	vadd.f32 v9, v10  }
0x2f2: {  	v4 =	vadd.f32 v11, v47;
	[tilespmem:s10+$0x8400] =	vst v5  }
0x2f3: {  	[tilespmem:s10+$0x8300] =	vst v50;
	v3 =	vadd.f32 v49, v3  }
0x2f4: {  	[tilespmem:s10+$0x8380] =	vst v4  }
0x2f5: {  	s14 =	sor.u32 $0x2380, s9;
	[tilespmem:s10+$0x8280] =	vst v3;
	v3 =	vld [tilespmem:s10+$0x2400]  }
0x2f6: {  	v4 =	vld [tilespmem:s14+$0x100];
	_ =	sdelay $0x4  }
0x2f7: {  	v3 =	vadd.f32 v4, v3;
	_ =	sdelay $0x1  }
0x2f8: {  	[tilespmem:s12+$0x8100] =	vst v3  }
0x2f9: {  	v3 =	vld [tilespmem:s10+$0x4100]  }
0x2fa: {  	v51 =	vld [tilespmem:s10+$0x4180]  }
0x2fb: {  	v52 =	vld [tilespmem:s10+$0x4200]  }
0x2fc: {  	v53 =	vld [tilespmem:s10+$0x4280]  }
0x2fd: {  	v54 =	vld [tilespmem:s10+$0x4300]  }
0x2fe: {  	v55 =	vld [tilespmem:s10+$0x6280]  }
0x2ff: {  	v56 =	vld [tilespmem:s10+$0x6200]  }
0x300: {  	v57 =	vld [tilespmem:s10+$0x6180]  }
0x301: {  	v58 =	vld [tilespmem:s10+$0x6100]  }
0x302: {  	v59 =	vld [tilespmem:s10+$0x4380];
	v3 =	vadd.f32 v51, v3  }
0x303: {  	v60 =	vld [tilespmem:s10+$0x6380]  }
0x304: {  	v61 =	vld [tilespmem:s10+$0x6400];
	[tilespmem:s10+$0xA100] =	vst v3;
	v3 =	vadd.f32 v53, v52  }
0x305: {  	v62 =	vld [tilespmem:s10+$0x4480]  }
0x306: {  	[tilespmem:s10+$0xA180] =	vst v3;
	v3 =	vld [tilespmem:s10+$0x6300]  }
0x307: {  	v63 =	vld [tilespmem:s10+$0x4400]  }
0x308: {  	v12 =	vld [tilespmem:s10+$0x6480];
	v4 =	vadd.f32 v55, v56  }
0x309: {  	v5 =	vadd.f32 v57, v58  }
0x30a: {  	v6 =	vadd.f32 v59, v54;
	[tilespmem:s10+$0xA380] =	vst v4  }
0x30b: {  	[tilespmem:s10+$0xA300] =	vst v5;
	v3 =	vadd.f32 v60, v3  }
0x30c: {  	[tilespmem:s10+$0xA200] =	vst v6;
	v4 =	vadd.f32 v62, v63  }
0x30d: {  	[tilespmem:s10+$0xA400] =	vst v3;
	v3 =	vadd.f32 v12, v61  }
0x30e: {  	[tilespmem:s10+$0xA280] =	vst v4  }
0x30f: {  	s15 =	rddreg [dreg:$0x7];
	[tilespmem:s14+$0x8100] =	vst v3  }
0x310: {  	[hbm4b:s15+s2] =	stream.linear.scatter [tilespmem:s0], [sflag:$0x2], $0x4000, $0x38;
	[tilespmem:$0xC100] =	vst v63  }
0x311: {  	_ =	swait.ge [sflag:s13], $0x4000  }
0x312: {  	s1 =	sadd.s32 $0x1, s1;
	s16 =	rddreg [dreg:$0x8]  }
0x313: {  	p0 =	sne.s32 s1, s16  }
.Ltmp4:
0x314: {  	_ = 	snop;
	(pc) =	sbr.rel @p0 .LBB2_1-.Ltmp4, $3  }
0x315: {  	_ =	sdelay $0x1  }
0x316: {  	[sflag:s13] =	ssyncset.done $0x0  }
0x317: {  	[sflag:s13] =	ssyncadd.s32 $0xFFFFC000  }
0x318: {  	_ =	sfence.sel $0x180000  }
0x319: {  	[bflag:$0x0] =	sbarrier.arrive $0xFFFF  }
0x31a: {  	_ =	strace $0x9000004A  }
0x31b: {  	s0 =	stileid.u32;
	[bflag:$0x2] =	sbarrier.arrive $0xFFFF  }
0x31c: {  	p0 =	sne.s32 s0, $0x0;
	s0 =	rddreg [dreg:$0x2]  }
0x31d: {  	s0 =	sadd.s32 @!p0 $0x100000, s0  }
0x31e: {  	[sflag:s0] =	ssyncadd.tile.s32 @!p0 $0x1;
	_ =	shalt  }
.Lfunc_end2:
_tile_overlayer_lowered:
.L_overlay_start_2:
0x31f: {  	(tag) =	ssettag $0x2  }
0x320: {  	s0 =	rddreg [dreg:$0x0];
	s2 =	stileid.u32  }
0x321: {  	s1 =	rddreg [dreg:$0x1];
	p0 =	sne.s32 s2, $0x0  }
0x322: {  	s3 =	rddreg [dreg:$0x2];
	[bflag:$0x3] =	sbarrier.arrive $0xFFFF;
	s2 =	simm.s32 @!p0 $0x1C02  }
0x323: {  	[timem:s3], [sflag:s2] =	dma.local @!p0 [hbm:s0], s1  }
0x324: {  	s0 =	simm.s32 @!p0 $0x2  }
0x325: {  	_ =	swait.ge @!p0 [sflag:s0], s1  }
0x326: {  	s1 =	ssub.s32 @!p0 $0x0, s1;
	[sflag:s0] =	ssyncset.done @!p0 $0x0  }
0x327: {  	[sflag:s0] =	ssyncadd.s32 @!p0 s1  }
0x328: {  	[bflag:$0x3] =	sbarrier.arrive $0xFFFF  }
0x329: {  	_ =	shalt  }

</sc_bundles>
